<compile_context>
chip_gen: v7x
topology: tpu7x:2x2x1
jax: 0.10.2.dev20260603
libtpu: 0.0.44.dev20260713+nightly
codegen_flags: <defaults>
</compile_context>

<pallas_src>
import jax
import jax.numpy as jnp
from jax import lax
from jax.experimental import pallas as pl
from jax.experimental.pallas import tpu as pltpu
from jax.experimental.pallas import tpu_sc as plsc

_NC = 2
_NS = 16
_NW = _NC * _NS
_B = 128
_GB = 20
_NG = 4

_SC_PARAMS = pltpu.CompilerParams(use_tc_tiling_on_sc=False)


def _fill_vmem(buf, rows, width, vec):
    @pl.loop(0, rows)
    def _(r):
        for k in range(width // 16):
            buf[r, pl.ds(16 * k, 16)] = vec


def _copy_tiles(src_buf, dst_ref, base, total, step):
    nfull = total // step
    rem = total - nfull * step

    @pl.loop(0, nfull)
    def _(i):
        pltpu.sync_copy(src_buf, dst_ref.at[pl.ds(base + i * step, step)])

    if rem:
        pltpu.sync_copy(src_buf.at[pl.ds(0, rem)],
                        dst_ref.at[pl.ds(base + nfull * step, rem)])


def _make_agg(N, D, n_real, with_cnt):
    npw = N // _NS
    cpw = _NG * _GB
    mesh = plsc.VectorSubcoreMesh(core_axis_name="c", subcore_axis_name="s")
    out_type = [jax.ShapeDtypeStruct((N, D), jnp.float32),
                jax.ShapeDtypeStruct((N, D), jnp.float32)]
    scratch = (
        [pltpu.VMEM((_GB, _B), jnp.int32)] * 2
        + [pltpu.VMEM((_B, D), jnp.float32)] * 2
        + [pltpu.VMEM_SHARED((N, D), jnp.float32)]
        + [pltpu.SemaphoreType.DMA] * 2
    )
    if with_cnt:
        out_type += [jax.ShapeDtypeStruct((N, 16), jnp.float32),
                     jax.ShapeDtypeStruct((N, 16), jnp.float32)]
        scratch += [pltpu.VMEM((_B, 16), jnp.float32),
                    pltpu.VMEM((16, 16), jnp.float32),
                    pltpu.VMEM_SHARED((N, 16), jnp.float32),
                    pltpu.SemaphoreType.DMA,
                    pltpu.SemaphoreType.DMA]

    def body(src_hbm, dst_hbm, h_hbm, out0, out1, *rest):
        if with_cnt:
            (cnt_o0, cnt_o1, src_v, dst_v, buf0, buf1, acc, sem0, sem1,
             ones_v, z16_v, cnt, csem0, csem1) = rest
        else:
            (src_v, dst_v, buf0, buf1, acc, sem0, sem1) = rest
        cid = lax.axis_index("c")
        sid = lax.axis_index("s")
        wid = cid * _NS + sid

        _fill_vmem(buf0, _B, D, jnp.zeros((16,), jnp.float32))
        _copy_tiles(buf0, acc, sid * npw, npw, _B)
        if with_cnt:
            _fill_vmem(ones_v, _B, 16, jnp.ones((16,), jnp.float32))
            _fill_vmem(z16_v, 16, 16, jnp.zeros((16,), jnp.float32))
            _copy_tiles(z16_v, cnt, sid * npw, npw, 16)
        plsc.subcore_barrier()

        def gather(j, buf, sem):
            pltpu.async_copy(h_hbm.at[src_v.at[j]], buf, sem)
            if with_cnt:
                csem = csem0 if buf is buf0 else csem1
                pltpu.async_copy(ones_v, cnt.at[dst_v.at[j]], csem, add=True)

        def wait_g(buf, sem):
            pltpu.make_async_copy(h_hbm.at[src_v.at[0]], buf, sem).wait()
            if with_cnt:
                csem = csem0 if buf is buf0 else csem1
                pltpu.make_async_copy(ones_v, cnt.at[dst_v.at[0]],
                                      csem).wait()

        def scat(j, buf):
            pass

        @pl.loop(0, _NG)
        def _(g):
            base = wid * cpw + g * _GB

            @pl.when(base < n_real)
            def _():
                pltpu.sync_copy(src_hbm.at[pl.ds(base, _GB)], src_v)
                pltpu.sync_copy(dst_hbm.at[pl.ds(base, _GB)], dst_v)
                gather(0, buf0, sem0)
                gather(1, buf1, sem1)

                @pl.loop(0, (_GB - 2) // 2)
                def _(t):
                    j = 2 * t
                    wait_g(buf0, sem0)
                    scat(j, buf0)
                    gather(j + 2, buf0, sem0)
                    wait_g(buf1, sem1)
                    scat(j + 1, buf1)
                    gather(j + 3, buf1, sem1)

                wait_g(buf0, sem0)
                scat(_GB - 2, buf0)
                wait_g(buf1, sem1)
                scat(_GB - 1, buf1)

        plsc.subcore_barrier()

        @pl.when(cid == 0)
        def _():
            pltpu.sync_copy(acc.at[pl.ds(sid * npw, npw)],
                            out0.at[pl.ds(sid * npw, npw)])
            if with_cnt:
                pltpu.sync_copy(cnt.at[pl.ds(sid * npw, npw)],
                                cnt_o0.at[pl.ds(sid * npw, npw)])

        @pl.when(cid == 1)
        def _():
            pltpu.sync_copy(acc.at[pl.ds(sid * npw, npw)],
                            out1.at[pl.ds(sid * npw, npw)])
            if with_cnt:
                pltpu.sync_copy(cnt.at[pl.ds(sid * npw, npw)],
                                cnt_o1.at[pl.ds(sid * npw, npw)])

    return pl.kernel(body, out_type=out_type, mesh=mesh,
                     scratch_types=scratch, compiler_params=_SC_PARAMS)


def _mm_body(a0_ref, a1_ref, c0_ref, c1_ref, h_ref, wlr_ref, bl_ref,
             pre_ref, act_ref):
    s = a0_ref[...] + a1_ref[...]
    cnt = c0_ref[...] + c1_ref[...]
    r = 1.0 / jnp.maximum(cnt[:, 0:1], 1.0)
    m = s * r
    mh = jnp.concatenate([m, h_ref[...]], axis=1)
    pre = (jnp.dot(mh, wlr_ref[...], preferred_element_type=jnp.float32)
           + bl_ref[...])
    pre_ref[...] = pre
    act_ref[...] = jnp.maximum(pre, 0.0)


def _mm(a0, a1, c0, c1, h, Wl, Wr, bl):
    N, D = h.shape
    R = 1000
    wlr = jnp.concatenate([Wl, Wr], axis=0)
    return pl.pallas_call(
        _mm_body,
        grid=(N // R,),
        in_specs=[
            pl.BlockSpec((R, D), lambda i: (i, 0)),
            pl.BlockSpec((R, D), lambda i: (i, 0)),
            pl.BlockSpec((R, 16), lambda i: (i, 0)),
            pl.BlockSpec((R, 16), lambda i: (i, 0)),
            pl.BlockSpec((R, D), lambda i: (i, 0)),
            pl.BlockSpec((2 * D, D), lambda i: (0, 0)),
            pl.BlockSpec((1, D), lambda i: (0, 0)),
        ],
        out_specs=[pl.BlockSpec((R, D), lambda i: (i, 0)),
                   pl.BlockSpec((R, D), lambda i: (i, 0))],
        out_shape=[jax.ShapeDtypeStruct((N, D), jnp.float32),
                   jax.ShapeDtypeStruct((N, D), jnp.float32)],
    )(a0, a1, c0, c1, h, wlr, bl.reshape(1, D))


def kernel(x, edge_index, Wl0, bl0, Wr0, Wl1, bl1, Wr1, Wl2, bl2, Wr2):
    N, D = x.shape
    E = edge_index.shape[1]
    n_real = E // _B
    src = edge_index[0].reshape(n_real, _B)
    dst = edge_index[1].reshape(n_real, _B)

    agg_cnt = _make_agg(N, D, n_real, True)
    agg = _make_agg(N, D, n_real, False)

    a0, a1, c0, c1 = agg_cnt(src, dst, x)
    pre0, h1 = _mm(a0, a1, c0, c1, x, Wl0, Wr0, bl0)
    a0, a1 = agg(src, dst, h1)
    pre1, h2 = _mm(a0, a1, c0, c1, h1, Wl1, Wr1, bl1)
    a0, a1 = agg(src, dst, h2)
    pre2, _ = _mm(a0, a1, c0, c1, h2, Wl2, Wr2, bl2)
    return (pre2, pre1)

# --- scband reference (transcript-rebuilt; emitter-appended) ---
"""Pipeline reference for scband-sagefc-75849122447577 (READ-ONLY COPY).

The authoritative reference and input builder live on the scoring server;
editing this copy changes nothing except your own understanding.
"""

import jax, jax.numpy as jnp
import numpy as np

N = 10000
E = 320000
D = 128
NUM_LAYERS = 3

def _make_lin(key, fin, fout):
    return jax.random.normal(key, (fin, fout), dtype=jnp.float32) * (1.0 / np.sqrt(fin))

def setup_inputs(seed: int = 0) -> dict:
    key = jax.random.key(seed)
    ks = jax.random.split(key, 2 + 3 * NUM_LAYERS)
    x = jax.random.normal(ks[0], (N, D), dtype=jnp.float32)
    edge_index = jax.random.randint(ks[1], (2, E), 0, N, dtype=jnp.int32)
    inp = {"x": x, "edge_index": edge_index}
    for l in range(NUM_LAYERS):
        inp[f"Wl{l}"] = _make_lin(ks[2 + 3 * l], D, D)
        inp[f"bl{l}"] = jnp.zeros((D,), dtype=jnp.float32)
        inp[f"Wr{l}"] = _make_lin(ks[3 + 3 * l], D, D)
    return inp

def _sage_conv(x, edge_index, Wl, bl, Wr):
    # PyG SAGEConv with mean aggregation:
    #   out = lin_l(mean_{j in N(i)} x_j) + lin_r(x_i)
    src = edge_index[0]
    dst = edge_index[1]
    msgs = jnp.take(x, src, axis=0)                                   # gather: [E, D]
    summed = jax.ops.segment_sum(msgs, dst, num_segments=x.shape[0])  # scatter-add: [N, D]
    ones = jnp.ones((src.shape[0], 1), dtype=x.dtype)
    cnt = jax.ops.segment_sum(ones, dst, num_segments=x.shape[0])     # degree count
    mean = summed / jnp.clip(cnt, 1.0)
    return mean @ Wl + bl + x @ Wr

def reference(x, edge_index, Wl0, bl0, Wr0, Wl1, bl1, Wr1, Wl2, bl2, Wr2):
    params = [(Wl0, bl0, Wr0), (Wl1, bl1, Wr1), (Wl2, bl2, Wr2)]
    h = x
    h_out = None
    for i, (Wl, bl, Wr) in enumerate(params):
        h = _sage_conv(h, edge_index, Wl, bl, Wr)
        if i != NUM_LAYERS - 1:
            h_out = h
            h = jax.nn.relu(h)
            # dropout is identity in eval mode
    return (h, h_out)

if __name__ == "__main__":
    import jax
    _d = setup_inputs()
    print(jax.jit(kernel)(*tuple(_d.values())))

</pallas_src>

<mosaic_0001>
#map = affine_map<(d0, d1) -> (0, 0)>
module attributes {stable_mosaic.version = 14 : i64} {
  func.func @body(%arg0: i32, %arg1: i32, %arg2: memref<2500x128xi32, #tpu.memory_space<hbm>>, %arg3: memref<2500x128xi32, #tpu.memory_space<hbm>>, %arg4: memref<10000x128xf32, #tpu.memory_space<hbm>>, %arg5: memref<10000x128xf32, #tpu.memory_space<hbm>>, %arg6: memref<10000x128xf32, #tpu.memory_space<hbm>>, %arg7: memref<10000x16xf32, #tpu.memory_space<hbm>>, %arg8: memref<10000x16xf32, #tpu.memory_space<hbm>>, %arg9: memref<20x128xi32, #tpu.memory_space<vmem>>, %arg10: memref<20x128xi32, #tpu.memory_space<vmem>>, %arg11: memref<128x128xf32, #tpu.memory_space<vmem>>, %arg12: memref<128x128xf32, #tpu.memory_space<vmem>>, %arg13: memref<10000x128xf32, #tpu.memory_space<vmem_shared>>, %arg14: memref<!tpu.dma_semaphore, #tpu.memory_space<semaphore_mem>>, %arg15: memref<!tpu.dma_semaphore, #tpu.memory_space<semaphore_mem>>, %arg16: memref<128x16xf32, #tpu.memory_space<vmem>>, %arg17: memref<16x16xf32, #tpu.memory_space<vmem>>, %arg18: memref<10000x16xf32, #tpu.memory_space<vmem_shared>>, %arg19: memref<!tpu.dma_semaphore, #tpu.memory_space<semaphore_mem>>, %arg20: memref<!tpu.dma_semaphore, #tpu.memory_space<semaphore_mem>>) attributes {dimension_semantics = [#tpu.dimension_semantics<core_parallel>, #tpu.dimension_semantics<subcore_parallel>], iteration_bounds = array<i64: 2, 16>, scalar_prefetch = 0 : i64, scratch_operands = 12 : i64, tpu.core_type = #tpu.core_type<sc_vector_subcore>, window_params = [{transform_indices = #map}, {transform_indices = #map}, {transform_indices = #map}, {transform_indices = #map}, {transform_indices = #map}, {transform_indices = #map}, {transform_indices = #map}]} {
    %mul3A = arith.constant 16 : i32
    %mul3A_0 = arith.muli %arg0, %mul3A : i32
    %add3A = arith.addi %mul3A_0, %arg1 : i32
    %broadcast_in_dim3A = arith.constant 0.000000e+00 : f32
    %broadcast_in_dim3A_1 = vector.broadcast %broadcast_in_dim3A : f32 to vector<16xf32>
    %scan3A = arith.constant 0 : i32
    %scan3A_2 = arith.constant 128 : i32
    %scan3A_3 = arith.addi %scan3A, %scan3A_2 : i32
    %scan3A_4 = arith.constant 1 : i32
    scf.for %scan3A_51 = %scan3A to %scan3A_3 step %scan3A_4  : i32 {
      %mul3A_52 = arith.constant 1 : i32
      %mul3A_53 = arith.muli %scan3A_51, %mul3A_52 : i32
      %add3A_54 = arith.constant 0 : i32
      %add3A_55 = arith.addi %add3A_54, %mul3A_53 : i32
      %swap3A = arith.index_cast %add3A_55 : i32 to index
      %swap3A_56 = arith.constant 0 : index
      %swap3A_57 = tpu.vector_load %arg11[%swap3A, %swap3A_56] {strides = array<i32>} : memref<128x128xf32, #tpu.memory_space<vmem>>, vector<1x16xf32>,
      %swap3A_58 = vector.shape_cast %swap3A_57 : vector<1x16xf32> to vector<16xf32>
      %swap3A_59 = vector.shape_cast %broadcast_in_dim3A_1 : vector<16xf32> to vector<1x16xf32>
      tpu.vector_store %arg11[%swap3A, %swap3A_56], %swap3A_59 {strides = array<i32>} : memref<128x128xf32, #tpu.memory_space<vmem>>, vector<1x16xf32>,
      %swap3A_60 = arith.index_cast %add3A_55 : i32 to index
      %swap3A_61 = arith.constant 16 : index
      %swap3A_62 = tpu.vector_load %arg11[%swap3A_60, %swap3A_61] {strides = array<i32>} : memref<128x128xf32, #tpu.memory_space<vmem>>, vector<1x16xf32>,
      %swap3A_63 = vector.shape_cast %swap3A_62 : vector<1x16xf32> to vector<16xf32>
      %swap3A_64 = vector.shape_cast %broadcast_in_dim3A_1 : vector<16xf32> to vector<1x16xf32>
      tpu.vector_store %arg11[%swap3A_60, %swap3A_61], %swap3A_64 {strides = array<i32>} : memref<128x128xf32, #tpu.memory_space<vmem>>, vector<1x16xf32>,
      %swap3A_65 = arith.index_cast %add3A_55 : i32 to index
      %swap3A_66 = arith.constant 32 : index
      %swap3A_67 = tpu.vector_load %arg11[%swap3A_65, %swap3A_66] {strides = array<i32>} : memref<128x128xf32, #tpu.memory_space<vmem>>, vector<1x16xf32>,
      %swap3A_68 = vector.shape_cast %swap3A_67 : vector<1x16xf32> to vector<16xf32>
      %swap3A_69 = vector.shape_cast %broadcast_in_dim3A_1 : vector<16xf32> to vector<1x16xf32>
      tpu.vector_store %arg11[%swap3A_65, %swap3A_66], %swap3A_69 {strides = array<i32>} : memref<128x128xf32, #tpu.memory_space<vmem>>, vector<1x16xf32>,
      %swap3A_70 = arith.index_cast %add3A_55 : i32 to index
      %swap3A_71 = arith.constant 48 : index
      %swap3A_72 = tpu.vector_load %arg11[%swap3A_70, %swap3A_71] {strides = array<i32>} : memref<128x128xf32, #tpu.memory_space<vmem>>, vector<1x16xf32>,
      %swap3A_73 = vector.shape_cast %swap3A_72 : vector<1x16xf32> to vector<16xf32>
      %swap3A_74 = vector.shape_cast %broadcast_in_dim3A_1 : vector<16xf32> to vector<1x16xf32>
      tpu.vector_store %arg11[%swap3A_70, %swap3A_71], %swap3A_74 {strides = array<i32>} : memref<128x128xf32, #tpu.memory_space<vmem>>, vector<1x16xf32>,
      %swap3A_75 = arith.index_cast %add3A_55 : i32 to index
      %swap3A_76 = arith.constant 64 : index
      %swap3A_77 = tpu.vector_load %arg11[%swap3A_75, %swap3A_76] {strides = array<i32>} : memref<128x128xf32, #tpu.memory_space<vmem>>, vector<1x16xf32>,
      %swap3A_78 = vector.shape_cast %swap3A_77 : vector<1x16xf32> to vector<16xf32>
      %swap3A_79 = vector.shape_cast %broadcast_in_dim3A_1 : vector<16xf32> to vector<1x16xf32>
      tpu.vector_store %arg11[%swap3A_75, %swap3A_76], %swap3A_79 {strides = array<i32>} : memref<128x128xf32, #tpu.memory_space<vmem>>, vector<1x16xf32>,
      %swap3A_80 = arith.index_cast %add3A_55 : i32 to index
      %swap3A_81 = arith.constant 80 : index
      %swap3A_82 = tpu.vector_load %arg11[%swap3A_80, %swap3A_81] {strides = array<i32>} : memref<128x128xf32, #tpu.memory_space<vmem>>, vector<1x16xf32>,
      %swap3A_83 = vector.shape_cast %swap3A_82 : vector<1x16xf32> to vector<16xf32>
      %swap3A_84 = vector.shape_cast %broadcast_in_dim3A_1 : vector<16xf32> to vector<1x16xf32>
      tpu.vector_store %arg11[%swap3A_80, %swap3A_81], %swap3A_84 {strides = array<i32>} : memref<128x128xf32, #tpu.memory_space<vmem>>, vector<1x16xf32>,
      %swap3A_85 = arith.index_cast %add3A_55 : i32 to index
      %swap3A_86 = arith.constant 96 : index
      %swap3A_87 = tpu.vector_load %arg11[%swap3A_85, %swap3A_86] {strides = array<i32>} : memref<128x128xf32, #tpu.memory_space<vmem>>, vector<1x16xf32>,
      %swap3A_88 = vector.shape_cast %swap3A_87 : vector<1x16xf32> to vector<16xf32>
      %swap3A_89 = vector.shape_cast %broadcast_in_dim3A_1 : vector<16xf32> to vector<1x16xf32>
      tpu.vector_store %arg11[%swap3A_85, %swap3A_86], %swap3A_89 {strides = array<i32>} : memref<128x128xf32, #tpu.memory_space<vmem>>, vector<1x16xf32>,
      %swap3A_90 = arith.index_cast %add3A_55 : i32 to index
      %swap3A_91 = arith.constant 112 : index
      %swap3A_92 = tpu.vector_load %arg11[%swap3A_90, %swap3A_91] {strides = array<i32>} : memref<128x128xf32, #tpu.memory_space<vmem>>, vector<1x16xf32>,
      %swap3A_93 = vector.shape_cast %swap3A_92 : vector<1x16xf32> to vector<16xf32>
      %swap3A_94 = vector.shape_cast %broadcast_in_dim3A_1 : vector<16xf32> to vector<1x16xf32>
      tpu.vector_store %arg11[%swap3A_90, %swap3A_91], %swap3A_94 {strides = array<i32>} : memref<128x128xf32, #tpu.memory_space<vmem>>, vector<1x16xf32>,
    }
    %scan3A_5 = arith.constant 128 : i32
    %mul3A_6 = arith.constant 625 : i32
    %mul3A_7 = arith.muli %arg1, %mul3A_6 : i32
    %scan3A_8 = arith.constant 0 : i32
    %scan3A_9 = arith.constant 4 : i32
    %scan3A_10 = arith.addi %scan3A_8, %scan3A_9 : i32
    %scan3A_11 = arith.constant 1 : i32
    scf.for %scan3A_51 = %scan3A_8 to %scan3A_10 step %scan3A_11  : i32 {
      %mul3A_52 = arith.constant 1 : i32
      %mul3A_53 = arith.muli %scan3A_51, %mul3A_52 : i32
      %add3A_54 = arith.constant 0 : i32
      %add3A_55 = arith.addi %add3A_54, %mul3A_53 : i32
      %mul3A_56 = arith.constant 128 : i32
      %mul3A_57 = arith.muli %add3A_55, %mul3A_56 : i32
      %add3A_58 = arith.addi %mul3A_7, %mul3A_57 : i32
      "tpu.region"() ({
        %run_scoped3A = tpu.sem_alloc : memref<!tpu.dma_semaphore, #tpu.memory_space<semaphore_mem>>
        %dma_start3A = arith.constant 0 : i32
        %dma_start3A_59 = tpu.memref_slice %arg13[%add3A_58, %dma_start3A] : memref<10000x128xf32, #tpu.memory_space<vmem_shared>> -> memref<128x128xf32, #tpu.memory_space<vmem_shared>>
        %dma_start3A_60 = arith.constant 0 : i32
        %dma_start3A_61 = tpu.memref_slice %arg13[%add3A_58, %dma_start3A_60] : memref<10000x128xf32, #tpu.memory_space<vmem_shared>> -> memref<128x128xf32, #tpu.memory_space<vmem_shared>>
        tpu.enqueue_dma source(%arg11 : memref<128x128xf32, #tpu.memory_space<vmem>>) target(%dma_start3A_61 : memref<128x128xf32, #tpu.memory_space<vmem_shared>>) target_semaphore(%run_scoped3A : memref<!tpu.dma_semaphore, #tpu.memory_space<semaphore_mem>>)
        %dma_wait3A = arith.constant 0 : i32
        %dma_wait3A_62 = tpu.memref_slice %arg13[%add3A_58, %dma_wait3A] : memref<10000x128xf32, #tpu.memory_space<vmem_shared>> -> memref<128x128xf32, #tpu.memory_space<vmem_shared>>
        %dma_wait3A_63 = arith.constant 0 : i32
        %dma_wait3A_64 = tpu.memref_slice %arg13[%add3A_58, %dma_wait3A_63] : memref<10000x128xf32, #tpu.memory_space<vmem_shared>> -> memref<128x128xf32, #tpu.memory_space<vmem_shared>>
        tpu.wait_dma2 semaphore(%run_scoped3A : memref<!tpu.dma_semaphore, #tpu.memory_space<semaphore_mem>>) src(%arg11 : memref<128x128xf32, #tpu.memory_space<vmem>>) dst(%dma_wait3A_64 : memref<128x128xf32, #tpu.memory_space<vmem_shared>>)
        tpu.yield
      }) : () -> ()
    }
    %scan3A_12 = arith.constant 4 : i32
    %add3A_13 = arith.constant 512 : i32
    %add3A_14 = arith.addi %mul3A_7, %add3A_13 : i32
    "tpu.region"() ({
      %run_scoped3A = tpu.sem_alloc : memref<!tpu.dma_semaphore, #tpu.memory_space<semaphore_mem>>
      %dma_start3A = arith.constant 0 : i32
      %dma_start3A_51 = arith.constant 0 : i32
      %dma_start3A_52 = tpu.memref_slice %arg11[%dma_start3A, %dma_start3A_51] : memref<128x128xf32, #tpu.memory_space<vmem>> -> memref<113x128xf32, #tpu.memory_space<vmem>>
      %dma_start3A_53 = arith.constant 0 : i32
      %dma_start3A_54 = tpu.memref_slice %arg13[%add3A_14, %dma_start3A_53] : memref<10000x128xf32, #tpu.memory_space<vmem_shared>> -> memref<113x128xf32, #tpu.memory_space<vmem_shared>>
      %dma_start3A_55 = arith.constant 0 : i32
      %dma_start3A_56 = tpu.memref_slice %arg13[%add3A_14, %dma_start3A_55] : memref<10000x128xf32, #tpu.memory_space<vmem_shared>> -> memref<113x128xf32, #tpu.memory_space<vmem_shared>>
      %dma_start3A_57 = arith.constant 0 : i32
      %dma_start3A_58 = arith.constant 0 : i32
      %dma_start3A_59 = tpu.memref_slice %arg11[%dma_start3A_57, %dma_start3A_58] : memref<128x128xf32, #tpu.memory_space<vmem>> -> memref<113x128xf32, #tpu.memory_space<vmem>>
      tpu.enqueue_dma source(%dma_start3A_59 : memref<113x128xf32, #tpu.memory_space<vmem>>) target(%dma_start3A_56 : memref<113x128xf32, #tpu.memory_space<vmem_shared>>) target_semaphore(%run_scoped3A : memref<!tpu.dma_semaphore, #tpu.memory_space<semaphore_mem>>)
      %dma_wait3A = arith.constant 0 : i32
      %dma_wait3A_60 = arith.constant 0 : i32
      %dma_wait3A_61 = tpu.memref_slice %arg11[%dma_wait3A, %dma_wait3A_60] : memref<128x128xf32, #tpu.memory_space<vmem>> -> memref<113x128xf32, #tpu.memory_space<vmem>>
      %dma_wait3A_62 = arith.constant 0 : i32
      %dma_wait3A_63 = tpu.memref_slice %arg13[%add3A_14, %dma_wait3A_62] : memref<10000x128xf32, #tpu.memory_space<vmem_shared>> -> memref<113x128xf32, #tpu.memory_space<vmem_shared>>
      %dma_wait3A_64 = arith.constant 0 : i32
      %dma_wait3A_65 = tpu.memref_slice %arg13[%add3A_14, %dma_wait3A_64] : memref<10000x128xf32, #tpu.memory_space<vmem_shared>> -> memref<113x128xf32, #tpu.memory_space<vmem_shared>>
      %dma_wait3A_66 = arith.constant 0 : i32
      %dma_wait3A_67 = arith.constant 0 : i32
      %dma_wait3A_68 = tpu.memref_slice %arg11[%dma_wait3A_66, %dma_wait3A_67] : memref<128x128xf32, #tpu.memory_space<vmem>> -> memref<113x128xf32, #tpu.memory_space<vmem>>
      tpu.wait_dma2 semaphore(%run_scoped3A : memref<!tpu.dma_semaphore, #tpu.memory_space<semaphore_mem>>) src(%dma_wait3A_68 : memref<113x128xf32, #tpu.memory_space<vmem>>) dst(%dma_wait3A_65 : memref<113x128xf32, #tpu.memory_space<vmem_shared>>)
      tpu.yield
    }) : () -> ()
    %broadcast_in_dim3A_15 = arith.constant 1.000000e+00 : f32
    %broadcast_in_dim3A_16 = vector.broadcast %broadcast_in_dim3A_15 : f32 to vector<16xf32>
    %scan3A_17 = arith.constant 0 : i32
    %scan3A_18 = arith.constant 128 : i32
    %scan3A_19 = arith.addi %scan3A_17, %scan3A_18 : i32
    %scan3A_20 = arith.constant 1 : i32
    scf.for %scan3A_51 = %scan3A_17 to %scan3A_19 step %scan3A_20  : i32 {
      %mul3A_52 = arith.constant 1 : i32
      %mul3A_53 = arith.muli %scan3A_51, %mul3A_52 : i32
      %add3A_54 = arith.constant 0 : i32
      %add3A_55 = arith.addi %add3A_54, %mul3A_53 : i32
      %swap3A = arith.index_cast %add3A_55 : i32 to index
      %swap3A_56 = arith.constant 0 : index
      %swap3A_57 = tpu.vector_load %arg16[%swap3A, %swap3A_56] {strides = array<i32>} : memref<128x16xf32, #tpu.memory_space<vmem>>, vector<1x16xf32>,
      %swap3A_58 = vector.shape_cast %swap3A_57 : vector<1x16xf32> to vector<16xf32>
      %swap3A_59 = vector.shape_cast %broadcast_in_dim3A_16 : vector<16xf32> to vector<1x16xf32>
      tpu.vector_store %arg16[%swap3A, %swap3A_56], %swap3A_59 {strides = array<i32>} : memref<128x16xf32, #tpu.memory_space<vmem>>, vector<1x16xf32>,
    }
    %scan3A_21 = arith.constant 128 : i32
    %broadcast_in_dim3A_22 = arith.constant 0.000000e+00 : f32
    %broadcast_in_dim3A_23 = vector.broadcast %broadcast_in_dim3A_22 : f32 to vector<16xf32>
    %scan3A_24 = arith.constant 0 : i32
    %scan3A_25 = arith.constant 16 : i32
    %scan3A_26 = arith.addi %scan3A_24, %scan3A_25 : i32
    %scan3A_27 = arith.constant 1 : i32
    scf.for %scan3A_51 = %scan3A_24 to %scan3A_26 step %scan3A_27  : i32 {
      %mul3A_52 = arith.constant 1 : i32
      %mul3A_53 = arith.muli %scan3A_51, %mul3A_52 : i32
      %add3A_54 = arith.constant 0 : i32
      %add3A_55 = arith.addi %add3A_54, %mul3A_53 : i32
      %swap3A = arith.index_cast %add3A_55 : i32 to index
      %swap3A_56 = arith.constant 0 : index
      %swap3A_57 = tpu.vector_load %arg17[%swap3A, %swap3A_56] {strides = array<i32>} : memref<16x16xf32, #tpu.memory_space<vmem>>, vector<1x16xf32>,
      %swap3A_58 = vector.shape_cast %swap3A_57 : vector<1x16xf32> to vector<16xf32>
      %swap3A_59 = vector.shape_cast %broadcast_in_dim3A_23 : vector<16xf32> to vector<1x16xf32>
      tpu.vector_store %arg17[%swap3A, %swap3A_56], %swap3A_59 {strides = array<i32>} : memref<16x16xf32, #tpu.memory_space<vmem>>, vector<1x16xf32>,
    }
    %scan3A_28 = arith.constant 16 : i32
    %mul3A_29 = arith.constant 625 : i32
    %mul3A_30 = arith.muli %arg1, %mul3A_29 : i32
    %scan3A_31 = arith.constant 0 : i32
    %scan3A_32 = arith.constant 39 : i32
    %scan3A_33 = arith.addi %scan3A_31, %scan3A_32 : i32
    %scan3A_34 = arith.constant 1 : i32
    scf.for %scan3A_51 = %scan3A_31 to %scan3A_33 step %scan3A_34  : i32 {
      %mul3A_52 = arith.constant 1 : i32
      %mul3A_53 = arith.muli %scan3A_51, %mul3A_52 : i32
      %add3A_54 = arith.constant 0 : i32
      %add3A_55 = arith.addi %add3A_54, %mul3A_53 : i32
      %mul3A_56 = arith.constant 16 : i32
      %mul3A_57 = arith.muli %add3A_55, %mul3A_56 : i32
      %add3A_58 = arith.addi %mul3A_30, %mul3A_57 : i32
      "tpu.region"() ({
        %run_scoped3A = tpu.sem_alloc : memref<!tpu.dma_semaphore, #tpu.memory_space<semaphore_mem>>
        %dma_start3A = arith.constant 0 : i32
        %dma_start3A_59 = tpu.memref_slice %arg18[%add3A_58, %dma_start3A] : memref<10000x16xf32, #tpu.memory_space<vmem_shared>> -> memref<16x16xf32, #tpu.memory_space<vmem_shared>>
        %dma_start3A_60 = arith.constant 0 : i32
        %dma_start3A_61 = tpu.memref_slice %arg18[%add3A_58, %dma_start3A_60] : memref<10000x16xf32, #tpu.memory_space<vmem_shared>> -> memref<16x16xf32, #tpu.memory_space<vmem_shared>>
        tpu.enqueue_dma source(%arg17 : memref<16x16xf32, #tpu.memory_space<vmem>>) target(%dma_start3A_61 : memref<16x16xf32, #tpu.memory_space<vmem_shared>>) target_semaphore(%run_scoped3A : memref<!tpu.dma_semaphore, #tpu.memory_space<semaphore_mem>>)
        %dma_wait3A = arith.constant 0 : i32
        %dma_wait3A_62 = tpu.memref_slice %arg18[%add3A_58, %dma_wait3A] : memref<10000x16xf32, #tpu.memory_space<vmem_shared>> -> memref<16x16xf32, #tpu.memory_space<vmem_shared>>
        %dma_wait3A_63 = arith.constant 0 : i32
        %dma_wait3A_64 = tpu.memref_slice %arg18[%add3A_58, %dma_wait3A_63] : memref<10000x16xf32, #tpu.memory_space<vmem_shared>> -> memref<16x16xf32, #tpu.memory_space<vmem_shared>>
        tpu.wait_dma2 semaphore(%run_scoped3A : memref<!tpu.dma_semaphore, #tpu.memory_space<semaphore_mem>>) src(%arg17 : memref<16x16xf32, #tpu.memory_space<vmem>>) dst(%dma_wait3A_64 : memref<16x16xf32, #tpu.memory_space<vmem_shared>>)
        tpu.yield
      }) : () -> ()
    }
    %scan3A_35 = arith.constant 39 : i32
    %add3A_36 = arith.constant 624 : i32
    %add3A_37 = arith.addi %mul3A_30, %add3A_36 : i32
    "tpu.region"() ({
      %run_scoped3A = tpu.sem_alloc : memref<!tpu.dma_semaphore, #tpu.memory_space<semaphore_mem>>
      %dma_start3A = arith.constant 0 : i32
      %dma_start3A_51 = arith.constant 0 : i32
      %dma_start3A_52 = tpu.memref_slice %arg17[%dma_start3A, %dma_start3A_51] : memref<16x16xf32, #tpu.memory_space<vmem>> -> memref<1x16xf32, #tpu.memory_space<vmem>>
      %dma_start3A_53 = arith.constant 0 : i32
      %dma_start3A_54 = tpu.memref_slice %arg18[%add3A_37, %dma_start3A_53] : memref<10000x16xf32, #tpu.memory_space<vmem_shared>> -> memref<1x16xf32, #tpu.memory_space<vmem_shared>>
      %dma_start3A_55 = arith.constant 0 : i32
      %dma_start3A_56 = tpu.memref_slice %arg18[%add3A_37, %dma_start3A_55] : memref<10000x16xf32, #tpu.memory_space<vmem_shared>> -> memref<1x16xf32, #tpu.memory_space<vmem_shared>>
      %dma_start3A_57 = arith.constant 0 : i32
      %dma_start3A_58 = arith.constant 0 : i32
      %dma_start3A_59 = tpu.memref_slice %arg17[%dma_start3A_57, %dma_start3A_58] : memref<16x16xf32, #tpu.memory_space<vmem>> -> memref<1x16xf32, #tpu.memory_space<vmem>>
      tpu.enqueue_dma source(%dma_start3A_59 : memref<1x16xf32, #tpu.memory_space<vmem>>) target(%dma_start3A_56 : memref<1x16xf32, #tpu.memory_space<vmem_shared>>) target_semaphore(%run_scoped3A : memref<!tpu.dma_semaphore, #tpu.memory_space<semaphore_mem>>)
      %dma_wait3A = arith.constant 0 : i32
      %dma_wait3A_60 = arith.constant 0 : i32
      %dma_wait3A_61 = tpu.memref_slice %arg17[%dma_wait3A, %dma_wait3A_60] : memref<16x16xf32, #tpu.memory_space<vmem>> -> memref<1x16xf32, #tpu.memory_space<vmem>>
      %dma_wait3A_62 = arith.constant 0 : i32
      %dma_wait3A_63 = tpu.memref_slice %arg18[%add3A_37, %dma_wait3A_62] : memref<10000x16xf32, #tpu.memory_space<vmem_shared>> -> memref<1x16xf32, #tpu.memory_space<vmem_shared>>
      %dma_wait3A_64 = arith.constant 0 : i32
      %dma_wait3A_65 = tpu.memref_slice %arg18[%add3A_37, %dma_wait3A_64] : memref<10000x16xf32, #tpu.memory_space<vmem_shared>> -> memref<1x16xf32, #tpu.memory_space<vmem_shared>>
      %dma_wait3A_66 = arith.constant 0 : i32
      %dma_wait3A_67 = arith.constant 0 : i32
      %dma_wait3A_68 = tpu.memref_slice %arg17[%dma_wait3A_66, %dma_wait3A_67] : memref<16x16xf32, #tpu.memory_space<vmem>> -> memref<1x16xf32, #tpu.memory_space<vmem>>
      tpu.wait_dma2 semaphore(%run_scoped3A : memref<!tpu.dma_semaphore, #tpu.memory_space<semaphore_mem>>) src(%dma_wait3A_68 : memref<1x16xf32, #tpu.memory_space<vmem>>) dst(%dma_wait3A_65 : memref<1x16xf32, #tpu.memory_space<vmem_shared>>)
      tpu.yield
    }) : () -> ()
    %barrier3A = arith.constant 0 : index
    tpu.barrier barrier_id(%barrier3A)
    %scan3A_38 = arith.constant 0 : i32
    %scan3A_39 = arith.constant 4 : i32
    %scan3A_40 = arith.addi %scan3A_38, %scan3A_39 : i32
    %scan3A_41 = arith.constant 1 : i32
    scf.for %scan3A_51 = %scan3A_38 to %scan3A_40 step %scan3A_41  : i32 {
      %mul3A_52 = arith.constant 1 : i32
      %mul3A_53 = arith.muli %scan3A_51, %mul3A_52 : i32
      %add3A_54 = arith.constant 0 : i32
      %add3A_55 = arith.addi %add3A_54, %mul3A_53 : i32
      %mul3A_56 = arith.constant 80 : i32
      %mul3A_57 = arith.muli %add3A, %mul3A_56 : i32
      %mul3A_58 = arith.constant 20 : i32
      %mul3A_59 = arith.muli %add3A_55, %mul3A_58 : i32
      %add3A_60 = arith.addi %mul3A_57, %mul3A_59 : i32
      %lt3A = arith.constant 2500 : i32
      %lt3A_61 = arith.cmpi slt, %add3A_60, %lt3A : i32
      %convert_element_type3A_62 = arith.extui %lt3A_61 : i1 to i32
      %cond3A_63 = arith.constant 0 : i32
      %cond3A_64 = arith.cmpi ne, %convert_element_type3A_62, %cond3A_63 : i32
      scf.if %cond3A_64 {
        "tpu.region"() ({
          %run_scoped3A = tpu.sem_alloc : memref<!tpu.dma_semaphore, #tpu.memory_space<semaphore_mem>>
          %dma_start3A_124 = arith.constant 0 : i32
          %dma_start3A_125 = tpu.memref_slice %arg2[%add3A_60, %dma_start3A_124] : memref<2500x128xi32, #tpu.memory_space<hbm>> -> memref<20x128xi32, #tpu.memory_space<hbm>>
          %dma_start3A_126 = arith.constant 0 : i32
          %dma_start3A_127 = tpu.memref_slice %arg2[%add3A_60, %dma_start3A_126] : memref<2500x128xi32, #tpu.memory_space<hbm>> -> memref<20x128xi32, #tpu.memory_space<hbm>>
          tpu.enqueue_dma source(%dma_start3A_127 : memref<20x128xi32, #tpu.memory_space<hbm>>) target(%arg9 : memref<20x128xi32, #tpu.memory_space<vmem>>) target_semaphore(%run_scoped3A : memref<!tpu.dma_semaphore, #tpu.memory_space<semaphore_mem>>)
          %dma_wait3A_128 = arith.constant 0 : i32
          %dma_wait3A_129 = tpu.memref_slice %arg2[%add3A_60, %dma_wait3A_128] : memref<2500x128xi32, #tpu.memory_space<hbm>> -> memref<20x128xi32, #tpu.memory_space<hbm>>
          %dma_wait3A_130 = arith.constant 0 : i32
          %dma_wait3A_131 = tpu.memref_slice %arg2[%add3A_60, %dma_wait3A_130] : memref<2500x128xi32, #tpu.memory_space<hbm>> -> memref<20x128xi32, #tpu.memory_space<hbm>>
          tpu.wait_dma2 semaphore(%run_scoped3A : memref<!tpu.dma_semaphore, #tpu.memory_space<semaphore_mem>>) src(%dma_wait3A_131 : memref<20x128xi32, #tpu.memory_space<hbm>>) dst(%arg9 : memref<20x128xi32, #tpu.memory_space<vmem>>)
          tpu.yield
        }) : () -> ()
        "tpu.region"() ({
          %run_scoped3A = tpu.sem_alloc : memref<!tpu.dma_semaphore, #tpu.memory_space<semaphore_mem>>
          %dma_start3A_124 = arith.constant 0 : i32
          %dma_start3A_125 = tpu.memref_slice %arg3[%add3A_60, %dma_start3A_124] : memref<2500x128xi32, #tpu.memory_space<hbm>> -> memref<20x128xi32, #tpu.memory_space<hbm>>
          %dma_start3A_126 = arith.constant 0 : i32
          %dma_start3A_127 = tpu.memref_slice %arg3[%add3A_60, %dma_start3A_126] : memref<2500x128xi32, #tpu.memory_space<hbm>> -> memref<20x128xi32, #tpu.memory_space<hbm>>
          tpu.enqueue_dma source(%dma_start3A_127 : memref<20x128xi32, #tpu.memory_space<hbm>>) target(%arg10 : memref<20x128xi32, #tpu.memory_space<vmem>>) target_semaphore(%run_scoped3A : memref<!tpu.dma_semaphore, #tpu.memory_space<semaphore_mem>>)
          %dma_wait3A_128 = arith.constant 0 : i32
          %dma_wait3A_129 = tpu.memref_slice %arg3[%add3A_60, %dma_wait3A_128] : memref<2500x128xi32, #tpu.memory_space<hbm>> -> memref<20x128xi32, #tpu.memory_space<hbm>>
          %dma_wait3A_130 = arith.constant 0 : i32
          %dma_wait3A_131 = tpu.memref_slice %arg3[%add3A_60, %dma_wait3A_130] : memref<2500x128xi32, #tpu.memory_space<hbm>> -> memref<20x128xi32, #tpu.memory_space<hbm>>
          tpu.wait_dma2 semaphore(%run_scoped3A : memref<!tpu.dma_semaphore, #tpu.memory_space<semaphore_mem>>) src(%dma_wait3A_131 : memref<20x128xi32, #tpu.memory_space<hbm>>) dst(%arg10 : memref<20x128xi32, #tpu.memory_space<vmem>>)
          tpu.yield
        }) : () -> ()
        %dma_start3A = arith.constant 0 : i32
        %dma_start3A_65 = arith.constant 0 : i32
        %dma_start3A_66 = tpu.memref_slice %arg9[%dma_start3A, %dma_start3A_65] : memref<20x128xi32, #tpu.memory_space<vmem>> -> memref<1x128xi32, #tpu.memory_space<vmem>>
        %dma_start3A_67 = tpu.memref_squeeze %dma_start3A_66 : memref<1x128xi32, #tpu.memory_space<vmem>> -> memref<128xi32, #tpu.memory_space<vmem>>
        %dma_start3A_68 = arith.constant 0 : i32
        %dma_start3A_69 = arith.constant 0 : i32
        %dma_start3A_70 = tpu.memref_slice %arg4[%dma_start3A_68, %dma_start3A_69] : memref<10000x128xf32, #tpu.memory_space<hbm>> -> memref<10000x128xf32, #tpu.memory_space<hbm>>
        tpu.enqueue_indirect_dma source(%dma_start3A_70 : memref<10000x128xf32, #tpu.memory_space<hbm>>) target(%arg11 : memref<128x128xf32, #tpu.memory_space<vmem>>) offsets(%dma_start3A_67 : memref<128xi32, #tpu.memory_space<vmem>>) semaphore(%arg14 : memref<!tpu.dma_semaphore, #tpu.memory_space<semaphore_mem>>)
        %dma_start3A_71 = arith.constant 0 : i32
        %dma_start3A_72 = arith.constant 0 : i32
        %dma_start3A_73 = tpu.memref_slice %arg10[%dma_start3A_71, %dma_start3A_72] : memref<20x128xi32, #tpu.memory_space<vmem>> -> memref<1x128xi32, #tpu.memory_space<vmem>>
        %dma_start3A_74 = tpu.memref_squeeze %dma_start3A_73 : memref<1x128xi32, #tpu.memory_space<vmem>> -> memref<128xi32, #tpu.memory_space<vmem>>
        %dma_start3A_75 = arith.constant 0 : i32
        %dma_start3A_76 = arith.constant 0 : i32
        %dma_start3A_77 = tpu.memref_slice %arg18[%dma_start3A_75, %dma_start3A_76] : memref<10000x16xf32, #tpu.memory_space<vmem_shared>> -> memref<10000x16xf32, #tpu.memory_space<vmem_shared>>
        tpu.enqueue_indirect_dma source(%arg16 : memref<128x16xf32, #tpu.memory_space<vmem>>) target(%dma_start3A_77 : memref<10000x16xf32, #tpu.memory_space<vmem_shared>>) offsets(%dma_start3A_74 : memref<128xi32, #tpu.memory_space<vmem>>) semaphore(%arg19 : memref<!tpu.dma_semaphore, #tpu.memory_space<semaphore_mem>>) {add = true}
        %dma_start3A_78 = arith.constant 1 : i32
        %dma_start3A_79 = arith.constant 0 : i32
        %dma_start3A_80 = tpu.memref_slice %arg9[%dma_start3A_78, %dma_start3A_79] : memref<20x128xi32, #tpu.memory_space<vmem>> -> memref<1x128xi32, #tpu.memory_space<vmem>>
        %dma_start3A_81 = tpu.memref_squeeze %dma_start3A_80 : memref<1x128xi32, #tpu.memory_space<vmem>> -> memref<128xi32, #tpu.memory_space<vmem>>
        %dma_start3A_82 = arith.constant 0 : i32
        %dma_start3A_83 = arith.constant 0 : i32
        %dma_start3A_84 = tpu.memref_slice %arg4[%dma_start3A_82, %dma_start3A_83] : memref<10000x128xf32, #tpu.memory_space<hbm>> -> memref<10000x128xf32, #tpu.memory_space<hbm>>
        tpu.enqueue_indirect_dma source(%dma_start3A_84 : memref<10000x128xf32, #tpu.memory_space<hbm>>) target(%arg12 : memref<128x128xf32, #tpu.memory_space<vmem>>) offsets(%dma_start3A_81 : memref<128xi32, #tpu.memory_space<vmem>>) semaphore(%arg15 : memref<!tpu.dma_semaphore, #tpu.memory_space<semaphore_mem>>)
        %dma_start3A_85 = arith.constant 1 : i32
        %dma_start3A_86 = arith.constant 0 : i32
        %dma_start3A_87 = tpu.memref_slice %arg10[%dma_start3A_85, %dma_start3A_86] : memref<20x128xi32, #tpu.memory_space<vmem>> -> memref<1x128xi32, #tpu.memory_space<vmem>>
        %dma_start3A_88 = tpu.memref_squeeze %dma_start3A_87 : memref<1x128xi32, #tpu.memory_space<vmem>> -> memref<128xi32, #tpu.memory_space<vmem>>
        %dma_start3A_89 = arith.constant 0 : i32
        %dma_start3A_90 = arith.constant 0 : i32
        %dma_start3A_91 = tpu.memref_slice %arg18[%dma_start3A_89, %dma_start3A_90] : memref<10000x16xf32, #tpu.memory_space<vmem_shared>> -> memref<10000x16xf32, #tpu.memory_space<vmem_shared>>
        tpu.enqueue_indirect_dma source(%arg16 : memref<128x16xf32, #tpu.memory_space<vmem>>) target(%dma_start3A_91 : memref<10000x16xf32, #tpu.memory_space<vmem_shared>>) offsets(%dma_start3A_88 : memref<128xi32, #tpu.memory_space<vmem>>) semaphore(%arg20 : memref<!tpu.dma_semaphore, #tpu.memory_space<semaphore_mem>>) {add = true}
        %scan3A_92 = arith.constant 0 : i32
        %scan3A_93 = arith.constant 9 : i32
        %scan3A_94 = arith.addi %scan3A_92, %scan3A_93 : i32
        %scan3A_95 = arith.constant 1 : i32
        scf.for %scan3A_124 = %scan3A_92 to %scan3A_94 step %scan3A_95  : i32 {
          %mul3A_125 = arith.constant 1 : i32
          %mul3A_126 = arith.muli %scan3A_124, %mul3A_125 : i32
          %add3A_127 = arith.constant 0 : i32
          %add3A_128 = arith.addi %add3A_127, %mul3A_126 : i32
          %mul3A_129 = arith.constant 2 : i32
          %mul3A_130 = arith.muli %mul3A_129, %add3A_128 : i32
          %dma_wait3A_131 = arith.constant 0 : i32
          %dma_wait3A_132 = arith.constant 0 : i32
          %dma_wait3A_133 = tpu.memref_slice %arg9[%dma_wait3A_131, %dma_wait3A_132] : memref<20x128xi32, #tpu.memory_space<vmem>> -> memref<1x128xi32, #tpu.memory_space<vmem>>
          %dma_wait3A_134 = tpu.memref_squeeze %dma_wait3A_133 : memref<1x128xi32, #tpu.memory_space<vmem>> -> memref<128xi32, #tpu.memory_space<vmem>>
          %dma_wait3A_135 = arith.constant 0 : i32
          %dma_wait3A_136 = arith.constant 0 : i32
          %dma_wait3A_137 = tpu.memref_slice %arg4[%dma_wait3A_135, %dma_wait3A_136] : memref<10000x128xf32, #tpu.memory_space<hbm>> -> memref<10000x128xf32, #tpu.memory_space<hbm>>
          tpu.wait_indirect_dma semaphore(%arg14 : memref<!tpu.dma_semaphore, #tpu.memory_space<semaphore_mem>>) src(%dma_wait3A_137 : memref<10000x128xf32, #tpu.memory_space<hbm>>) dst(%arg11 : memref<128x128xf32, #tpu.memory_space<vmem>>)
          %dma_wait3A_138 = arith.constant 0 : i32
          %dma_wait3A_139 = arith.constant 0 : i32
          %dma_wait3A_140 = tpu.memref_slice %arg10[%dma_wait3A_138, %dma_wait3A_139] : memref<20x128xi32, #tpu.memory_space<vmem>> -> memref<1x128xi32, #tpu.memory_space<vmem>>
          %dma_wait3A_141 = tpu.memref_squeeze %dma_wait3A_140 : memref<1x128xi32, #tpu.memory_space<vmem>> -> memref<128xi32, #tpu.memory_space<vmem>>
          %dma_wait3A_142 = arith.constant 0 : i32
          %dma_wait3A_143 = arith.constant 0 : i32
          %dma_wait3A_144 = tpu.memref_slice %arg18[%dma_wait3A_142, %dma_wait3A_143] : memref<10000x16xf32, #tpu.memory_space<vmem_shared>> -> memref<10000x16xf32, #tpu.memory_space<vmem_shared>>
          tpu.wait_indirect_dma semaphore(%arg19 : memref<!tpu.dma_semaphore, #tpu.memory_space<semaphore_mem>>) src(%arg16 : memref<128x16xf32, #tpu.memory_space<vmem>>) dst(%dma_wait3A_144 : memref<10000x16xf32, #tpu.memory_space<vmem_shared>>)
          %add3A_145 = arith.constant 2 : i32
          %add3A_146 = arith.addi %mul3A_130, %add3A_145 : i32
          %dma_start3A_147 = arith.constant 0 : i32
          %dma_start3A_148 = tpu.memref_slice %arg9[%add3A_146, %dma_start3A_147] : memref<20x128xi32, #tpu.memory_space<vmem>> -> memref<1x128xi32, #tpu.memory_space<vmem>>
          %dma_start3A_149 = tpu.memref_squeeze %dma_start3A_148 : memref<1x128xi32, #tpu.memory_space<vmem>> -> memref<128xi32, #tpu.memory_space<vmem>>
          %dma_start3A_150 = arith.constant 0 : i32
          %dma_start3A_151 = arith.constant 0 : i32
          %dma_start3A_152 = tpu.memref_slice %arg4[%dma_start3A_150, %dma_start3A_151] : memref<10000x128xf32, #tpu.memory_space<hbm>> -> memref<10000x128xf32, #tpu.memory_space<hbm>>
          tpu.enqueue_indirect_dma source(%dma_start3A_152 : memref<10000x128xf32, #tpu.memory_space<hbm>>) target(%arg11 : memref<128x128xf32, #tpu.memory_space<vmem>>) offsets(%dma_start3A_149 : memref<128xi32, #tpu.memory_space<vmem>>) semaphore(%arg14 : memref<!tpu.dma_semaphore, #tpu.memory_space<semaphore_mem>>)
          %dma_start3A_153 = arith.constant 0 : i32
          %dma_start3A_154 = tpu.memref_slice %arg10[%add3A_146, %dma_start3A_153] : memref<20x128xi32, #tpu.memory_space<vmem>> -> memref<1x128xi32, #tpu.memory_space<vmem>>
          %dma_start3A_155 = tpu.memref_squeeze %dma_start3A_154 : memref<1x128xi32, #tpu.memory_space<vmem>> -> memref<128xi32, #tpu.memory_space<vmem>>
          %dma_start3A_156 = arith.constant 0 : i32
          %dma_start3A_157 = arith.constant 0 : i32
          %dma_start3A_158 = tpu.memref_slice %arg18[%dma_start3A_156, %dma_start3A_157] : memref<10000x16xf32, #tpu.memory_space<vmem_shared>> -> memref<10000x16xf32, #tpu.memory_space<vmem_shared>>
          tpu.enqueue_indirect_dma source(%arg16 : memref<128x16xf32, #tpu.memory_space<vmem>>) target(%dma_start3A_158 : memref<10000x16xf32, #tpu.memory_space<vmem_shared>>) offsets(%dma_start3A_155 : memref<128xi32, #tpu.memory_space<vmem>>) semaphore(%arg19 : memref<!tpu.dma_semaphore, #tpu.memory_space<semaphore_mem>>) {add = true}
          %dma_wait3A_159 = arith.constant 0 : i32
          %dma_wait3A_160 = arith.constant 0 : i32
          %dma_wait3A_161 = tpu.memref_slice %arg9[%dma_wait3A_159, %dma_wait3A_160] : memref<20x128xi32, #tpu.memory_space<vmem>> -> memref<1x128xi32, #tpu.memory_space<vmem>>
          %dma_wait3A_162 = tpu.memref_squeeze %dma_wait3A_161 : memref<1x128xi32, #tpu.memory_space<vmem>> -> memref<128xi32, #tpu.memory_space<vmem>>
          %dma_wait3A_163 = arith.constant 0 : i32
          %dma_wait3A_164 = arith.constant 0 : i32
          %dma_wait3A_165 = tpu.memref_slice %arg4[%dma_wait3A_163, %dma_wait3A_164] : memref<10000x128xf32, #tpu.memory_space<hbm>> -> memref<10000x128xf32, #tpu.memory_space<hbm>>
          tpu.wait_indirect_dma semaphore(%arg15 : memref<!tpu.dma_semaphore, #tpu.memory_space<semaphore_mem>>) src(%dma_wait3A_165 : memref<10000x128xf32, #tpu.memory_space<hbm>>) dst(%arg12 : memref<128x128xf32, #tpu.memory_space<vmem>>)
          %dma_wait3A_166 = arith.constant 0 : i32
          %dma_wait3A_167 = arith.constant 0 : i32
          %dma_wait3A_168 = tpu.memref_slice %arg10[%dma_wait3A_166, %dma_wait3A_167] : memref<20x128xi32, #tpu.memory_space<vmem>> -> memref<1x128xi32, #tpu.memory_space<vmem>>
          %dma_wait3A_169 = tpu.memref_squeeze %dma_wait3A_168 : memref<1x128xi32, #tpu.memory_space<vmem>> -> memref<128xi32, #tpu.memory_space<vmem>>
          %dma_wait3A_170 = arith.constant 0 : i32
          %dma_wait3A_171 = arith.constant 0 : i32
          %dma_wait3A_172 = tpu.memref_slice %arg18[%dma_wait3A_170, %dma_wait3A_171] : memref<10000x16xf32, #tpu.memory_space<vmem_shared>> -> memref<10000x16xf32, #tpu.memory_space<vmem_shared>>
          tpu.wait_indirect_dma semaphore(%arg20 : memref<!tpu.dma_semaphore, #tpu.memory_space<semaphore_mem>>) src(%arg16 : memref<128x16xf32, #tpu.memory_space<vmem>>) dst(%dma_wait3A_172 : memref<10000x16xf32, #tpu.memory_space<vmem_shared>>)
          %add3A_173 = arith.constant 1 : i32
          %add3A_174 = arith.addi %mul3A_130, %add3A_173 : i32
          %add3A_175 = arith.constant 3 : i32
          %add3A_176 = arith.addi %mul3A_130, %add3A_175 : i32
          %dma_start3A_177 = arith.constant 0 : i32
          %dma_start3A_178 = tpu.memref_slice %arg9[%add3A_176, %dma_start3A_177] : memref<20x128xi32, #tpu.memory_space<vmem>> -> memref<1x128xi32, #tpu.memory_space<vmem>>
          %dma_start3A_179 = tpu.memref_squeeze %dma_start3A_178 : memref<1x128xi32, #tpu.memory_space<vmem>> -> memref<128xi32, #tpu.memory_space<vmem>>
          %dma_start3A_180 = arith.constant 0 : i32
          %dma_start3A_181 = arith.constant 0 : i32
          %dma_start3A_182 = tpu.memref_slice %arg4[%dma_start3A_180, %dma_start3A_181] : memref<10000x128xf32, #tpu.memory_space<hbm>> -> memref<10000x128xf32, #tpu.memory_space<hbm>>
          tpu.enqueue_indirect_dma source(%dma_start3A_182 : memref<10000x128xf32, #tpu.memory_space<hbm>>) target(%arg12 : memref<128x128xf32, #tpu.memory_space<vmem>>) offsets(%dma_start3A_179 : memref<128xi32, #tpu.memory_space<vmem>>) semaphore(%arg15 : memref<!tpu.dma_semaphore, #tpu.memory_space<semaphore_mem>>)
          %dma_start3A_183 = arith.constant 0 : i32
          %dma_start3A_184 = tpu.memref_slice %arg10[%add3A_176, %dma_start3A_183] : memref<20x128xi32, #tpu.memory_space<vmem>> -> memref<1x128xi32, #tpu.memory_space<vmem>>
          %dma_start3A_185 = tpu.memref_squeeze %dma_start3A_184 : memref<1x128xi32, #tpu.memory_space<vmem>> -> memref<128xi32, #tpu.memory_space<vmem>>
          %dma_start3A_186 = arith.constant 0 : i32
          %dma_start3A_187 = arith.constant 0 : i32
          %dma_start3A_188 = tpu.memref_slice %arg18[%dma_start3A_186, %dma_start3A_187] : memref<10000x16xf32, #tpu.memory_space<vmem_shared>> -> memref<10000x16xf32, #tpu.memory_space<vmem_shared>>
          tpu.enqueue_indirect_dma source(%arg16 : memref<128x16xf32, #tpu.memory_space<vmem>>) target(%dma_start3A_188 : memref<10000x16xf32, #tpu.memory_space<vmem_shared>>) offsets(%dma_start3A_185 : memref<128xi32, #tpu.memory_space<vmem>>) semaphore(%arg20 : memref<!tpu.dma_semaphore, #tpu.memory_space<semaphore_mem>>) {add = true}
        }
        %scan3A_96 = arith.constant 9 : i32
        %dma_wait3A = arith.constant 0 : i32
        %dma_wait3A_97 = arith.constant 0 : i32
        %dma_wait3A_98 = tpu.memref_slice %arg9[%dma_wait3A, %dma_wait3A_97] : memref<20x128xi32, #tpu.memory_space<vmem>> -> memref<1x128xi32, #tpu.memory_space<vmem>>
        %dma_wait3A_99 = tpu.memref_squeeze %dma_wait3A_98 : memref<1x128xi32, #tpu.memory_space<vmem>> -> memref<128xi32, #tpu.memory_space<vmem>>
        %dma_wait3A_100 = arith.constant 0 : i32
        %dma_wait3A_101 = arith.constant 0 : i32
        %dma_wait3A_102 = tpu.memref_slice %arg4[%dma_wait3A_100, %dma_wait3A_101] : memref<10000x128xf32, #tpu.memory_space<hbm>> -> memref<10000x128xf32, #tpu.memory_space<hbm>>
        tpu.wait_indirect_dma semaphore(%arg14 : memref<!tpu.dma_semaphore, #tpu.memory_space<semaphore_mem>>) src(%dma_wait3A_102 : memref<10000x128xf32, #tpu.memory_space<hbm>>) dst(%arg11 : memref<128x128xf32, #tpu.memory_space<vmem>>)
        %dma_wait3A_103 = arith.constant 0 : i32
        %dma_wait3A_104 = arith.constant 0 : i32
        %dma_wait3A_105 = tpu.memref_slice %arg10[%dma_wait3A_103, %dma_wait3A_104] : memref<20x128xi32, #tpu.memory_space<vmem>> -> memref<1x128xi32, #tpu.memory_space<vmem>>
        %dma_wait3A_106 = tpu.memref_squeeze %dma_wait3A_105 : memref<1x128xi32, #tpu.memory_space<vmem>> -> memref<128xi32, #tpu.memory_space<vmem>>
        %dma_wait3A_107 = arith.constant 0 : i32
        %dma_wait3A_108 = arith.constant 0 : i32
        %dma_wait3A_109 = tpu.memref_slice %arg18[%dma_wait3A_107, %dma_wait3A_108] : memref<10000x16xf32, #tpu.memory_space<vmem_shared>> -> memref<10000x16xf32, #tpu.memory_space<vmem_shared>>
        tpu.wait_indirect_dma semaphore(%arg19 : memref<!tpu.dma_semaphore, #tpu.memory_space<semaphore_mem>>) src(%arg16 : memref<128x16xf32, #tpu.memory_space<vmem>>) dst(%dma_wait3A_109 : memref<10000x16xf32, #tpu.memory_space<vmem_shared>>)
        %dma_wait3A_110 = arith.constant 0 : i32
        %dma_wait3A_111 = arith.constant 0 : i32
        %dma_wait3A_112 = tpu.memref_slice %arg9[%dma_wait3A_110, %dma_wait3A_111] : memref<20x128xi32, #tpu.memory_space<vmem>> -> memref<1x128xi32, #tpu.memory_space<vmem>>
        %dma_wait3A_113 = tpu.memref_squeeze %dma_wait3A_112 : memref<1x128xi32, #tpu.memory_space<vmem>> -> memref<128xi32, #tpu.memory_space<vmem>>
        %dma_wait3A_114 = arith.constant 0 : i32
        %dma_wait3A_115 = arith.constant 0 : i32
        %dma_wait3A_116 = tpu.memref_slice %arg4[%dma_wait3A_114, %dma_wait3A_115] : memref<10000x128xf32, #tpu.memory_space<hbm>> -> memref<10000x128xf32, #tpu.memory_space<hbm>>
        tpu.wait_indirect_dma semaphore(%arg15 : memref<!tpu.dma_semaphore, #tpu.memory_space<semaphore_mem>>) src(%dma_wait3A_116 : memref<10000x128xf32, #tpu.memory_space<hbm>>) dst(%arg12 : memref<128x128xf32, #tpu.memory_space<vmem>>)
        %dma_wait3A_117 = arith.constant 0 : i32
        %dma_wait3A_118 = arith.constant 0 : i32
        %dma_wait3A_119 = tpu.memref_slice %arg10[%dma_wait3A_117, %dma_wait3A_118] : memref<20x128xi32, #tpu.memory_space<vmem>> -> memref<1x128xi32, #tpu.memory_space<vmem>>
        %dma_wait3A_120 = tpu.memref_squeeze %dma_wait3A_119 : memref<1x128xi32, #tpu.memory_space<vmem>> -> memref<128xi32, #tpu.memory_space<vmem>>
        %dma_wait3A_121 = arith.constant 0 : i32
        %dma_wait3A_122 = arith.constant 0 : i32
        %dma_wait3A_123 = tpu.memref_slice %arg18[%dma_wait3A_121, %dma_wait3A_122] : memref<10000x16xf32, #tpu.memory_space<vmem_shared>> -> memref<10000x16xf32, #tpu.memory_space<vmem_shared>>
        tpu.wait_indirect_dma semaphore(%arg20 : memref<!tpu.dma_semaphore, #tpu.memory_space<semaphore_mem>>) src(%arg16 : memref<128x16xf32, #tpu.memory_space<vmem>>) dst(%dma_wait3A_123 : memref<10000x16xf32, #tpu.memory_space<vmem_shared>>)
      } else {
      }
    }
    %scan3A_42 = arith.constant 4 : i32
    %barrier3A_43 = arith.constant 0 : index
    tpu.barrier barrier_id(%barrier3A_43)
    %eq3A = arith.constant 0 : i32
    %eq3A_44 = arith.cmpi eq, %arg0, %eq3A : i32
    %convert_element_type3A = arith.extui %eq3A_44 : i1 to i32
    %cond3A = arith.constant 0 : i32
    %cond3A_45 = arith.cmpi ne, %convert_element_type3A, %cond3A : i32
    scf.if %cond3A_45 {
      %mul3A_51 = arith.constant 625 : i32
      %mul3A_52 = arith.muli %arg1, %mul3A_51 : i32
      %mul3A_53 = arith.constant 625 : i32
      %mul3A_54 = arith.muli %arg1, %mul3A_53 : i32
      "tpu.region"() ({
        %run_scoped3A = tpu.sem_alloc : memref<!tpu.dma_semaphore, #tpu.memory_space<semaphore_mem>>
        %dma_start3A = arith.constant 0 : i32
        %dma_start3A_59 = tpu.memref_slice %arg5[%mul3A_54, %dma_start3A] : memref<10000x128xf32, #tpu.memory_space<hbm>> -> memref<625x128xf32, #tpu.memory_space<hbm>>
        %dma_start3A_60 = arith.constant 0 : i32
        %dma_start3A_61 = tpu.memref_slice %arg13[%mul3A_52, %dma_start3A_60] : memref<10000x128xf32, #tpu.memory_space<vmem_shared>> -> memref<625x128xf32, #tpu.memory_space<vmem_shared>>
        tpu.enqueue_dma source(%dma_start3A_61 : memref<625x128xf32, #tpu.memory_space<vmem_shared>>) target(%dma_start3A_59 : memref<625x128xf32, #tpu.memory_space<hbm>>) target_semaphore(%run_scoped3A : memref<!tpu.dma_semaphore, #tpu.memory_space<semaphore_mem>>)
        %dma_wait3A = arith.constant 0 : i32
        %dma_wait3A_62 = tpu.memref_slice %arg5[%mul3A_54, %dma_wait3A] : memref<10000x128xf32, #tpu.memory_space<hbm>> -> memref<625x128xf32, #tpu.memory_space<hbm>>
        %dma_wait3A_63 = arith.constant 0 : i32
        %dma_wait3A_64 = tpu.memref_slice %arg13[%mul3A_52, %dma_wait3A_63] : memref<10000x128xf32, #tpu.memory_space<vmem_shared>> -> memref<625x128xf32, #tpu.memory_space<vmem_shared>>
        tpu.wait_dma2 semaphore(%run_scoped3A : memref<!tpu.dma_semaphore, #tpu.memory_space<semaphore_mem>>) src(%dma_wait3A_64 : memref<625x128xf32, #tpu.memory_space<vmem_shared>>) dst(%dma_wait3A_62 : memref<625x128xf32, #tpu.memory_space<hbm>>)
        tpu.yield
      }) : () -> ()
      %mul3A_55 = arith.constant 625 : i32
      %mul3A_56 = arith.muli %arg1, %mul3A_55 : i32
      %mul3A_57 = arith.constant 625 : i32
      %mul3A_58 = arith.muli %arg1, %mul3A_57 : i32
      "tpu.region"() ({
        %run_scoped3A = tpu.sem_alloc : memref<!tpu.dma_semaphore, #tpu.memory_space<semaphore_mem>>
        %dma_start3A = arith.constant 0 : i32
        %dma_start3A_59 = tpu.memref_slice %arg7[%mul3A_58, %dma_start3A] : memref<10000x16xf32, #tpu.memory_space<hbm>> -> memref<625x16xf32, #tpu.memory_space<hbm>>
        %dma_start3A_60 = arith.constant 0 : i32
        %dma_start3A_61 = tpu.memref_slice %arg18[%mul3A_56, %dma_start3A_60] : memref<10000x16xf32, #tpu.memory_space<vmem_shared>> -> memref<625x16xf32, #tpu.memory_space<vmem_shared>>
        tpu.enqueue_dma source(%dma_start3A_61 : memref<625x16xf32, #tpu.memory_space<vmem_shared>>) target(%dma_start3A_59 : memref<625x16xf32, #tpu.memory_space<hbm>>) target_semaphore(%run_scoped3A : memref<!tpu.dma_semaphore, #tpu.memory_space<semaphore_mem>>)
        %dma_wait3A = arith.constant 0 : i32
        %dma_wait3A_62 = tpu.memref_slice %arg7[%mul3A_58, %dma_wait3A] : memref<10000x16xf32, #tpu.memory_space<hbm>> -> memref<625x16xf32, #tpu.memory_space<hbm>>
        %dma_wait3A_63 = arith.constant 0 : i32
        %dma_wait3A_64 = tpu.memref_slice %arg18[%mul3A_56, %dma_wait3A_63] : memref<10000x16xf32, #tpu.memory_space<vmem_shared>> -> memref<625x16xf32, #tpu.memory_space<vmem_shared>>
        tpu.wait_dma2 semaphore(%run_scoped3A : memref<!tpu.dma_semaphore, #tpu.memory_space<semaphore_mem>>) src(%dma_wait3A_64 : memref<625x16xf32, #tpu.memory_space<vmem_shared>>) dst(%dma_wait3A_62 : memref<625x16xf32, #tpu.memory_space<hbm>>)
        tpu.yield
      }) : () -> ()
    } else {
    }
    %eq3A_46 = arith.constant 1 : i32
    %eq3A_47 = arith.cmpi eq, %arg0, %eq3A_46 : i32
    %convert_element_type3A_48 = arith.extui %eq3A_47 : i1 to i32
    %cond3A_49 = arith.constant 0 : i32
    %cond3A_50 = arith.cmpi ne, %convert_element_type3A_48, %cond3A_49 : i32
    scf.if %cond3A_50 {
      %mul3A_51 = arith.constant 625 : i32
      %mul3A_52 = arith.muli %arg1, %mul3A_51 : i32
      %mul3A_53 = arith.constant 625 : i32
      %mul3A_54 = arith.muli %arg1, %mul3A_53 : i32
      "tpu.region"() ({
        %run_scoped3A = tpu.sem_alloc : memref<!tpu.dma_semaphore, #tpu.memory_space<semaphore_mem>>
        %dma_start3A = arith.constant 0 : i32
        %dma_start3A_59 = tpu.memref_slice %arg6[%mul3A_54, %dma_start3A] : memref<10000x128xf32, #tpu.memory_space<hbm>> -> memref<625x128xf32, #tpu.memory_space<hbm>>
        %dma_start3A_60 = arith.constant 0 : i32
        %dma_start3A_61 = tpu.memref_slice %arg13[%mul3A_52, %dma_start3A_60] : memref<10000x128xf32, #tpu.memory_space<vmem_shared>> -> memref<625x128xf32, #tpu.memory_space<vmem_shared>>
        tpu.enqueue_dma source(%dma_start3A_61 : memref<625x128xf32, #tpu.memory_space<vmem_shared>>) target(%dma_start3A_59 : memref<625x128xf32, #tpu.memory_space<hbm>>) target_semaphore(%run_scoped3A : memref<!tpu.dma_semaphore, #tpu.memory_space<semaphore_mem>>)
        %dma_wait3A = arith.constant 0 : i32
        %dma_wait3A_62 = tpu.memref_slice %arg6[%mul3A_54, %dma_wait3A] : memref<10000x128xf32, #tpu.memory_space<hbm>> -> memref<625x128xf32, #tpu.memory_space<hbm>>
        %dma_wait3A_63 = arith.constant 0 : i32
        %dma_wait3A_64 = tpu.memref_slice %arg13[%mul3A_52, %dma_wait3A_63] : memref<10000x128xf32, #tpu.memory_space<vmem_shared>> -> memref<625x128xf32, #tpu.memory_space<vmem_shared>>
        tpu.wait_dma2 semaphore(%run_scoped3A : memref<!tpu.dma_semaphore, #tpu.memory_space<semaphore_mem>>) src(%dma_wait3A_64 : memref<625x128xf32, #tpu.memory_space<vmem_shared>>) dst(%dma_wait3A_62 : memref<625x128xf32, #tpu.memory_space<hbm>>)
        tpu.yield
      }) : () -> ()
      %mul3A_55 = arith.constant 625 : i32
      %mul3A_56 = arith.muli %arg1, %mul3A_55 : i32
      %mul3A_57 = arith.constant 625 : i32
      %mul3A_58 = arith.muli %arg1, %mul3A_57 : i32
      "tpu.region"() ({
        %run_scoped3A = tpu.sem_alloc : memref<!tpu.dma_semaphore, #tpu.memory_space<semaphore_mem>>
        %dma_start3A = arith.constant 0 : i32
        %dma_start3A_59 = tpu.memref_slice %arg8[%mul3A_58, %dma_start3A] : memref<10000x16xf32, #tpu.memory_space<hbm>> -> memref<625x16xf32, #tpu.memory_space<hbm>>
        %dma_start3A_60 = arith.constant 0 : i32
        %dma_start3A_61 = tpu.memref_slice %arg18[%mul3A_56, %dma_start3A_60] : memref<10000x16xf32, #tpu.memory_space<vmem_shared>> -> memref<625x16xf32, #tpu.memory_space<vmem_shared>>
        tpu.enqueue_dma source(%dma_start3A_61 : memref<625x16xf32, #tpu.memory_space<vmem_shared>>) target(%dma_start3A_59 : memref<625x16xf32, #tpu.memory_space<hbm>>) target_semaphore(%run_scoped3A : memref<!tpu.dma_semaphore, #tpu.memory_space<semaphore_mem>>)
        %dma_wait3A = arith.constant 0 : i32
        %dma_wait3A_62 = tpu.memref_slice %arg8[%mul3A_58, %dma_wait3A] : memref<10000x16xf32, #tpu.memory_space<hbm>> -> memref<625x16xf32, #tpu.memory_space<hbm>>
        %dma_wait3A_63 = arith.constant 0 : i32
        %dma_wait3A_64 = tpu.memref_slice %arg18[%mul3A_56, %dma_wait3A_63] : memref<10000x16xf32, #tpu.memory_space<vmem_shared>> -> memref<625x16xf32, #tpu.memory_space<vmem_shared>>
        tpu.wait_dma2 semaphore(%run_scoped3A : memref<!tpu.dma_semaphore, #tpu.memory_space<semaphore_mem>>) src(%dma_wait3A_64 : memref<625x16xf32, #tpu.memory_space<vmem_shared>>) dst(%dma_wait3A_62 : memref<625x16xf32, #tpu.memory_space<hbm>>)
        tpu.yield
      }) : () -> ()
    } else {
    }
    return
  }
}

#map = affine_map<(d0, d1) -> (0, 0)>
module attributes {stable_mosaic.version = 14 : i64} {
  func.func @body(%arg0: i32, %arg1: i32, %arg2: memref<2500x128xi32, #tpu.memory_space<hbm>>, %arg3: memref<2500x128xi32, #tpu.memory_space<hbm>>, %arg4: memref<10000x128xf32, #tpu.memory_space<hbm>>, %arg5: memref<10000x128xf32, #tpu.memory_space<hbm>>, %arg6: memref<10000x128xf32, #tpu.memory_space<hbm>>, %arg7: memref<20x128xi32, #tpu.memory_space<vmem>>, %arg8: memref<20x128xi32, #tpu.memory_space<vmem>>, %arg9: memref<128x128xf32, #tpu.memory_space<vmem>>, %arg10: memref<128x128xf32, #tpu.memory_space<vmem>>, %arg11: memref<10000x128xf32, #tpu.memory_space<vmem_shared>>, %arg12: memref<!tpu.dma_semaphore, #tpu.memory_space<semaphore_mem>>, %arg13: memref<!tpu.dma_semaphore, #tpu.memory_space<semaphore_mem>>) attributes {dimension_semantics = [#tpu.dimension_semantics<core_parallel>, #tpu.dimension_semantics<subcore_parallel>], iteration_bounds = array<i64: 2, 16>, scalar_prefetch = 0 : i64, scratch_operands = 7 : i64, tpu.core_type = #tpu.core_type<sc_vector_subcore>, window_params = [{transform_indices = #map}, {transform_indices = #map}, {transform_indices = #map}, {transform_indices = #map}, {transform_indices = #map}]} {
    %mul3A = arith.constant 16 : i32
    %mul3A_0 = arith.muli %arg0, %mul3A : i32
    %add3A = arith.addi %mul3A_0, %arg1 : i32
    %broadcast_in_dim3A = arith.constant 0.000000e+00 : f32
    %broadcast_in_dim3A_1 = vector.broadcast %broadcast_in_dim3A : f32 to vector<16xf32>
    %scan3A = arith.constant 0 : i32
    %scan3A_2 = arith.constant 128 : i32
    %scan3A_3 = arith.addi %scan3A, %scan3A_2 : i32
    %scan3A_4 = arith.constant 1 : i32
    scf.for %scan3A_28 = %scan3A to %scan3A_3 step %scan3A_4  : i32 {
      %mul3A_29 = arith.constant 1 : i32
      %mul3A_30 = arith.muli %scan3A_28, %mul3A_29 : i32
      %add3A_31 = arith.constant 0 : i32
      %add3A_32 = arith.addi %add3A_31, %mul3A_30 : i32
      %swap3A = arith.index_cast %add3A_32 : i32 to index
      %swap3A_33 = arith.constant 0 : index
      %swap3A_34 = tpu.vector_load %arg9[%swap3A, %swap3A_33] {strides = array<i32>} : memref<128x128xf32, #tpu.memory_space<vmem>>, vector<1x16xf32>,
      %swap3A_35 = vector.shape_cast %swap3A_34 : vector<1x16xf32> to vector<16xf32>
      %swap3A_36 = vector.shape_cast %broadcast_in_dim3A_1 : vector<16xf32> to vector<1x16xf32>
      tpu.vector_store %arg9[%swap3A, %swap3A_33], %swap3A_36 {strides = array<i32>} : memref<128x128xf32, #tpu.memory_space<vmem>>, vector<1x16xf32>,
      %swap3A_37 = arith.index_cast %add3A_32 : i32 to index
      %swap3A_38 = arith.constant 16 : index
      %swap3A_39 = tpu.vector_load %arg9[%swap3A_37, %swap3A_38] {strides = array<i32>} : memref<128x128xf32, #tpu.memory_space<vmem>>, vector<1x16xf32>,
      %swap3A_40 = vector.shape_cast %swap3A_39 : vector<1x16xf32> to vector<16xf32>
      %swap3A_41 = vector.shape_cast %broadcast_in_dim3A_1 : vector<16xf32> to vector<1x16xf32>
      tpu.vector_store %arg9[%swap3A_37, %swap3A_38], %swap3A_41 {strides = array<i32>} : memref<128x128xf32, #tpu.memory_space<vmem>>, vector<1x16xf32>,
      %swap3A_42 = arith.index_cast %add3A_32 : i32 to index
      %swap3A_43 = arith.constant 32 : index
      %swap3A_44 = tpu.vector_load %arg9[%swap3A_42, %swap3A_43] {strides = array<i32>} : memref<128x128xf32, #tpu.memory_space<vmem>>, vector<1x16xf32>,
      %swap3A_45 = vector.shape_cast %swap3A_44 : vector<1x16xf32> to vector<16xf32>
      %swap3A_46 = vector.shape_cast %broadcast_in_dim3A_1 : vector<16xf32> to vector<1x16xf32>
      tpu.vector_store %arg9[%swap3A_42, %swap3A_43], %swap3A_46 {strides = array<i32>} : memref<128x128xf32, #tpu.memory_space<vmem>>, vector<1x16xf32>,
      %swap3A_47 = arith.index_cast %add3A_32 : i32 to index
      %swap3A_48 = arith.constant 48 : index
      %swap3A_49 = tpu.vector_load %arg9[%swap3A_47, %swap3A_48] {strides = array<i32>} : memref<128x128xf32, #tpu.memory_space<vmem>>, vector<1x16xf32>,
      %swap3A_50 = vector.shape_cast %swap3A_49 : vector<1x16xf32> to vector<16xf32>
      %swap3A_51 = vector.shape_cast %broadcast_in_dim3A_1 : vector<16xf32> to vector<1x16xf32>
      tpu.vector_store %arg9[%swap3A_47, %swap3A_48], %swap3A_51 {strides = array<i32>} : memref<128x128xf32, #tpu.memory_space<vmem>>, vector<1x16xf32>,
      %swap3A_52 = arith.index_cast %add3A_32 : i32 to index
      %swap3A_53 = arith.constant 64 : index
      %swap3A_54 = tpu.vector_load %arg9[%swap3A_52, %swap3A_53] {strides = array<i32>} : memref<128x128xf32, #tpu.memory_space<vmem>>, vector<1x16xf32>,
      %swap3A_55 = vector.shape_cast %swap3A_54 : vector<1x16xf32> to vector<16xf32>
      %swap3A_56 = vector.shape_cast %broadcast_in_dim3A_1 : vector<16xf32> to vector<1x16xf32>
      tpu.vector_store %arg9[%swap3A_52, %swap3A_53], %swap3A_56 {strides = array<i32>} : memref<128x128xf32, #tpu.memory_space<vmem>>, vector<1x16xf32>,
      %swap3A_57 = arith.index_cast %add3A_32 : i32 to index
      %swap3A_58 = arith.constant 80 : index
      %swap3A_59 = tpu.vector_load %arg9[%swap3A_57, %swap3A_58] {strides = array<i32>} : memref<128x128xf32, #tpu.memory_space<vmem>>, vector<1x16xf32>,
      %swap3A_60 = vector.shape_cast %swap3A_59 : vector<1x16xf32> to vector<16xf32>
      %swap3A_61 = vector.shape_cast %broadcast_in_dim3A_1 : vector<16xf32> to vector<1x16xf32>
      tpu.vector_store %arg9[%swap3A_57, %swap3A_58], %swap3A_61 {strides = array<i32>} : memref<128x128xf32, #tpu.memory_space<vmem>>, vector<1x16xf32>,
      %swap3A_62 = arith.index_cast %add3A_32 : i32 to index
      %swap3A_63 = arith.constant 96 : index
      %swap3A_64 = tpu.vector_load %arg9[%swap3A_62, %swap3A_63] {strides = array<i32>} : memref<128x128xf32, #tpu.memory_space<vmem>>, vector<1x16xf32>,
      %swap3A_65 = vector.shape_cast %swap3A_64 : vector<1x16xf32> to vector<16xf32>
      %swap3A_66 = vector.shape_cast %broadcast_in_dim3A_1 : vector<16xf32> to vector<1x16xf32>
      tpu.vector_store %arg9[%swap3A_62, %swap3A_63], %swap3A_66 {strides = array<i32>} : memref<128x128xf32, #tpu.memory_space<vmem>>, vector<1x16xf32>,
      %swap3A_67 = arith.index_cast %add3A_32 : i32 to index
      %swap3A_68 = arith.constant 112 : index
      %swap3A_69 = tpu.vector_load %arg9[%swap3A_67, %swap3A_68] {strides = array<i32>} : memref<128x128xf32, #tpu.memory_space<vmem>>, vector<1x16xf32>,
      %swap3A_70 = vector.shape_cast %swap3A_69 : vector<1x16xf32> to vector<16xf32>
      %swap3A_71 = vector.shape_cast %broadcast_in_dim3A_1 : vector<16xf32> to vector<1x16xf32>
      tpu.vector_store %arg9[%swap3A_67, %swap3A_68], %swap3A_71 {strides = array<i32>} : memref<128x128xf32, #tpu.memory_space<vmem>>, vector<1x16xf32>,
    }
    %scan3A_5 = arith.constant 128 : i32
    %mul3A_6 = arith.constant 625 : i32
    %mul3A_7 = arith.muli %arg1, %mul3A_6 : i32
    %scan3A_8 = arith.constant 0 : i32
    %scan3A_9 = arith.constant 4 : i32
    %scan3A_10 = arith.addi %scan3A_8, %scan3A_9 : i32
    %scan3A_11 = arith.constant 1 : i32
    scf.for %scan3A_28 = %scan3A_8 to %scan3A_10 step %scan3A_11  : i32 {
      %mul3A_29 = arith.constant 1 : i32
      %mul3A_30 = arith.muli %scan3A_28, %mul3A_29 : i32
      %add3A_31 = arith.constant 0 : i32
      %add3A_32 = arith.addi %add3A_31, %mul3A_30 : i32
      %mul3A_33 = arith.constant 128 : i32
      %mul3A_34 = arith.muli %add3A_32, %mul3A_33 : i32
      %add3A_35 = arith.addi %mul3A_7, %mul3A_34 : i32
      "tpu.region"() ({
        %run_scoped3A = tpu.sem_alloc : memref<!tpu.dma_semaphore, #tpu.memory_space<semaphore_mem>>
        %dma_start3A = arith.constant 0 : i32
        %dma_start3A_36 = tpu.memref_slice %arg11[%add3A_35, %dma_start3A] : memref<10000x128xf32, #tpu.memory_space<vmem_shared>> -> memref<128x128xf32, #tpu.memory_space<vmem_shared>>
        %dma_start3A_37 = arith.constant 0 : i32
        %dma_start3A_38 = tpu.memref_slice %arg11[%add3A_35, %dma_start3A_37] : memref<10000x128xf32, #tpu.memory_space<vmem_shared>> -> memref<128x128xf32, #tpu.memory_space<vmem_shared>>
        tpu.enqueue_dma source(%arg9 : memref<128x128xf32, #tpu.memory_space<vmem>>) target(%dma_start3A_38 : memref<128x128xf32, #tpu.memory_space<vmem_shared>>) target_semaphore(%run_scoped3A : memref<!tpu.dma_semaphore, #tpu.memory_space<semaphore_mem>>)
        %dma_wait3A = arith.constant 0 : i32
        %dma_wait3A_39 = tpu.memref_slice %arg11[%add3A_35, %dma_wait3A] : memref<10000x128xf32, #tpu.memory_space<vmem_shared>> -> memref<128x128xf32, #tpu.memory_space<vmem_shared>>
        %dma_wait3A_40 = arith.constant 0 : i32
        %dma_wait3A_41 = tpu.memref_slice %arg11[%add3A_35, %dma_wait3A_40] : memref<10000x128xf32, #tpu.memory_space<vmem_shared>> -> memref<128x128xf32, #tpu.memory_space<vmem_shared>>
        tpu.wait_dma2 semaphore(%run_scoped3A : memref<!tpu.dma_semaphore, #tpu.memory_space<semaphore_mem>>) src(%arg9 : memref<128x128xf32, #tpu.memory_space<vmem>>) dst(%dma_wait3A_41 : memref<128x128xf32, #tpu.memory_space<vmem_shared>>)
        tpu.yield
      }) : () -> ()
    }
    %scan3A_12 = arith.constant 4 : i32
    %add3A_13 = arith.constant 512 : i32
    %add3A_14 = arith.addi %mul3A_7, %add3A_13 : i32
    "tpu.region"() ({
      %run_scoped3A = tpu.sem_alloc : memref<!tpu.dma_semaphore, #tpu.memory_space<semaphore_mem>>
      %dma_start3A = arith.constant 0 : i32
      %dma_start3A_28 = arith.constant 0 : i32
      %dma_start3A_29 = tpu.memref_slice %arg9[%dma_start3A, %dma_start3A_28] : memref<128x128xf32, #tpu.memory_space<vmem>> -> memref<113x128xf32, #tpu.memory_space<vmem>>
      %dma_start3A_30 = arith.constant 0 : i32
      %dma_start3A_31 = tpu.memref_slice %arg11[%add3A_14, %dma_start3A_30] : memref<10000x128xf32, #tpu.memory_space<vmem_shared>> -> memref<113x128xf32, #tpu.memory_space<vmem_shared>>
      %dma_start3A_32 = arith.constant 0 : i32
      %dma_start3A_33 = tpu.memref_slice %arg11[%add3A_14, %dma_start3A_32] : memref<10000x128xf32, #tpu.memory_space<vmem_shared>> -> memref<113x128xf32, #tpu.memory_space<vmem_shared>>
      %dma_start3A_34 = arith.constant 0 : i32
      %dma_start3A_35 = arith.constant 0 : i32
      %dma_start3A_36 = tpu.memref_slice %arg9[%dma_start3A_34, %dma_start3A_35] : memref<128x128xf32, #tpu.memory_space<vmem>> -> memref<113x128xf32, #tpu.memory_space<vmem>>
      tpu.enqueue_dma source(%dma_start3A_36 : memref<113x128xf32, #tpu.memory_space<vmem>>) target(%dma_start3A_33 : memref<113x128xf32, #tpu.memory_space<vmem_shared>>) target_semaphore(%run_scoped3A : memref<!tpu.dma_semaphore, #tpu.memory_space<semaphore_mem>>)
      %dma_wait3A = arith.constant 0 : i32
      %dma_wait3A_37 = arith.constant 0 : i32
      %dma_wait3A_38 = tpu.memref_slice %arg9[%dma_wait3A, %dma_wait3A_37] : memref<128x128xf32, #tpu.memory_space<vmem>> -> memref<113x128xf32, #tpu.memory_space<vmem>>
      %dma_wait3A_39 = arith.constant 0 : i32
      %dma_wait3A_40 = tpu.memref_slice %arg11[%add3A_14, %dma_wait3A_39] : memref<10000x128xf32, #tpu.memory_space<vmem_shared>> -> memref<113x128xf32, #tpu.memory_space<vmem_shared>>
      %dma_wait3A_41 = arith.constant 0 : i32
      %dma_wait3A_42 = tpu.memref_slice %arg11[%add3A_14, %dma_wait3A_41] : memref<10000x128xf32, #tpu.memory_space<vmem_shared>> -> memref<113x128xf32, #tpu.memory_space<vmem_shared>>
      %dma_wait3A_43 = arith.constant 0 : i32
      %dma_wait3A_44 = arith.constant 0 : i32
      %dma_wait3A_45 = tpu.memref_slice %arg9[%dma_wait3A_43, %dma_wait3A_44] : memref<128x128xf32, #tpu.memory_space<vmem>> -> memref<113x128xf32, #tpu.memory_space<vmem>>
      tpu.wait_dma2 semaphore(%run_scoped3A : memref<!tpu.dma_semaphore, #tpu.memory_space<semaphore_mem>>) src(%dma_wait3A_45 : memref<113x128xf32, #tpu.memory_space<vmem>>) dst(%dma_wait3A_42 : memref<113x128xf32, #tpu.memory_space<vmem_shared>>)
      tpu.yield
    }) : () -> ()
    %barrier3A = arith.constant 0 : index
    tpu.barrier barrier_id(%barrier3A)
    %scan3A_15 = arith.constant 0 : i32
    %scan3A_16 = arith.constant 4 : i32
    %scan3A_17 = arith.addi %scan3A_15, %scan3A_16 : i32
    %scan3A_18 = arith.constant 1 : i32
    scf.for %scan3A_28 = %scan3A_15 to %scan3A_17 step %scan3A_18  : i32 {
      %mul3A_29 = arith.constant 1 : i32
      %mul3A_30 = arith.muli %scan3A_28, %mul3A_29 : i32
      %add3A_31 = arith.constant 0 : i32
      %add3A_32 = arith.addi %add3A_31, %mul3A_30 : i32
      %mul3A_33 = arith.constant 80 : i32
      %mul3A_34 = arith.muli %add3A, %mul3A_33 : i32
      %mul3A_35 = arith.constant 20 : i32
      %mul3A_36 = arith.muli %add3A_32, %mul3A_35 : i32
      %add3A_37 = arith.addi %mul3A_34, %mul3A_36 : i32
      %lt3A = arith.constant 2500 : i32
      %lt3A_38 = arith.cmpi slt, %add3A_37, %lt3A : i32
      %convert_element_type3A_39 = arith.extui %lt3A_38 : i1 to i32
      %cond3A_40 = arith.constant 0 : i32
      %cond3A_41 = arith.cmpi ne, %convert_element_type3A_39, %cond3A_40 : i32
      scf.if %cond3A_41 {
        "tpu.region"() ({
          %run_scoped3A = tpu.sem_alloc : memref<!tpu.dma_semaphore, #tpu.memory_space<semaphore_mem>>
          %dma_start3A_73 = arith.constant 0 : i32
          %dma_start3A_74 = tpu.memref_slice %arg2[%add3A_37, %dma_start3A_73] : memref<2500x128xi32, #tpu.memory_space<hbm>> -> memref<20x128xi32, #tpu.memory_space<hbm>>
          %dma_start3A_75 = arith.constant 0 : i32
          %dma_start3A_76 = tpu.memref_slice %arg2[%add3A_37, %dma_start3A_75] : memref<2500x128xi32, #tpu.memory_space<hbm>> -> memref<20x128xi32, #tpu.memory_space<hbm>>
          tpu.enqueue_dma source(%dma_start3A_76 : memref<20x128xi32, #tpu.memory_space<hbm>>) target(%arg7 : memref<20x128xi32, #tpu.memory_space<vmem>>) target_semaphore(%run_scoped3A : memref<!tpu.dma_semaphore, #tpu.memory_space<semaphore_mem>>)
          %dma_wait3A_77 = arith.constant 0 : i32
          %dma_wait3A_78 = tpu.memref_slice %arg2[%add3A_37, %dma_wait3A_77] : memref<2500x128xi32, #tpu.memory_space<hbm>> -> memref<20x128xi32, #tpu.memory_space<hbm>>
          %dma_wait3A_79 = arith.constant 0 : i32
          %dma_wait3A_80 = tpu.memref_slice %arg2[%add3A_37, %dma_wait3A_79] : memref<2500x128xi32, #tpu.memory_space<hbm>> -> memref<20x128xi32, #tpu.memory_space<hbm>>
          tpu.wait_dma2 semaphore(%run_scoped3A : memref<!tpu.dma_semaphore, #tpu.memory_space<semaphore_mem>>) src(%dma_wait3A_80 : memref<20x128xi32, #tpu.memory_space<hbm>>) dst(%arg7 : memref<20x128xi32, #tpu.memory_space<vmem>>)
          tpu.yield
        }) : () -> ()
        "tpu.region"() ({
          %run_scoped3A = tpu.sem_alloc : memref<!tpu.dma_semaphore, #tpu.memory_space<semaphore_mem>>
          %dma_start3A_73 = arith.constant 0 : i32
          %dma_start3A_74 = tpu.memref_slice %arg3[%add3A_37, %dma_start3A_73] : memref<2500x128xi32, #tpu.memory_space<hbm>> -> memref<20x128xi32, #tpu.memory_space<hbm>>
          %dma_start3A_75 = arith.constant 0 : i32
          %dma_start3A_76 = tpu.memref_slice %arg3[%add3A_37, %dma_start3A_75] : memref<2500x128xi32, #tpu.memory_space<hbm>> -> memref<20x128xi32, #tpu.memory_space<hbm>>
          tpu.enqueue_dma source(%dma_start3A_76 : memref<20x128xi32, #tpu.memory_space<hbm>>) target(%arg8 : memref<20x128xi32, #tpu.memory_space<vmem>>) target_semaphore(%run_scoped3A : memref<!tpu.dma_semaphore, #tpu.memory_space<semaphore_mem>>)
          %dma_wait3A_77 = arith.constant 0 : i32
          %dma_wait3A_78 = tpu.memref_slice %arg3[%add3A_37, %dma_wait3A_77] : memref<2500x128xi32, #tpu.memory_space<hbm>> -> memref<20x128xi32, #tpu.memory_space<hbm>>
          %dma_wait3A_79 = arith.constant 0 : i32
          %dma_wait3A_80 = tpu.memref_slice %arg3[%add3A_37, %dma_wait3A_79] : memref<2500x128xi32, #tpu.memory_space<hbm>> -> memref<20x128xi32, #tpu.memory_space<hbm>>
          tpu.wait_dma2 semaphore(%run_scoped3A : memref<!tpu.dma_semaphore, #tpu.memory_space<semaphore_mem>>) src(%dma_wait3A_80 : memref<20x128xi32, #tpu.memory_space<hbm>>) dst(%arg8 : memref<20x128xi32, #tpu.memory_space<vmem>>)
          tpu.yield
        }) : () -> ()
        %dma_start3A = arith.constant 0 : i32
        %dma_start3A_42 = arith.constant 0 : i32
        %dma_start3A_43 = tpu.memref_slice %arg7[%dma_start3A, %dma_start3A_42] : memref<20x128xi32, #tpu.memory_space<vmem>> -> memref<1x128xi32, #tpu.memory_space<vmem>>
        %dma_start3A_44 = tpu.memref_squeeze %dma_start3A_43 : memref<1x128xi32, #tpu.memory_space<vmem>> -> memref<128xi32, #tpu.memory_space<vmem>>
        %dma_start3A_45 = arith.constant 0 : i32
        %dma_start3A_46 = arith.constant 0 : i32
        %dma_start3A_47 = tpu.memref_slice %arg4[%dma_start3A_45, %dma_start3A_46] : memref<10000x128xf32, #tpu.memory_space<hbm>> -> memref<10000x128xf32, #tpu.memory_space<hbm>>
        tpu.enqueue_indirect_dma source(%dma_start3A_47 : memref<10000x128xf32, #tpu.memory_space<hbm>>) target(%arg9 : memref<128x128xf32, #tpu.memory_space<vmem>>) offsets(%dma_start3A_44 : memref<128xi32, #tpu.memory_space<vmem>>) semaphore(%arg12 : memref<!tpu.dma_semaphore, #tpu.memory_space<semaphore_mem>>)
        %dma_start3A_48 = arith.constant 1 : i32
        %dma_start3A_49 = arith.constant 0 : i32
        %dma_start3A_50 = tpu.memref_slice %arg7[%dma_start3A_48, %dma_start3A_49] : memref<20x128xi32, #tpu.memory_space<vmem>> -> memref<1x128xi32, #tpu.memory_space<vmem>>
        %dma_start3A_51 = tpu.memref_squeeze %dma_start3A_50 : memref<1x128xi32, #tpu.memory_space<vmem>> -> memref<128xi32, #tpu.memory_space<vmem>>
        %dma_start3A_52 = arith.constant 0 : i32
        %dma_start3A_53 = arith.constant 0 : i32
        %dma_start3A_54 = tpu.memref_slice %arg4[%dma_start3A_52, %dma_start3A_53] : memref<10000x128xf32, #tpu.memory_space<hbm>> -> memref<10000x128xf32, #tpu.memory_space<hbm>>
        tpu.enqueue_indirect_dma source(%dma_start3A_54 : memref<10000x128xf32, #tpu.memory_space<hbm>>) target(%arg10 : memref<128x128xf32, #tpu.memory_space<vmem>>) offsets(%dma_start3A_51 : memref<128xi32, #tpu.memory_space<vmem>>) semaphore(%arg13 : memref<!tpu.dma_semaphore, #tpu.memory_space<semaphore_mem>>)
        %scan3A_55 = arith.constant 0 : i32
        %scan3A_56 = arith.constant 9 : i32
        %scan3A_57 = arith.addi %scan3A_55, %scan3A_56 : i32
        %scan3A_58 = arith.constant 1 : i32
        scf.for %scan3A_73 = %scan3A_55 to %scan3A_57 step %scan3A_58  : i32 {
          %mul3A_74 = arith.constant 1 : i32
          %mul3A_75 = arith.muli %scan3A_73, %mul3A_74 : i32
          %add3A_76 = arith.constant 0 : i32
          %add3A_77 = arith.addi %add3A_76, %mul3A_75 : i32
          %mul3A_78 = arith.constant 2 : i32
          %mul3A_79 = arith.muli %mul3A_78, %add3A_77 : i32
          %dma_wait3A_80 = arith.constant 0 : i32
          %dma_wait3A_81 = arith.constant 0 : i32
          %dma_wait3A_82 = tpu.memref_slice %arg7[%dma_wait3A_80, %dma_wait3A_81] : memref<20x128xi32, #tpu.memory_space<vmem>> -> memref<1x128xi32, #tpu.memory_space<vmem>>
          %dma_wait3A_83 = tpu.memref_squeeze %dma_wait3A_82 : memref<1x128xi32, #tpu.memory_space<vmem>> -> memref<128xi32, #tpu.memory_space<vmem>>
          %dma_wait3A_84 = arith.constant 0 : i32
          %dma_wait3A_85 = arith.constant 0 : i32
          %dma_wait3A_86 = tpu.memref_slice %arg4[%dma_wait3A_84, %dma_wait3A_85] : memref<10000x128xf32, #tpu.memory_space<hbm>> -> memref<10000x128xf32, #tpu.memory_space<hbm>>
          tpu.wait_indirect_dma semaphore(%arg12 : memref<!tpu.dma_semaphore, #tpu.memory_space<semaphore_mem>>) src(%dma_wait3A_86 : memref<10000x128xf32, #tpu.memory_space<hbm>>) dst(%arg9 : memref<128x128xf32, #tpu.memory_space<vmem>>)
          %add3A_87 = arith.constant 2 : i32
          %add3A_88 = arith.addi %mul3A_79, %add3A_87 : i32
          %dma_start3A_89 = arith.constant 0 : i32
          %dma_start3A_90 = tpu.memref_slice %arg7[%add3A_88, %dma_start3A_89] : memref<20x128xi32, #tpu.memory_space<vmem>> -> memref<1x128xi32, #tpu.memory_space<vmem>>
          %dma_start3A_91 = tpu.memref_squeeze %dma_start3A_90 : memref<1x128xi32, #tpu.memory_space<vmem>> -> memref<128xi32, #tpu.memory_space<vmem>>
          %dma_start3A_92 = arith.constant 0 : i32
          %dma_start3A_93 = arith.constant 0 : i32
          %dma_start3A_94 = tpu.memref_slice %arg4[%dma_start3A_92, %dma_start3A_93] : memref<10000x128xf32, #tpu.memory_space<hbm>> -> memref<10000x128xf32, #tpu.memory_space<hbm>>
          tpu.enqueue_indirect_dma source(%dma_start3A_94 : memref<10000x128xf32, #tpu.memory_space<hbm>>) target(%arg9 : memref<128x128xf32, #tpu.memory_space<vmem>>) offsets(%dma_start3A_91 : memref<128xi32, #tpu.memory_space<vmem>>) semaphore(%arg12 : memref<!tpu.dma_semaphore, #tpu.memory_space<semaphore_mem>>)
          %dma_wait3A_95 = arith.constant 0 : i32
          %dma_wait3A_96 = arith.constant 0 : i32
          %dma_wait3A_97 = tpu.memref_slice %arg7[%dma_wait3A_95, %dma_wait3A_96] : memref<20x128xi32, #tpu.memory_space<vmem>> -> memref<1x128xi32, #tpu.memory_space<vmem>>
          %dma_wait3A_98 = tpu.memref_squeeze %dma_wait3A_97 : memref<1x128xi32, #tpu.memory_space<vmem>> -> memref<128xi32, #tpu.memory_space<vmem>>
          %dma_wait3A_99 = arith.constant 0 : i32
          %dma_wait3A_100 = arith.constant 0 : i32
          %dma_wait3A_101 = tpu.memref_slice %arg4[%dma_wait3A_99, %dma_wait3A_100] : memref<10000x128xf32, #tpu.memory_space<hbm>> -> memref<10000x128xf32, #tpu.memory_space<hbm>>
          tpu.wait_indirect_dma semaphore(%arg13 : memref<!tpu.dma_semaphore, #tpu.memory_space<semaphore_mem>>) src(%dma_wait3A_101 : memref<10000x128xf32, #tpu.memory_space<hbm>>) dst(%arg10 : memref<128x128xf32, #tpu.memory_space<vmem>>)
          %add3A_102 = arith.constant 1 : i32
          %add3A_103 = arith.addi %mul3A_79, %add3A_102 : i32
          %add3A_104 = arith.constant 3 : i32
          %add3A_105 = arith.addi %mul3A_79, %add3A_104 : i32
          %dma_start3A_106 = arith.constant 0 : i32
          %dma_start3A_107 = tpu.memref_slice %arg7[%add3A_105, %dma_start3A_106] : memref<20x128xi32, #tpu.memory_space<vmem>> -> memref<1x128xi32, #tpu.memory_space<vmem>>
          %dma_start3A_108 = tpu.memref_squeeze %dma_start3A_107 : memref<1x128xi32, #tpu.memory_space<vmem>> -> memref<128xi32, #tpu.memory_space<vmem>>
          %dma_start3A_109 = arith.constant 0 : i32
          %dma_start3A_110 = arith.constant 0 : i32
          %dma_start3A_111 = tpu.memref_slice %arg4[%dma_start3A_109, %dma_start3A_110] : memref<10000x128xf32, #tpu.memory_space<hbm>> -> memref<10000x128xf32, #tpu.memory_space<hbm>>
          tpu.enqueue_indirect_dma source(%dma_start3A_111 : memref<10000x128xf32, #tpu.memory_space<hbm>>) target(%arg10 : memref<128x128xf32, #tpu.memory_space<vmem>>) offsets(%dma_start3A_108 : memref<128xi32, #tpu.memory_space<vmem>>) semaphore(%arg13 : memref<!tpu.dma_semaphore, #tpu.memory_space<semaphore_mem>>)
        }
        %scan3A_59 = arith.constant 9 : i32
        %dma_wait3A = arith.constant 0 : i32
        %dma_wait3A_60 = arith.constant 0 : i32
        %dma_wait3A_61 = tpu.memref_slice %arg7[%dma_wait3A, %dma_wait3A_60] : memref<20x128xi32, #tpu.memory_space<vmem>> -> memref<1x128xi32, #tpu.memory_space<vmem>>
        %dma_wait3A_62 = tpu.memref_squeeze %dma_wait3A_61 : memref<1x128xi32, #tpu.memory_space<vmem>> -> memref<128xi32, #tpu.memory_space<vmem>>
        %dma_wait3A_63 = arith.constant 0 : i32
        %dma_wait3A_64 = arith.constant 0 : i32
        %dma_wait3A_65 = tpu.memref_slice %arg4[%dma_wait3A_63, %dma_wait3A_64] : memref<10000x128xf32, #tpu.memory_space<hbm>> -> memref<10000x128xf32, #tpu.memory_space<hbm>>
        tpu.wait_indirect_dma semaphore(%arg12 : memref<!tpu.dma_semaphore, #tpu.memory_space<semaphore_mem>>) src(%dma_wait3A_65 : memref<10000x128xf32, #tpu.memory_space<hbm>>) dst(%arg9 : memref<128x128xf32, #tpu.memory_space<vmem>>)
        %dma_wait3A_66 = arith.constant 0 : i32
        %dma_wait3A_67 = arith.constant 0 : i32
        %dma_wait3A_68 = tpu.memref_slice %arg7[%dma_wait3A_66, %dma_wait3A_67] : memref<20x128xi32, #tpu.memory_space<vmem>> -> memref<1x128xi32, #tpu.memory_space<vmem>>
        %dma_wait3A_69 = tpu.memref_squeeze %dma_wait3A_68 : memref<1x128xi32, #tpu.memory_space<vmem>> -> memref<128xi32, #tpu.memory_space<vmem>>
        %dma_wait3A_70 = arith.constant 0 : i32
        %dma_wait3A_71 = arith.constant 0 : i32
        %dma_wait3A_72 = tpu.memref_slice %arg4[%dma_wait3A_70, %dma_wait3A_71] : memref<10000x128xf32, #tpu.memory_space<hbm>> -> memref<10000x128xf32, #tpu.memory_space<hbm>>
        tpu.wait_indirect_dma semaphore(%arg13 : memref<!tpu.dma_semaphore, #tpu.memory_space<semaphore_mem>>) src(%dma_wait3A_72 : memref<10000x128xf32, #tpu.memory_space<hbm>>) dst(%arg10 : memref<128x128xf32, #tpu.memory_space<vmem>>)
      } else {
      }
    }
    %scan3A_19 = arith.constant 4 : i32
    %barrier3A_20 = arith.constant 0 : index
    tpu.barrier barrier_id(%barrier3A_20)
    %eq3A = arith.constant 0 : i32
    %eq3A_21 = arith.cmpi eq, %arg0, %eq3A : i32
    %convert_element_type3A = arith.extui %eq3A_21 : i1 to i32
    %cond3A = arith.constant 0 : i32
    %cond3A_22 = arith.cmpi ne, %convert_element_type3A, %cond3A : i32
    scf.if %cond3A_22 {
      %mul3A_28 = arith.constant 625 : i32
      %mul3A_29 = arith.muli %arg1, %mul3A_28 : i32
      %mul3A_30 = arith.constant 625 : i32
      %mul3A_31 = arith.muli %arg1, %mul3A_30 : i32
      "tpu.region"() ({
        %run_scoped3A = tpu.sem_alloc : memref<!tpu.dma_semaphore, #tpu.memory_space<semaphore_mem>>
        %dma_start3A = arith.constant 0 : i32
        %dma_start3A_32 = tpu.memref_slice %arg5[%mul3A_31, %dma_start3A] : memref<10000x128xf32, #tpu.memory_space<hbm>> -> memref<625x128xf32, #tpu.memory_space<hbm>>
        %dma_start3A_33 = arith.constant 0 : i32
        %dma_start3A_34 = tpu.memref_slice %arg11[%mul3A_29, %dma_start3A_33] : memref<10000x128xf32, #tpu.memory_space<vmem_shared>> -> memref<625x128xf32, #tpu.memory_space<vmem_shared>>
        tpu.enqueue_dma source(%dma_start3A_34 : memref<625x128xf32, #tpu.memory_space<vmem_shared>>) target(%dma_start3A_32 : memref<625x128xf32, #tpu.memory_space<hbm>>) target_semaphore(%run_scoped3A : memref<!tpu.dma_semaphore, #tpu.memory_space<semaphore_mem>>)
        %dma_wait3A = arith.constant 0 : i32
        %dma_wait3A_35 = tpu.memref_slice %arg5[%mul3A_31, %dma_wait3A] : memref<10000x128xf32, #tpu.memory_space<hbm>> -> memref<625x128xf32, #tpu.memory_space<hbm>>
        %dma_wait3A_36 = arith.constant 0 : i32
        %dma_wait3A_37 = tpu.memref_slice %arg11[%mul3A_29, %dma_wait3A_36] : memref<10000x128xf32, #tpu.memory_space<vmem_shared>> -> memref<625x128xf32, #tpu.memory_space<vmem_shared>>
        tpu.wait_dma2 semaphore(%run_scoped3A : memref<!tpu.dma_semaphore, #tpu.memory_space<semaphore_mem>>) src(%dma_wait3A_37 : memref<625x128xf32, #tpu.memory_space<vmem_shared>>) dst(%dma_wait3A_35 : memref<625x128xf32, #tpu.memory_space<hbm>>)
        tpu.yield
      }) : () -> ()
    } else {
    }
    %eq3A_23 = arith.constant 1 : i32
    %eq3A_24 = arith.cmpi eq, %arg0, %eq3A_23 : i32
    %convert_element_type3A_25 = arith.extui %eq3A_24 : i1 to i32
    %cond3A_26 = arith.constant 0 : i32
    %cond3A_27 = arith.cmpi ne, %convert_element_type3A_25, %cond3A_26 : i32
    scf.if %cond3A_27 {
      %mul3A_28 = arith.constant 625 : i32
      %mul3A_29 = arith.muli %arg1, %mul3A_28 : i32
      %mul3A_30 = arith.constant 625 : i32
      %mul3A_31 = arith.muli %arg1, %mul3A_30 : i32
      "tpu.region"() ({
        %run_scoped3A = tpu.sem_alloc : memref<!tpu.dma_semaphore, #tpu.memory_space<semaphore_mem>>
        %dma_start3A = arith.constant 0 : i32
        %dma_start3A_32 = tpu.memref_slice %arg6[%mul3A_31, %dma_start3A] : memref<10000x128xf32, #tpu.memory_space<hbm>> -> memref<625x128xf32, #tpu.memory_space<hbm>>
        %dma_start3A_33 = arith.constant 0 : i32
        %dma_start3A_34 = tpu.memref_slice %arg11[%mul3A_29, %dma_start3A_33] : memref<10000x128xf32, #tpu.memory_space<vmem_shared>> -> memref<625x128xf32, #tpu.memory_space<vmem_shared>>
        tpu.enqueue_dma source(%dma_start3A_34 : memref<625x128xf32, #tpu.memory_space<vmem_shared>>) target(%dma_start3A_32 : memref<625x128xf32, #tpu.memory_space<hbm>>) target_semaphore(%run_scoped3A : memref<!tpu.dma_semaphore, #tpu.memory_space<semaphore_mem>>)
        %dma_wait3A = arith.constant 0 : i32
        %dma_wait3A_35 = tpu.memref_slice %arg6[%mul3A_31, %dma_wait3A] : memref<10000x128xf32, #tpu.memory_space<hbm>> -> memref<625x128xf32, #tpu.memory_space<hbm>>
        %dma_wait3A_36 = arith.constant 0 : i32
        %dma_wait3A_37 = tpu.memref_slice %arg11[%mul3A_29, %dma_wait3A_36] : memref<10000x128xf32, #tpu.memory_space<vmem_shared>> -> memref<625x128xf32, #tpu.memory_space<vmem_shared>>
        tpu.wait_dma2 semaphore(%run_scoped3A : memref<!tpu.dma_semaphore, #tpu.memory_space<semaphore_mem>>) src(%dma_wait3A_37 : memref<625x128xf32, #tpu.memory_space<vmem_shared>>) dst(%dma_wait3A_35 : memref<625x128xf32, #tpu.memory_space<hbm>>)
        tpu.yield
      }) : () -> ()
    } else {
    }
    return
  }
}

#map = affine_map<(d0, d1) -> (0, 0)>
module attributes {stable_mosaic.version = 14 : i64} {
  func.func @body(%arg0: i32, %arg1: i32, %arg2: memref<2500x128xi32, #tpu.memory_space<hbm>>, %arg3: memref<2500x128xi32, #tpu.memory_space<hbm>>, %arg4: memref<10000x128xf32, #tpu.memory_space<hbm>>, %arg5: memref<10000x128xf32, #tpu.memory_space<hbm>>, %arg6: memref<10000x128xf32, #tpu.memory_space<hbm>>, %arg7: memref<20x128xi32, #tpu.memory_space<vmem>>, %arg8: memref<20x128xi32, #tpu.memory_space<vmem>>, %arg9: memref<128x128xf32, #tpu.memory_space<vmem>>, %arg10: memref<128x128xf32, #tpu.memory_space<vmem>>, %arg11: memref<10000x128xf32, #tpu.memory_space<vmem_shared>>, %arg12: memref<!tpu.dma_semaphore, #tpu.memory_space<semaphore_mem>>, %arg13: memref<!tpu.dma_semaphore, #tpu.memory_space<semaphore_mem>>) attributes {dimension_semantics = [#tpu.dimension_semantics<core_parallel>, #tpu.dimension_semantics<subcore_parallel>], iteration_bounds = array<i64: 2, 16>, scalar_prefetch = 0 : i64, scratch_operands = 7 : i64, tpu.core_type = #tpu.core_type<sc_vector_subcore>, window_params = [{transform_indices = #map}, {transform_indices = #map}, {transform_indices = #map}, {transform_indices = #map}, {transform_indices = #map}]} {
    %mul3A = arith.constant 16 : i32
    %mul3A_0 = arith.muli %arg0, %mul3A : i32
    %add3A = arith.addi %mul3A_0, %arg1 : i32
    %broadcast_in_dim3A = arith.constant 0.000000e+00 : f32
    %broadcast_in_dim3A_1 = vector.broadcast %broadcast_in_dim3A : f32 to vector<16xf32>
    %scan3A = arith.constant 0 : i32
    %scan3A_2 = arith.constant 128 : i32
    %scan3A_3 = arith.addi %scan3A, %scan3A_2 : i32
    %scan3A_4 = arith.constant 1 : i32
    scf.for %scan3A_28 = %scan3A to %scan3A_3 step %scan3A_4  : i32 {
      %mul3A_29 = arith.constant 1 : i32
      %mul3A_30 = arith.muli %scan3A_28, %mul3A_29 : i32
      %add3A_31 = arith.constant 0 : i32
      %add3A_32 = arith.addi %add3A_31, %mul3A_30 : i32
      %swap3A = arith.index_cast %add3A_32 : i32 to index
      %swap3A_33 = arith.constant 0 : index
      %swap3A_34 = tpu.vector_load %arg9[%swap3A, %swap3A_33] {strides = array<i32>} : memref<128x128xf32, #tpu.memory_space<vmem>>, vector<1x16xf32>,
      %swap3A_35 = vector.shape_cast %swap3A_34 : vector<1x16xf32> to vector<16xf32>
      %swap3A_36 = vector.shape_cast %broadcast_in_dim3A_1 : vector<16xf32> to vector<1x16xf32>
      tpu.vector_store %arg9[%swap3A, %swap3A_33], %swap3A_36 {strides = array<i32>} : memref<128x128xf32, #tpu.memory_space<vmem>>, vector<1x16xf32>,
      %swap3A_37 = arith.index_cast %add3A_32 : i32 to index
      %swap3A_38 = arith.constant 16 : index
      %swap3A_39 = tpu.vector_load %arg9[%swap3A_37, %swap3A_38] {strides = array<i32>} : memref<128x128xf32, #tpu.memory_space<vmem>>, vector<1x16xf32>,
      %swap3A_40 = vector.shape_cast %swap3A_39 : vector<1x16xf32> to vector<16xf32>
      %swap3A_41 = vector.shape_cast %broadcast_in_dim3A_1 : vector<16xf32> to vector<1x16xf32>
      tpu.vector_store %arg9[%swap3A_37, %swap3A_38], %swap3A_41 {strides = array<i32>} : memref<128x128xf32, #tpu.memory_space<vmem>>, vector<1x16xf32>,
      %swap3A_42 = arith.index_cast %add3A_32 : i32 to index
      %swap3A_43 = arith.constant 32 : index
      %swap3A_44 = tpu.vector_load %arg9[%swap3A_42, %swap3A_43] {strides = array<i32>} : memref<128x128xf32, #tpu.memory_space<vmem>>, vector<1x16xf32>,
      %swap3A_45 = vector.shape_cast %swap3A_44 : vector<1x16xf32> to vector<16xf32>
      %swap3A_46 = vector.shape_cast %broadcast_in_dim3A_1 : vector<16xf32> to vector<1x16xf32>
      tpu.vector_store %arg9[%swap3A_42, %swap3A_43], %swap3A_46 {strides = array<i32>} : memref<128x128xf32, #tpu.memory_space<vmem>>, vector<1x16xf32>,
      %swap3A_47 = arith.index_cast %add3A_32 : i32 to index
      %swap3A_48 = arith.constant 48 : index
      %swap3A_49 = tpu.vector_load %arg9[%swap3A_47, %swap3A_48] {strides = array<i32>} : memref<128x128xf32, #tpu.memory_space<vmem>>, vector<1x16xf32>,
      %swap3A_50 = vector.shape_cast %swap3A_49 : vector<1x16xf32> to vector<16xf32>
      %swap3A_51 = vector.shape_cast %broadcast_in_dim3A_1 : vector<16xf32> to vector<1x16xf32>
      tpu.vector_store %arg9[%swap3A_47, %swap3A_48], %swap3A_51 {strides = array<i32>} : memref<128x128xf32, #tpu.memory_space<vmem>>, vector<1x16xf32>,
      %swap3A_52 = arith.index_cast %add3A_32 : i32 to index
      %swap3A_53 = arith.constant 64 : index
      %swap3A_54 = tpu.vector_load %arg9[%swap3A_52, %swap3A_53] {strides = array<i32>} : memref<128x128xf32, #tpu.memory_space<vmem>>, vector<1x16xf32>,
      %swap3A_55 = vector.shape_cast %swap3A_54 : vector<1x16xf32> to vector<16xf32>
      %swap3A_56 = vector.shape_cast %broadcast_in_dim3A_1 : vector<16xf32> to vector<1x16xf32>
      tpu.vector_store %arg9[%swap3A_52, %swap3A_53], %swap3A_56 {strides = array<i32>} : memref<128x128xf32, #tpu.memory_space<vmem>>, vector<1x16xf32>,
      %swap3A_57 = arith.index_cast %add3A_32 : i32 to index
      %swap3A_58 = arith.constant 80 : index
      %swap3A_59 = tpu.vector_load %arg9[%swap3A_57, %swap3A_58] {strides = array<i32>} : memref<128x128xf32, #tpu.memory_space<vmem>>, vector<1x16xf32>,
      %swap3A_60 = vector.shape_cast %swap3A_59 : vector<1x16xf32> to vector<16xf32>
      %swap3A_61 = vector.shape_cast %broadcast_in_dim3A_1 : vector<16xf32> to vector<1x16xf32>
      tpu.vector_store %arg9[%swap3A_57, %swap3A_58], %swap3A_61 {strides = array<i32>} : memref<128x128xf32, #tpu.memory_space<vmem>>, vector<1x16xf32>,
      %swap3A_62 = arith.index_cast %add3A_32 : i32 to index
      %swap3A_63 = arith.constant 96 : index
      %swap3A_64 = tpu.vector_load %arg9[%swap3A_62, %swap3A_63] {strides = array<i32>} : memref<128x128xf32, #tpu.memory_space<vmem>>, vector<1x16xf32>,
      %swap3A_65 = vector.shape_cast %swap3A_64 : vector<1x16xf32> to vector<16xf32>
      %swap3A_66 = vector.shape_cast %broadcast_in_dim3A_1 : vector<16xf32> to vector<1x16xf32>
      tpu.vector_store %arg9[%swap3A_62, %swap3A_63], %swap3A_66 {strides = array<i32>} : memref<128x128xf32, #tpu.memory_space<vmem>>, vector<1x16xf32>,
      %swap3A_67 = arith.index_cast %add3A_32 : i32 to index
      %swap3A_68 = arith.constant 112 : index
      %swap3A_69 = tpu.vector_load %arg9[%swap3A_67, %swap3A_68] {strides = array<i32>} : memref<128x128xf32, #tpu.memory_space<vmem>>, vector<1x16xf32>,
      %swap3A_70 = vector.shape_cast %swap3A_69 : vector<1x16xf32> to vector<16xf32>
      %swap3A_71 = vector.shape_cast %broadcast_in_dim3A_1 : vector<16xf32> to vector<1x16xf32>
      tpu.vector_store %arg9[%swap3A_67, %swap3A_68], %swap3A_71 {strides = array<i32>} : memref<128x128xf32, #tpu.memory_space<vmem>>, vector<1x16xf32>,
    }
    %scan3A_5 = arith.constant 128 : i32
    %mul3A_6 = arith.constant 625 : i32
    %mul3A_7 = arith.muli %arg1, %mul3A_6 : i32
    %scan3A_8 = arith.constant 0 : i32
    %scan3A_9 = arith.constant 4 : i32
    %scan3A_10 = arith.addi %scan3A_8, %scan3A_9 : i32
    %scan3A_11 = arith.constant 1 : i32
    scf.for %scan3A_28 = %scan3A_8 to %scan3A_10 step %scan3A_11  : i32 {
      %mul3A_29 = arith.constant 1 : i32
      %mul3A_30 = arith.muli %scan3A_28, %mul3A_29 : i32
      %add3A_31 = arith.constant 0 : i32
      %add3A_32 = arith.addi %add3A_31, %mul3A_30 : i32
      %mul3A_33 = arith.constant 128 : i32
      %mul3A_34 = arith.muli %add3A_32, %mul3A_33 : i32
      %add3A_35 = arith.addi %mul3A_7, %mul3A_34 : i32
      "tpu.region"() ({
        %run_scoped3A = tpu.sem_alloc : memref<!tpu.dma_semaphore, #tpu.memory_space<semaphore_mem>>
        %dma_start3A = arith.constant 0 : i32
        %dma_start3A_36 = tpu.memref_slice %arg11[%add3A_35, %dma_start3A] : memref<10000x128xf32, #tpu.memory_space<vmem_shared>> -> memref<128x128xf32, #tpu.memory_space<vmem_shared>>
        %dma_start3A_37 = arith.constant 0 : i32
        %dma_start3A_38 = tpu.memref_slice %arg11[%add3A_35, %dma_start3A_37] : memref<10000x128xf32, #tpu.memory_space<vmem_shared>> -> memref<128x128xf32, #tpu.memory_space<vmem_shared>>
        tpu.enqueue_dma source(%arg9 : memref<128x128xf32, #tpu.memory_space<vmem>>) target(%dma_start3A_38 : memref<128x128xf32, #tpu.memory_space<vmem_shared>>) target_semaphore(%run_scoped3A : memref<!tpu.dma_semaphore, #tpu.memory_space<semaphore_mem>>)
        %dma_wait3A = arith.constant 0 : i32
        %dma_wait3A_39 = tpu.memref_slice %arg11[%add3A_35, %dma_wait3A] : memref<10000x128xf32, #tpu.memory_space<vmem_shared>> -> memref<128x128xf32, #tpu.memory_space<vmem_shared>>
        %dma_wait3A_40 = arith.constant 0 : i32
        %dma_wait3A_41 = tpu.memref_slice %arg11[%add3A_35, %dma_wait3A_40] : memref<10000x128xf32, #tpu.memory_space<vmem_shared>> -> memref<128x128xf32, #tpu.memory_space<vmem_shared>>
        tpu.wait_dma2 semaphore(%run_scoped3A : memref<!tpu.dma_semaphore, #tpu.memory_space<semaphore_mem>>) src(%arg9 : memref<128x128xf32, #tpu.memory_space<vmem>>) dst(%dma_wait3A_41 : memref<128x128xf32, #tpu.memory_space<vmem_shared>>)
        tpu.yield
      }) : () -> ()
    }
    %scan3A_12 = arith.constant 4 : i32
    %add3A_13 = arith.constant 512 : i32
    %add3A_14 = arith.addi %mul3A_7, %add3A_13 : i32
    "tpu.region"() ({
      %run_scoped3A = tpu.sem_alloc : memref<!tpu.dma_semaphore, #tpu.memory_space<semaphore_mem>>
      %dma_start3A = arith.constant 0 : i32
      %dma_start3A_28 = arith.constant 0 : i32
      %dma_start3A_29 = tpu.memref_slice %arg9[%dma_start3A, %dma_start3A_28] : memref<128x128xf32, #tpu.memory_space<vmem>> -> memref<113x128xf32, #tpu.memory_space<vmem>>
      %dma_start3A_30 = arith.constant 0 : i32
      %dma_start3A_31 = tpu.memref_slice %arg11[%add3A_14, %dma_start3A_30] : memref<10000x128xf32, #tpu.memory_space<vmem_shared>> -> memref<113x128xf32, #tpu.memory_space<vmem_shared>>
      %dma_start3A_32 = arith.constant 0 : i32
      %dma_start3A_33 = tpu.memref_slice %arg11[%add3A_14, %dma_start3A_32] : memref<10000x128xf32, #tpu.memory_space<vmem_shared>> -> memref<113x128xf32, #tpu.memory_space<vmem_shared>>
      %dma_start3A_34 = arith.constant 0 : i32
      %dma_start3A_35 = arith.constant 0 : i32
      %dma_start3A_36 = tpu.memref_slice %arg9[%dma_start3A_34, %dma_start3A_35] : memref<128x128xf32, #tpu.memory_space<vmem>> -> memref<113x128xf32, #tpu.memory_space<vmem>>
      tpu.enqueue_dma source(%dma_start3A_36 : memref<113x128xf32, #tpu.memory_space<vmem>>) target(%dma_start3A_33 : memref<113x128xf32, #tpu.memory_space<vmem_shared>>) target_semaphore(%run_scoped3A : memref<!tpu.dma_semaphore, #tpu.memory_space<semaphore_mem>>)
      %dma_wait3A = arith.constant 0 : i32
      %dma_wait3A_37 = arith.constant 0 : i32
      %dma_wait3A_38 = tpu.memref_slice %arg9[%dma_wait3A, %dma_wait3A_37] : memref<128x128xf32, #tpu.memory_space<vmem>> -> memref<113x128xf32, #tpu.memory_space<vmem>>
      %dma_wait3A_39 = arith.constant 0 : i32
      %dma_wait3A_40 = tpu.memref_slice %arg11[%add3A_14, %dma_wait3A_39] : memref<10000x128xf32, #tpu.memory_space<vmem_shared>> -> memref<113x128xf32, #tpu.memory_space<vmem_shared>>
      %dma_wait3A_41 = arith.constant 0 : i32
      %dma_wait3A_42 = tpu.memref_slice %arg11[%add3A_14, %dma_wait3A_41] : memref<10000x128xf32, #tpu.memory_space<vmem_shared>> -> memref<113x128xf32, #tpu.memory_space<vmem_shared>>
      %dma_wait3A_43 = arith.constant 0 : i32
      %dma_wait3A_44 = arith.constant 0 : i32
      %dma_wait3A_45 = tpu.memref_slice %arg9[%dma_wait3A_43, %dma_wait3A_44] : memref<128x128xf32, #tpu.memory_space<vmem>> -> memref<113x128xf32, #tpu.memory_space<vmem>>
      tpu.wait_dma2 semaphore(%run_scoped3A : memref<!tpu.dma_semaphore, #tpu.memory_space<semaphore_mem>>) src(%dma_wait3A_45 : memref<113x128xf32, #tpu.memory_space<vmem>>) dst(%dma_wait3A_42 : memref<113x128xf32, #tpu.memory_space<vmem_shared>>)
      tpu.yield
    }) : () -> ()
    %barrier3A = arith.constant 0 : index
    tpu.barrier barrier_id(%barrier3A)
    %scan3A_15 = arith.constant 0 : i32
    %scan3A_16 = arith.constant 4 : i32
    %scan3A_17 = arith.addi %scan3A_15, %scan3A_16 : i32
    %scan3A_18 = arith.constant 1 : i32
    scf.for %scan3A_28 = %scan3A_15 to %scan3A_17 step %scan3A_18  : i32 {
      %mul3A_29 = arith.constant 1 : i32
      %mul3A_30 = arith.muli %scan3A_28, %mul3A_29 : i32
      %add3A_31 = arith.constant 0 : i32
      %add3A_32 = arith.addi %add3A_31, %mul3A_30 : i32
      %mul3A_33 = arith.constant 80 : i32
      %mul3A_34 = arith.muli %add3A, %mul3A_33 : i32
      %mul3A_35 = arith.constant 20 : i32
      %mul3A_36 = arith.muli %add3A_32, %mul3A_35 : i32
      %add3A_37 = arith.addi %mul3A_34, %mul3A_36 : i32
      %lt3A = arith.constant 2500 : i32
      %lt3A_38 = arith.cmpi slt, %add3A_37, %lt3A : i32
      %convert_element_type3A_39 = arith.extui %lt3A_38 : i1 to i32
      %cond3A_40 = arith.constant 0 : i32
      %cond3A_41 = arith.cmpi ne, %convert_element_type3A_39, %cond3A_40 : i32
      scf.if %cond3A_41 {
        "tpu.region"() ({
          %run_scoped3A = tpu.sem_alloc : memref<!tpu.dma_semaphore, #tpu.memory_space<semaphore_mem>>
          %dma_start3A_73 = arith.constant 0 : i32
          %dma_start3A_74 = tpu.memref_slice %arg2[%add3A_37, %dma_start3A_73] : memref<2500x128xi32, #tpu.memory_space<hbm>> -> memref<20x128xi32, #tpu.memory_space<hbm>>
          %dma_start3A_75 = arith.constant 0 : i32
          %dma_start3A_76 = tpu.memref_slice %arg2[%add3A_37, %dma_start3A_75] : memref<2500x128xi32, #tpu.memory_space<hbm>> -> memref<20x128xi32, #tpu.memory_space<hbm>>
          tpu.enqueue_dma source(%dma_start3A_76 : memref<20x128xi32, #tpu.memory_space<hbm>>) target(%arg7 : memref<20x128xi32, #tpu.memory_space<vmem>>) target_semaphore(%run_scoped3A : memref<!tpu.dma_semaphore, #tpu.memory_space<semaphore_mem>>)
          %dma_wait3A_77 = arith.constant 0 : i32
          %dma_wait3A_78 = tpu.memref_slice %arg2[%add3A_37, %dma_wait3A_77] : memref<2500x128xi32, #tpu.memory_space<hbm>> -> memref<20x128xi32, #tpu.memory_space<hbm>>
          %dma_wait3A_79 = arith.constant 0 : i32
          %dma_wait3A_80 = tpu.memref_slice %arg2[%add3A_37, %dma_wait3A_79] : memref<2500x128xi32, #tpu.memory_space<hbm>> -> memref<20x128xi32, #tpu.memory_space<hbm>>
          tpu.wait_dma2 semaphore(%run_scoped3A : memref<!tpu.dma_semaphore, #tpu.memory_space<semaphore_mem>>) src(%dma_wait3A_80 : memref<20x128xi32, #tpu.memory_space<hbm>>) dst(%arg7 : memref<20x128xi32, #tpu.memory_space<vmem>>)
          tpu.yield
        }) : () -> ()
        "tpu.region"() ({
          %run_scoped3A = tpu.sem_alloc : memref<!tpu.dma_semaphore, #tpu.memory_space<semaphore_mem>>
          %dma_start3A_73 = arith.constant 0 : i32
          %dma_start3A_74 = tpu.memref_slice %arg3[%add3A_37, %dma_start3A_73] : memref<2500x128xi32, #tpu.memory_space<hbm>> -> memref<20x128xi32, #tpu.memory_space<hbm>>
          %dma_start3A_75 = arith.constant 0 : i32
          %dma_start3A_76 = tpu.memref_slice %arg3[%add3A_37, %dma_start3A_75] : memref<2500x128xi32, #tpu.memory_space<hbm>> -> memref<20x128xi32, #tpu.memory_space<hbm>>
          tpu.enqueue_dma source(%dma_start3A_76 : memref<20x128xi32, #tpu.memory_space<hbm>>) target(%arg8 : memref<20x128xi32, #tpu.memory_space<vmem>>) target_semaphore(%run_scoped3A : memref<!tpu.dma_semaphore, #tpu.memory_space<semaphore_mem>>)
          %dma_wait3A_77 = arith.constant 0 : i32
          %dma_wait3A_78 = tpu.memref_slice %arg3[%add3A_37, %dma_wait3A_77] : memref<2500x128xi32, #tpu.memory_space<hbm>> -> memref<20x128xi32, #tpu.memory_space<hbm>>
          %dma_wait3A_79 = arith.constant 0 : i32
          %dma_wait3A_80 = tpu.memref_slice %arg3[%add3A_37, %dma_wait3A_79] : memref<2500x128xi32, #tpu.memory_space<hbm>> -> memref<20x128xi32, #tpu.memory_space<hbm>>
          tpu.wait_dma2 semaphore(%run_scoped3A : memref<!tpu.dma_semaphore, #tpu.memory_space<semaphore_mem>>) src(%dma_wait3A_80 : memref<20x128xi32, #tpu.memory_space<hbm>>) dst(%arg8 : memref<20x128xi32, #tpu.memory_space<vmem>>)
          tpu.yield
        }) : () -> ()
        %dma_start3A = arith.constant 0 : i32
        %dma_start3A_42 = arith.constant 0 : i32
        %dma_start3A_43 = tpu.memref_slice %arg7[%dma_start3A, %dma_start3A_42] : memref<20x128xi32, #tpu.memory_space<vmem>> -> memref<1x128xi32, #tpu.memory_space<vmem>>
        %dma_start3A_44 = tpu.memref_squeeze %dma_start3A_43 : memref<1x128xi32, #tpu.memory_space<vmem>> -> memref<128xi32, #tpu.memory_space<vmem>>
        %dma_start3A_45 = arith.constant 0 : i32
        %dma_start3A_46 = arith.constant 0 : i32
        %dma_start3A_47 = tpu.memref_slice %arg4[%dma_start3A_45, %dma_start3A_46] : memref<10000x128xf32, #tpu.memory_space<hbm>> -> memref<10000x128xf32, #tpu.memory_space<hbm>>
        tpu.enqueue_indirect_dma source(%dma_start3A_47 : memref<10000x128xf32, #tpu.memory_space<hbm>>) target(%arg9 : memref<128x128xf32, #tpu.memory_space<vmem>>) offsets(%dma_start3A_44 : memref<128xi32, #tpu.memory_space<vmem>>) semaphore(%arg12 : memref<!tpu.dma_semaphore, #tpu.memory_space<semaphore_mem>>)
        %dma_start3A_48 = arith.constant 1 : i32
        %dma_start3A_49 = arith.constant 0 : i32
        %dma_start3A_50 = tpu.memref_slice %arg7[%dma_start3A_48, %dma_start3A_49] : memref<20x128xi32, #tpu.memory_space<vmem>> -> memref<1x128xi32, #tpu.memory_space<vmem>>
        %dma_start3A_51 = tpu.memref_squeeze %dma_start3A_50 : memref<1x128xi32, #tpu.memory_space<vmem>> -> memref<128xi32, #tpu.memory_space<vmem>>
        %dma_start3A_52 = arith.constant 0 : i32
        %dma_start3A_53 = arith.constant 0 : i32
        %dma_start3A_54 = tpu.memref_slice %arg4[%dma_start3A_52, %dma_start3A_53] : memref<10000x128xf32, #tpu.memory_space<hbm>> -> memref<10000x128xf32, #tpu.memory_space<hbm>>
        tpu.enqueue_indirect_dma source(%dma_start3A_54 : memref<10000x128xf32, #tpu.memory_space<hbm>>) target(%arg10 : memref<128x128xf32, #tpu.memory_space<vmem>>) offsets(%dma_start3A_51 : memref<128xi32, #tpu.memory_space<vmem>>) semaphore(%arg13 : memref<!tpu.dma_semaphore, #tpu.memory_space<semaphore_mem>>)
        %scan3A_55 = arith.constant 0 : i32
        %scan3A_56 = arith.constant 9 : i32
        %scan3A_57 = arith.addi %scan3A_55, %scan3A_56 : i32
        %scan3A_58 = arith.constant 1 : i32
        scf.for %scan3A_73 = %scan3A_55 to %scan3A_57 step %scan3A_58  : i32 {
          %mul3A_74 = arith.constant 1 : i32
          %mul3A_75 = arith.muli %scan3A_73, %mul3A_74 : i32
          %add3A_76 = arith.constant 0 : i32
          %add3A_77 = arith.addi %add3A_76, %mul3A_75 : i32
          %mul3A_78 = arith.constant 2 : i32
          %mul3A_79 = arith.muli %mul3A_78, %add3A_77 : i32
          %dma_wait3A_80 = arith.constant 0 : i32
          %dma_wait3A_81 = arith.constant 0 : i32
          %dma_wait3A_82 = tpu.memref_slice %arg7[%dma_wait3A_80, %dma_wait3A_81] : memref<20x128xi32, #tpu.memory_space<vmem>> -> memref<1x128xi32, #tpu.memory_space<vmem>>
          %dma_wait3A_83 = tpu.memref_squeeze %dma_wait3A_82 : memref<1x128xi32, #tpu.memory_space<vmem>> -> memref<128xi32, #tpu.memory_space<vmem>>
          %dma_wait3A_84 = arith.constant 0 : i32
          %dma_wait3A_85 = arith.constant 0 : i32
          %dma_wait3A_86 = tpu.memref_slice %arg4[%dma_wait3A_84, %dma_wait3A_85] : memref<10000x128xf32, #tpu.memory_space<hbm>> -> memref<10000x128xf32, #tpu.memory_space<hbm>>
          tpu.wait_indirect_dma semaphore(%arg12 : memref<!tpu.dma_semaphore, #tpu.memory_space<semaphore_mem>>) src(%dma_wait3A_86 : memref<10000x128xf32, #tpu.memory_space<hbm>>) dst(%arg9 : memref<128x128xf32, #tpu.memory_space<vmem>>)
          %add3A_87 = arith.constant 2 : i32
          %add3A_88 = arith.addi %mul3A_79, %add3A_87 : i32
          %dma_start3A_89 = arith.constant 0 : i32
          %dma_start3A_90 = tpu.memref_slice %arg7[%add3A_88, %dma_start3A_89] : memref<20x128xi32, #tpu.memory_space<vmem>> -> memref<1x128xi32, #tpu.memory_space<vmem>>
          %dma_start3A_91 = tpu.memref_squeeze %dma_start3A_90 : memref<1x128xi32, #tpu.memory_space<vmem>> -> memref<128xi32, #tpu.memory_space<vmem>>
          %dma_start3A_92 = arith.constant 0 : i32
          %dma_start3A_93 = arith.constant 0 : i32
          %dma_start3A_94 = tpu.memref_slice %arg4[%dma_start3A_92, %dma_start3A_93] : memref<10000x128xf32, #tpu.memory_space<hbm>> -> memref<10000x128xf32, #tpu.memory_space<hbm>>
          tpu.enqueue_indirect_dma source(%dma_start3A_94 : memref<10000x128xf32, #tpu.memory_space<hbm>>) target(%arg9 : memref<128x128xf32, #tpu.memory_space<vmem>>) offsets(%dma_start3A_91 : memref<128xi32, #tpu.memory_space<vmem>>) semaphore(%arg12 : memref<!tpu.dma_semaphore, #tpu.memory_space<semaphore_mem>>)
          %dma_wait3A_95 = arith.constant 0 : i32
          %dma_wait3A_96 = arith.constant 0 : i32
          %dma_wait3A_97 = tpu.memref_slice %arg7[%dma_wait3A_95, %dma_wait3A_96] : memref<20x128xi32, #tpu.memory_space<vmem>> -> memref<1x128xi32, #tpu.memory_space<vmem>>
          %dma_wait3A_98 = tpu.memref_squeeze %dma_wait3A_97 : memref<1x128xi32, #tpu.memory_space<vmem>> -> memref<128xi32, #tpu.memory_space<vmem>>
          %dma_wait3A_99 = arith.constant 0 : i32
          %dma_wait3A_100 = arith.constant 0 : i32
          %dma_wait3A_101 = tpu.memref_slice %arg4[%dma_wait3A_99, %dma_wait3A_100] : memref<10000x128xf32, #tpu.memory_space<hbm>> -> memref<10000x128xf32, #tpu.memory_space<hbm>>
          tpu.wait_indirect_dma semaphore(%arg13 : memref<!tpu.dma_semaphore, #tpu.memory_space<semaphore_mem>>) src(%dma_wait3A_101 : memref<10000x128xf32, #tpu.memory_space<hbm>>) dst(%arg10 : memref<128x128xf32, #tpu.memory_space<vmem>>)
          %add3A_102 = arith.constant 1 : i32
          %add3A_103 = arith.addi %mul3A_79, %add3A_102 : i32
          %add3A_104 = arith.constant 3 : i32
          %add3A_105 = arith.addi %mul3A_79, %add3A_104 : i32
          %dma_start3A_106 = arith.constant 0 : i32
          %dma_start3A_107 = tpu.memref_slice %arg7[%add3A_105, %dma_start3A_106] : memref<20x128xi32, #tpu.memory_space<vmem>> -> memref<1x128xi32, #tpu.memory_space<vmem>>
          %dma_start3A_108 = tpu.memref_squeeze %dma_start3A_107 : memref<1x128xi32, #tpu.memory_space<vmem>> -> memref<128xi32, #tpu.memory_space<vmem>>
          %dma_start3A_109 = arith.constant 0 : i32
          %dma_start3A_110 = arith.constant 0 : i32
          %dma_start3A_111 = tpu.memref_slice %arg4[%dma_start3A_109, %dma_start3A_110] : memref<10000x128xf32, #tpu.memory_space<hbm>> -> memref<10000x128xf32, #tpu.memory_space<hbm>>
          tpu.enqueue_indirect_dma source(%dma_start3A_111 : memref<10000x128xf32, #tpu.memory_space<hbm>>) target(%arg10 : memref<128x128xf32, #tpu.memory_space<vmem>>) offsets(%dma_start3A_108 : memref<128xi32, #tpu.memory_space<vmem>>) semaphore(%arg13 : memref<!tpu.dma_semaphore, #tpu.memory_space<semaphore_mem>>)
        }
        %scan3A_59 = arith.constant 9 : i32
        %dma_wait3A = arith.constant 0 : i32
        %dma_wait3A_60 = arith.constant 0 : i32
        %dma_wait3A_61 = tpu.memref_slice %arg7[%dma_wait3A, %dma_wait3A_60] : memref<20x128xi32, #tpu.memory_space<vmem>> -> memref<1x128xi32, #tpu.memory_space<vmem>>
        %dma_wait3A_62 = tpu.memref_squeeze %dma_wait3A_61 : memref<1x128xi32, #tpu.memory_space<vmem>> -> memref<128xi32, #tpu.memory_space<vmem>>
        %dma_wait3A_63 = arith.constant 0 : i32
        %dma_wait3A_64 = arith.constant 0 : i32
        %dma_wait3A_65 = tpu.memref_slice %arg4[%dma_wait3A_63, %dma_wait3A_64] : memref<10000x128xf32, #tpu.memory_space<hbm>> -> memref<10000x128xf32, #tpu.memory_space<hbm>>
        tpu.wait_indirect_dma semaphore(%arg12 : memref<!tpu.dma_semaphore, #tpu.memory_space<semaphore_mem>>) src(%dma_wait3A_65 : memref<10000x128xf32, #tpu.memory_space<hbm>>) dst(%arg9 : memref<128x128xf32, #tpu.memory_space<vmem>>)
        %dma_wait3A_66 = arith.constant 0 : i32
        %dma_wait3A_67 = arith.constant 0 : i32
        %dma_wait3A_68 = tpu.memref_slice %arg7[%dma_wait3A_66, %dma_wait3A_67] : memref<20x128xi32, #tpu.memory_space<vmem>> -> memref<1x128xi32, #tpu.memory_space<vmem>>
        %dma_wait3A_69 = tpu.memref_squeeze %dma_wait3A_68 : memref<1x128xi32, #tpu.memory_space<vmem>> -> memref<128xi32, #tpu.memory_space<vmem>>
        %dma_wait3A_70 = arith.constant 0 : i32
        %dma_wait3A_71 = arith.constant 0 : i32
        %dma_wait3A_72 = tpu.memref_slice %arg4[%dma_wait3A_70, %dma_wait3A_71] : memref<10000x128xf32, #tpu.memory_space<hbm>> -> memref<10000x128xf32, #tpu.memory_space<hbm>>
        tpu.wait_indirect_dma semaphore(%arg13 : memref<!tpu.dma_semaphore, #tpu.memory_space<semaphore_mem>>) src(%dma_wait3A_72 : memref<10000x128xf32, #tpu.memory_space<hbm>>) dst(%arg10 : memref<128x128xf32, #tpu.memory_space<vmem>>)
      } else {
      }
    }
    %scan3A_19 = arith.constant 4 : i32
    %barrier3A_20 = arith.constant 0 : index
    tpu.barrier barrier_id(%barrier3A_20)
    %eq3A = arith.constant 0 : i32
    %eq3A_21 = arith.cmpi eq, %arg0, %eq3A : i32
    %convert_element_type3A = arith.extui %eq3A_21 : i1 to i32
    %cond3A = arith.constant 0 : i32
    %cond3A_22 = arith.cmpi ne, %convert_element_type3A, %cond3A : i32
    scf.if %cond3A_22 {
      %mul3A_28 = arith.constant 625 : i32
      %mul3A_29 = arith.muli %arg1, %mul3A_28 : i32
      %mul3A_30 = arith.constant 625 : i32
      %mul3A_31 = arith.muli %arg1, %mul3A_30 : i32
      "tpu.region"() ({
        %run_scoped3A = tpu.sem_alloc : memref<!tpu.dma_semaphore, #tpu.memory_space<semaphore_mem>>
        %dma_start3A = arith.constant 0 : i32
        %dma_start3A_32 = tpu.memref_slice %arg5[%mul3A_31, %dma_start3A] : memref<10000x128xf32, #tpu.memory_space<hbm>> -> memref<625x128xf32, #tpu.memory_space<hbm>>
        %dma_start3A_33 = arith.constant 0 : i32
        %dma_start3A_34 = tpu.memref_slice %arg11[%mul3A_29, %dma_start3A_33] : memref<10000x128xf32, #tpu.memory_space<vmem_shared>> -> memref<625x128xf32, #tpu.memory_space<vmem_shared>>
        tpu.enqueue_dma source(%dma_start3A_34 : memref<625x128xf32, #tpu.memory_space<vmem_shared>>) target(%dma_start3A_32 : memref<625x128xf32, #tpu.memory_space<hbm>>) target_semaphore(%run_scoped3A : memref<!tpu.dma_semaphore, #tpu.memory_space<semaphore_mem>>)
        %dma_wait3A = arith.constant 0 : i32
        %dma_wait3A_35 = tpu.memref_slice %arg5[%mul3A_31, %dma_wait3A] : memref<10000x128xf32, #tpu.memory_space<hbm>> -> memref<625x128xf32, #tpu.memory_space<hbm>>
        %dma_wait3A_36 = arith.constant 0 : i32
        %dma_wait3A_37 = tpu.memref_slice %arg11[%mul3A_29, %dma_wait3A_36] : memref<10000x128xf32, #tpu.memory_space<vmem_shared>> -> memref<625x128xf32, #tpu.memory_space<vmem_shared>>
        tpu.wait_dma2 semaphore(%run_scoped3A : memref<!tpu.dma_semaphore, #tpu.memory_space<semaphore_mem>>) src(%dma_wait3A_37 : memref<625x128xf32, #tpu.memory_space<vmem_shared>>) dst(%dma_wait3A_35 : memref<625x128xf32, #tpu.memory_space<hbm>>)
        tpu.yield
      }) : () -> ()
    } else {
    }
    %eq3A_23 = arith.constant 1 : i32
    %eq3A_24 = arith.cmpi eq, %arg0, %eq3A_23 : i32
    %convert_element_type3A_25 = arith.extui %eq3A_24 : i1 to i32
    %cond3A_26 = arith.constant 0 : i32
    %cond3A_27 = arith.cmpi ne, %convert_element_type3A_25, %cond3A_26 : i32
    scf.if %cond3A_27 {
      %mul3A_28 = arith.constant 625 : i32
      %mul3A_29 = arith.muli %arg1, %mul3A_28 : i32
      %mul3A_30 = arith.constant 625 : i32
      %mul3A_31 = arith.muli %arg1, %mul3A_30 : i32
      "tpu.region"() ({
        %run_scoped3A = tpu.sem_alloc : memref<!tpu.dma_semaphore, #tpu.memory_space<semaphore_mem>>
        %dma_start3A = arith.constant 0 : i32
        %dma_start3A_32 = tpu.memref_slice %arg6[%mul3A_31, %dma_start3A] : memref<10000x128xf32, #tpu.memory_space<hbm>> -> memref<625x128xf32, #tpu.memory_space<hbm>>
        %dma_start3A_33 = arith.constant 0 : i32
        %dma_start3A_34 = tpu.memref_slice %arg11[%mul3A_29, %dma_start3A_33] : memref<10000x128xf32, #tpu.memory_space<vmem_shared>> -> memref<625x128xf32, #tpu.memory_space<vmem_shared>>
        tpu.enqueue_dma source(%dma_start3A_34 : memref<625x128xf32, #tpu.memory_space<vmem_shared>>) target(%dma_start3A_32 : memref<625x128xf32, #tpu.memory_space<hbm>>) target_semaphore(%run_scoped3A : memref<!tpu.dma_semaphore, #tpu.memory_space<semaphore_mem>>)
        %dma_wait3A = arith.constant 0 : i32
        %dma_wait3A_35 = tpu.memref_slice %arg6[%mul3A_31, %dma_wait3A] : memref<10000x128xf32, #tpu.memory_space<hbm>> -> memref<625x128xf32, #tpu.memory_space<hbm>>
        %dma_wait3A_36 = arith.constant 0 : i32
        %dma_wait3A_37 = tpu.memref_slice %arg11[%mul3A_29, %dma_wait3A_36] : memref<10000x128xf32, #tpu.memory_space<vmem_shared>> -> memref<625x128xf32, #tpu.memory_space<vmem_shared>>
        tpu.wait_dma2 semaphore(%run_scoped3A : memref<!tpu.dma_semaphore, #tpu.memory_space<semaphore_mem>>) src(%dma_wait3A_37 : memref<625x128xf32, #tpu.memory_space<vmem_shared>>) dst(%dma_wait3A_35 : memref<625x128xf32, #tpu.memory_space<hbm>>)
        tpu.yield
      }) : () -> ()
    } else {
    }
    return
  }
}

module attributes {stable_mosaic.version = 14 : i64} {
  func.func @_mm_body(%arg0: i32, %arg1: memref<1000x128xf32, #tpu.memory_space<vmem>>, %arg2: memref<1000x128xf32, #tpu.memory_space<vmem>>, %arg3: memref<1000x16xf32, #tpu.memory_space<vmem>>, %arg4: memref<1000x16xf32, #tpu.memory_space<vmem>>, %arg5: memref<1000x128xf32, #tpu.memory_space<vmem>>, %arg6: memref<256x128xf32, #tpu.memory_space<vmem>>, %arg7: memref<1x128xf32, #tpu.memory_space<vmem>>, %arg8: memref<1000x128xf32, #tpu.memory_space<vmem>>, %arg9: memref<1000x128xf32, #tpu.memory_space<vmem>>) attributes {dimension_semantics = [#tpu.dimension_semantics<arbitrary>], iteration_bounds = array<i64: 10>, scalar_prefetch = 0 : i64, scratch_operands = 0 : i64, tpu.core_type = #tpu.core_type<tc>, window_params = [{transform_indices = @transform_0, window_bounds = array<i64: 1000, 128>}, {transform_indices = @transform_1, window_bounds = array<i64: 1000, 128>}, {transform_indices = @transform_2, window_bounds = array<i64: 1000, 16>}, {transform_indices = @transform_3, window_bounds = array<i64: 1000, 16>}, {transform_indices = @transform_4, window_bounds = array<i64: 1000, 128>}, {pipeline_mode = #tpu.pipeline_mode<synchronous>, transform_indices = @transform_5, window_bounds = array<i64: 256, 128>}, {pipeline_mode = #tpu.pipeline_mode<synchronous>, transform_indices = @transform_6, window_bounds = array<i64: 1, 128>}, {transform_indices = @transform_7, window_bounds = array<i64: 1000, 128>}, {transform_indices = @transform_8, window_bounds = array<i64: 1000, 128>}]} {
    %get3A = arith.constant 0 : index
    %get3A_0 = arith.constant 0 : index
    %get3A_1 = vector.load %arg1[%get3A, %get3A_0] : memref<1000x128xf32, #tpu.memory_space<vmem>>, vector<1000x128xf32>
    %get3A_2 = arith.constant 0 : index
    %get3A_3 = arith.constant 0 : index
    %get3A_4 = vector.load %arg2[%get3A_2, %get3A_3] : memref<1000x128xf32, #tpu.memory_space<vmem>>, vector<1000x128xf32>
    %add3A = arith.addf %get3A_1, %get3A_4 : vector<1000x128xf32>
    %get3A_5 = arith.constant 0 : index
    %get3A_6 = arith.constant 0 : index
    %get3A_7 = vector.load %arg3[%get3A_5, %get3A_6] : memref<1000x16xf32, #tpu.memory_space<vmem>>, vector<1000x16xf32>
    %get3A_8 = arith.constant 0 : index
    %get3A_9 = arith.constant 0 : index
    %get3A_10 = vector.load %arg4[%get3A_8, %get3A_9] : memref<1000x16xf32, #tpu.memory_space<vmem>>, vector<1000x16xf32>
    %add3A_11 = arith.addf %get3A_7, %get3A_10 : vector<1000x16xf32>
    %slice3A = vector.extract_strided_slice %add3A_11 {offsets = [0, 0], sizes = [1000, 1], strides = [1, 1]} : vector<1000x16xf32> to vector<1000x1xf32>
    %max3A = arith.constant 1.000000e+00 : f32
    %max3A_12 = vector.broadcast %max3A : f32 to vector<1000x1xf32>
    %max3A_13 = arith.maximumf %slice3A, %max3A_12 : vector<1000x1xf32>
    %div3A = arith.constant 1.000000e+00 : f32
    %div3A_14 = vector.broadcast %div3A : f32 to vector<1000x1xf32>
    %div3A_15 = arith.divf %div3A_14, %max3A_13 : vector<1000x1xf32>
    %mul3A = vector.broadcast %div3A_15 : vector<1000x1xf32> to vector<1000x128xf32>
    %mul3A_16 = arith.mulf %add3A, %mul3A : vector<1000x128xf32>
    %get3A_17 = arith.constant 0 : index
    %get3A_18 = arith.constant 0 : index
    %get3A_19 = vector.load %arg5[%get3A_17, %get3A_18] : memref<1000x128xf32, #tpu.memory_space<vmem>>, vector<1000x128xf32>
    %concatenate3A = tpu.concatenate %mul3A_16, %get3A_19 in 1 : vector<1000x128xf32>, vector<1000x128xf32> -> vector<1000x256xf32>
    %get3A_20 = arith.constant 0 : index
    %get3A_21 = arith.constant 0 : index
    %get3A_22 = vector.load %arg6[%get3A_20, %get3A_21] : memref<256x128xf32, #tpu.memory_space<vmem>>, vector<256x128xf32>
    %dot_general3A = arith.constant dense<0.000000e+00> : vector<1000x128xf32>
    %dot_general3A_23 = tpu.matmul %concatenate3A, %get3A_22, %dot_general3A {dimension_numbers = #tpu.dot_dimension_numbers<[1], [0], [0], [1], [0, 0, 1, 1], [], []>, transpose_lhs_hint = false} : vector<1000x256xf32>, vector<256x128xf32>, vector<1000x128xf32> -> vector<1000x128xf32>
    %get3A_24 = arith.constant 0 : index
    %get3A_25 = arith.constant 0 : index
    %get3A_26 = vector.load %arg7[%get3A_24, %get3A_25] : memref<1x128xf32, #tpu.memory_space<vmem>>, vector<1x128xf32>
    %add3A_27 = vector.broadcast %get3A_26 : vector<1x128xf32> to vector<1000x128xf32>
    %add3A_28 = arith.addf %dot_general3A_23, %add3A_27 : vector<1000x128xf32>
    %swap3A = arith.constant 0 : index
    %swap3A_29 = arith.constant 0 : index
    %swap3A_30 = vector.load %arg8[%swap3A, %swap3A_29] : memref<1000x128xf32, #tpu.memory_space<vmem>>, vector<1000x128xf32>
    tpu.vector_store %arg8[%swap3A, %swap3A_29], %add3A_28 {strides = array<i32>} : memref<1000x128xf32, #tpu.memory_space<vmem>>, vector<1000x128xf32>,
    %max3A_31 = arith.constant 0.000000e+00 : f32
    %max3A_32 = vector.broadcast %max3A_31 : f32 to vector<1000x128xf32>
    %max3A_33 = arith.maximumf %add3A_28, %max3A_32 : vector<1000x128xf32>
    %swap3A_34 = arith.constant 0 : index
    %swap3A_35 = arith.constant 0 : index
    %swap3A_36 = vector.load %arg9[%swap3A_34, %swap3A_35] : memref<1000x128xf32, #tpu.memory_space<vmem>>, vector<1000x128xf32>
    tpu.vector_store %arg9[%swap3A_34, %swap3A_35], %max3A_33 {strides = array<i32>} : memref<1000x128xf32, #tpu.memory_space<vmem>>, vector<1000x128xf32>,
    return
  }
  func.func @transform_0(%arg0: i32) -> (i32, i32) {
    %c0_i32 = arith.constant 0 : i32
    %c0_i32_0 = arith.constant 0 : i32
    return %arg0, %c0_i32 : i32, i32
  }
  func.func @transform_1(%arg0: i32) -> (i32, i32) {
    %c0_i32 = arith.constant 0 : i32
    %c0_i32_0 = arith.constant 0 : i32
    return %arg0, %c0_i32 : i32, i32
  }
  func.func @transform_2(%arg0: i32) -> (i32, i32) {
    %c0_i32 = arith.constant 0 : i32
    %c0_i32_0 = arith.constant 0 : i32
    return %arg0, %c0_i32 : i32, i32
  }
  func.func @transform_3(%arg0: i32) -> (i32, i32) {
    %c0_i32 = arith.constant 0 : i32
    %c0_i32_0 = arith.constant 0 : i32
    return %arg0, %c0_i32 : i32, i32
  }
  func.func @transform_4(%arg0: i32) -> (i32, i32) {
    %c0_i32 = arith.constant 0 : i32
    %c0_i32_0 = arith.constant 0 : i32
    return %arg0, %c0_i32 : i32, i32
  }
  func.func @transform_5(%arg0: i32) -> (i32, i32) {
    %c0_i32 = arith.constant 0 : i32
    %c0_i32_0 = arith.constant 0 : i32
    %c0_i32_1 = arith.constant 0 : i32
    return %c0_i32, %c0_i32_0 : i32, i32
  }
  func.func @transform_6(%arg0: i32) -> (i32, i32) {
    %c0_i32 = arith.constant 0 : i32
    %c0_i32_0 = arith.constant 0 : i32
    %c0_i32_1 = arith.constant 0 : i32
    return %c0_i32, %c0_i32_0 : i32, i32
  }
  func.func @transform_7(%arg0: i32) -> (i32, i32) {
    %c0_i32 = arith.constant 0 : i32
    %c0_i32_0 = arith.constant 0 : i32
    return %arg0, %c0_i32 : i32, i32
  }
  func.func @transform_8(%arg0: i32) -> (i32, i32) {
    %c0_i32 = arith.constant 0 : i32
    %c0_i32_0 = arith.constant 0 : i32
    return %arg0, %c0_i32 : i32, i32
  }
}

module attributes {stable_mosaic.version = 14 : i64} {
  func.func @_mm_body(%arg0: i32, %arg1: memref<1000x128xf32, #tpu.memory_space<vmem>>, %arg2: memref<1000x128xf32, #tpu.memory_space<vmem>>, %arg3: memref<1000x16xf32, #tpu.memory_space<vmem>>, %arg4: memref<1000x16xf32, #tpu.memory_space<vmem>>, %arg5: memref<1000x128xf32, #tpu.memory_space<vmem>>, %arg6: memref<256x128xf32, #tpu.memory_space<vmem>>, %arg7: memref<1x128xf32, #tpu.memory_space<vmem>>, %arg8: memref<1000x128xf32, #tpu.memory_space<vmem>>, %arg9: memref<1000x128xf32, #tpu.memory_space<vmem>>) attributes {dimension_semantics = [#tpu.dimension_semantics<arbitrary>], iteration_bounds = array<i64: 10>, scalar_prefetch = 0 : i64, scratch_operands = 0 : i64, tpu.core_type = #tpu.core_type<tc>, window_params = [{transform_indices = @transform_0, window_bounds = array<i64: 1000, 128>}, {transform_indices = @transform_1, window_bounds = array<i64: 1000, 128>}, {transform_indices = @transform_2, window_bounds = array<i64: 1000, 16>}, {transform_indices = @transform_3, window_bounds = array<i64: 1000, 16>}, {transform_indices = @transform_4, window_bounds = array<i64: 1000, 128>}, {pipeline_mode = #tpu.pipeline_mode<synchronous>, transform_indices = @transform_5, window_bounds = array<i64: 256, 128>}, {pipeline_mode = #tpu.pipeline_mode<synchronous>, transform_indices = @transform_6, window_bounds = array<i64: 1, 128>}, {transform_indices = @transform_7, window_bounds = array<i64: 1000, 128>}, {transform_indices = @transform_8, window_bounds = array<i64: 1000, 128>}]} {
    %get3A = arith.constant 0 : index
    %get3A_0 = arith.constant 0 : index
    %get3A_1 = vector.load %arg1[%get3A, %get3A_0] : memref<1000x128xf32, #tpu.memory_space<vmem>>, vector<1000x128xf32>
    %get3A_2 = arith.constant 0 : index
    %get3A_3 = arith.constant 0 : index
    %get3A_4 = vector.load %arg2[%get3A_2, %get3A_3] : memref<1000x128xf32, #tpu.memory_space<vmem>>, vector<1000x128xf32>
    %add3A = arith.addf %get3A_1, %get3A_4 : vector<1000x128xf32>
    %get3A_5 = arith.constant 0 : index
    %get3A_6 = arith.constant 0 : index
    %get3A_7 = vector.load %arg3[%get3A_5, %get3A_6] : memref<1000x16xf32, #tpu.memory_space<vmem>>, vector<1000x16xf32>
    %get3A_8 = arith.constant 0 : index
    %get3A_9 = arith.constant 0 : index
    %get3A_10 = vector.load %arg4[%get3A_8, %get3A_9] : memref<1000x16xf32, #tpu.memory_space<vmem>>, vector<1000x16xf32>
    %add3A_11 = arith.addf %get3A_7, %get3A_10 : vector<1000x16xf32>
    %slice3A = vector.extract_strided_slice %add3A_11 {offsets = [0, 0], sizes = [1000, 1], strides = [1, 1]} : vector<1000x16xf32> to vector<1000x1xf32>
    %max3A = arith.constant 1.000000e+00 : f32
    %max3A_12 = vector.broadcast %max3A : f32 to vector<1000x1xf32>
    %max3A_13 = arith.maximumf %slice3A, %max3A_12 : vector<1000x1xf32>
    %div3A = arith.constant 1.000000e+00 : f32
    %div3A_14 = vector.broadcast %div3A : f32 to vector<1000x1xf32>
    %div3A_15 = arith.divf %div3A_14, %max3A_13 : vector<1000x1xf32>
    %mul3A = vector.broadcast %div3A_15 : vector<1000x1xf32> to vector<1000x128xf32>
    %mul3A_16 = arith.mulf %add3A, %mul3A : vector<1000x128xf32>
    %get3A_17 = arith.constant 0 : index
    %get3A_18 = arith.constant 0 : index
    %get3A_19 = vector.load %arg5[%get3A_17, %get3A_18] : memref<1000x128xf32, #tpu.memory_space<vmem>>, vector<1000x128xf32>
    %concatenate3A = tpu.concatenate %mul3A_16, %get3A_19 in 1 : vector<1000x128xf32>, vector<1000x128xf32> -> vector<1000x256xf32>
    %get3A_20 = arith.constant 0 : index
    %get3A_21 = arith.constant 0 : index
    %get3A_22 = vector.load %arg6[%get3A_20, %get3A_21] : memref<256x128xf32, #tpu.memory_space<vmem>>, vector<256x128xf32>
    %dot_general3A = arith.constant dense<0.000000e+00> : vector<1000x128xf32>
    %dot_general3A_23 = tpu.matmul %concatenate3A, %get3A_22, %dot_general3A {dimension_numbers = #tpu.dot_dimension_numbers<[1], [0], [0], [1], [0, 0, 1, 1], [], []>, transpose_lhs_hint = false} : vector<1000x256xf32>, vector<256x128xf32>, vector<1000x128xf32> -> vector<1000x128xf32>
    %get3A_24 = arith.constant 0 : index
    %get3A_25 = arith.constant 0 : index
    %get3A_26 = vector.load %arg7[%get3A_24, %get3A_25] : memref<1x128xf32, #tpu.memory_space<vmem>>, vector<1x128xf32>
    %add3A_27 = vector.broadcast %get3A_26 : vector<1x128xf32> to vector<1000x128xf32>
    %add3A_28 = arith.addf %dot_general3A_23, %add3A_27 : vector<1000x128xf32>
    %swap3A = arith.constant 0 : index
    %swap3A_29 = arith.constant 0 : index
    %swap3A_30 = vector.load %arg8[%swap3A, %swap3A_29] : memref<1000x128xf32, #tpu.memory_space<vmem>>, vector<1000x128xf32>
    tpu.vector_store %arg8[%swap3A, %swap3A_29], %add3A_28 {strides = array<i32>} : memref<1000x128xf32, #tpu.memory_space<vmem>>, vector<1000x128xf32>,
    %max3A_31 = arith.constant 0.000000e+00 : f32
    %max3A_32 = vector.broadcast %max3A_31 : f32 to vector<1000x128xf32>
    %max3A_33 = arith.maximumf %add3A_28, %max3A_32 : vector<1000x128xf32>
    %swap3A_34 = arith.constant 0 : index
    %swap3A_35 = arith.constant 0 : index
    %swap3A_36 = vector.load %arg9[%swap3A_34, %swap3A_35] : memref<1000x128xf32, #tpu.memory_space<vmem>>, vector<1000x128xf32>
    tpu.vector_store %arg9[%swap3A_34, %swap3A_35], %max3A_33 {strides = array<i32>} : memref<1000x128xf32, #tpu.memory_space<vmem>>, vector<1000x128xf32>,
    return
  }
  func.func @transform_0(%arg0: i32) -> (i32, i32) {
    %c0_i32 = arith.constant 0 : i32
    %c0_i32_0 = arith.constant 0 : i32
    return %arg0, %c0_i32 : i32, i32
  }
  func.func @transform_1(%arg0: i32) -> (i32, i32) {
    %c0_i32 = arith.constant 0 : i32
    %c0_i32_0 = arith.constant 0 : i32
    return %arg0, %c0_i32 : i32, i32
  }
  func.func @transform_2(%arg0: i32) -> (i32, i32) {
    %c0_i32 = arith.constant 0 : i32
    %c0_i32_0 = arith.constant 0 : i32
    return %arg0, %c0_i32 : i32, i32
  }
  func.func @transform_3(%arg0: i32) -> (i32, i32) {
    %c0_i32 = arith.constant 0 : i32
    %c0_i32_0 = arith.constant 0 : i32
    return %arg0, %c0_i32 : i32, i32
  }
  func.func @transform_4(%arg0: i32) -> (i32, i32) {
    %c0_i32 = arith.constant 0 : i32
    %c0_i32_0 = arith.constant 0 : i32
    return %arg0, %c0_i32 : i32, i32
  }
  func.func @transform_5(%arg0: i32) -> (i32, i32) {
    %c0_i32 = arith.constant 0 : i32
    %c0_i32_0 = arith.constant 0 : i32
    %c0_i32_1 = arith.constant 0 : i32
    return %c0_i32, %c0_i32_0 : i32, i32
  }
  func.func @transform_6(%arg0: i32) -> (i32, i32) {
    %c0_i32 = arith.constant 0 : i32
    %c0_i32_0 = arith.constant 0 : i32
    %c0_i32_1 = arith.constant 0 : i32
    return %c0_i32, %c0_i32_0 : i32, i32
  }
  func.func @transform_7(%arg0: i32) -> (i32, i32) {
    %c0_i32 = arith.constant 0 : i32
    %c0_i32_0 = arith.constant 0 : i32
    return %arg0, %c0_i32 : i32, i32
  }
  func.func @transform_8(%arg0: i32) -> (i32, i32) {
    %c0_i32 = arith.constant 0 : i32
    %c0_i32_0 = arith.constant 0 : i32
    return %arg0, %c0_i32 : i32, i32
  }
}

module attributes {stable_mosaic.version = 14 : i64} {
  func.func @_mm_body(%arg0: i32, %arg1: memref<1000x128xf32, #tpu.memory_space<vmem>>, %arg2: memref<1000x128xf32, #tpu.memory_space<vmem>>, %arg3: memref<1000x16xf32, #tpu.memory_space<vmem>>, %arg4: memref<1000x16xf32, #tpu.memory_space<vmem>>, %arg5: memref<1000x128xf32, #tpu.memory_space<vmem>>, %arg6: memref<256x128xf32, #tpu.memory_space<vmem>>, %arg7: memref<1x128xf32, #tpu.memory_space<vmem>>, %arg8: memref<1000x128xf32, #tpu.memory_space<vmem>>, %arg9: memref<1000x128xf32, #tpu.memory_space<vmem>>) attributes {dimension_semantics = [#tpu.dimension_semantics<arbitrary>], iteration_bounds = array<i64: 10>, scalar_prefetch = 0 : i64, scratch_operands = 0 : i64, tpu.core_type = #tpu.core_type<tc>, window_params = [{transform_indices = @transform_0, window_bounds = array<i64: 1000, 128>}, {transform_indices = @transform_1, window_bounds = array<i64: 1000, 128>}, {transform_indices = @transform_2, window_bounds = array<i64: 1000, 16>}, {transform_indices = @transform_3, window_bounds = array<i64: 1000, 16>}, {transform_indices = @transform_4, window_bounds = array<i64: 1000, 128>}, {pipeline_mode = #tpu.pipeline_mode<synchronous>, transform_indices = @transform_5, window_bounds = array<i64: 256, 128>}, {pipeline_mode = #tpu.pipeline_mode<synchronous>, transform_indices = @transform_6, window_bounds = array<i64: 1, 128>}, {transform_indices = @transform_7, window_bounds = array<i64: 1000, 128>}, {transform_indices = @transform_8, window_bounds = array<i64: 1000, 128>}]} {
    %get3A = arith.constant 0 : index
    %get3A_0 = arith.constant 0 : index
    %get3A_1 = vector.load %arg1[%get3A, %get3A_0] : memref<1000x128xf32, #tpu.memory_space<vmem>>, vector<1000x128xf32>
    %get3A_2 = arith.constant 0 : index
    %get3A_3 = arith.constant 0 : index
    %get3A_4 = vector.load %arg2[%get3A_2, %get3A_3] : memref<1000x128xf32, #tpu.memory_space<vmem>>, vector<1000x128xf32>
    %add3A = arith.addf %get3A_1, %get3A_4 : vector<1000x128xf32>
    %get3A_5 = arith.constant 0 : index
    %get3A_6 = arith.constant 0 : index
    %get3A_7 = vector.load %arg3[%get3A_5, %get3A_6] : memref<1000x16xf32, #tpu.memory_space<vmem>>, vector<1000x16xf32>
    %get3A_8 = arith.constant 0 : index
    %get3A_9 = arith.constant 0 : index
    %get3A_10 = vector.load %arg4[%get3A_8, %get3A_9] : memref<1000x16xf32, #tpu.memory_space<vmem>>, vector<1000x16xf32>
    %add3A_11 = arith.addf %get3A_7, %get3A_10 : vector<1000x16xf32>
    %slice3A = vector.extract_strided_slice %add3A_11 {offsets = [0, 0], sizes = [1000, 1], strides = [1, 1]} : vector<1000x16xf32> to vector<1000x1xf32>
    %max3A = arith.constant 1.000000e+00 : f32
    %max3A_12 = vector.broadcast %max3A : f32 to vector<1000x1xf32>
    %max3A_13 = arith.maximumf %slice3A, %max3A_12 : vector<1000x1xf32>
    %div3A = arith.constant 1.000000e+00 : f32
    %div3A_14 = vector.broadcast %div3A : f32 to vector<1000x1xf32>
    %div3A_15 = arith.divf %div3A_14, %max3A_13 : vector<1000x1xf32>
    %mul3A = vector.broadcast %div3A_15 : vector<1000x1xf32> to vector<1000x128xf32>
    %mul3A_16 = arith.mulf %add3A, %mul3A : vector<1000x128xf32>
    %get3A_17 = arith.constant 0 : index
    %get3A_18 = arith.constant 0 : index
    %get3A_19 = vector.load %arg5[%get3A_17, %get3A_18] : memref<1000x128xf32, #tpu.memory_space<vmem>>, vector<1000x128xf32>
    %concatenate3A = tpu.concatenate %mul3A_16, %get3A_19 in 1 : vector<1000x128xf32>, vector<1000x128xf32> -> vector<1000x256xf32>
    %get3A_20 = arith.constant 0 : index
    %get3A_21 = arith.constant 0 : index
    %get3A_22 = vector.load %arg6[%get3A_20, %get3A_21] : memref<256x128xf32, #tpu.memory_space<vmem>>, vector<256x128xf32>
    %dot_general3A = arith.constant dense<0.000000e+00> : vector<1000x128xf32>
    %dot_general3A_23 = tpu.matmul %concatenate3A, %get3A_22, %dot_general3A {dimension_numbers = #tpu.dot_dimension_numbers<[1], [0], [0], [1], [0, 0, 1, 1], [], []>, transpose_lhs_hint = false} : vector<1000x256xf32>, vector<256x128xf32>, vector<1000x128xf32> -> vector<1000x128xf32>
    %get3A_24 = arith.constant 0 : index
    %get3A_25 = arith.constant 0 : index
    %get3A_26 = vector.load %arg7[%get3A_24, %get3A_25] : memref<1x128xf32, #tpu.memory_space<vmem>>, vector<1x128xf32>
    %add3A_27 = vector.broadcast %get3A_26 : vector<1x128xf32> to vector<1000x128xf32>
    %add3A_28 = arith.addf %dot_general3A_23, %add3A_27 : vector<1000x128xf32>
    %swap3A = arith.constant 0 : index
    %swap3A_29 = arith.constant 0 : index
    %swap3A_30 = vector.load %arg8[%swap3A, %swap3A_29] : memref<1000x128xf32, #tpu.memory_space<vmem>>, vector<1000x128xf32>
    tpu.vector_store %arg8[%swap3A, %swap3A_29], %add3A_28 {strides = array<i32>} : memref<1000x128xf32, #tpu.memory_space<vmem>>, vector<1000x128xf32>,
    %max3A_31 = arith.constant 0.000000e+00 : f32
    %max3A_32 = vector.broadcast %max3A_31 : f32 to vector<1000x128xf32>
    %max3A_33 = arith.maximumf %add3A_28, %max3A_32 : vector<1000x128xf32>
    %swap3A_34 = arith.constant 0 : index
    %swap3A_35 = arith.constant 0 : index
    %swap3A_36 = vector.load %arg9[%swap3A_34, %swap3A_35] : memref<1000x128xf32, #tpu.memory_space<vmem>>, vector<1000x128xf32>
    tpu.vector_store %arg9[%swap3A_34, %swap3A_35], %max3A_33 {strides = array<i32>} : memref<1000x128xf32, #tpu.memory_space<vmem>>, vector<1000x128xf32>,
    return
  }
  func.func @transform_0(%arg0: i32) -> (i32, i32) {
    %c0_i32 = arith.constant 0 : i32
    %c0_i32_0 = arith.constant 0 : i32
    return %arg0, %c0_i32 : i32, i32
  }
  func.func @transform_1(%arg0: i32) -> (i32, i32) {
    %c0_i32 = arith.constant 0 : i32
    %c0_i32_0 = arith.constant 0 : i32
    return %arg0, %c0_i32 : i32, i32
  }
  func.func @transform_2(%arg0: i32) -> (i32, i32) {
    %c0_i32 = arith.constant 0 : i32
    %c0_i32_0 = arith.constant 0 : i32
    return %arg0, %c0_i32 : i32, i32
  }
  func.func @transform_3(%arg0: i32) -> (i32, i32) {
    %c0_i32 = arith.constant 0 : i32
    %c0_i32_0 = arith.constant 0 : i32
    return %arg0, %c0_i32 : i32, i32
  }
  func.func @transform_4(%arg0: i32) -> (i32, i32) {
    %c0_i32 = arith.constant 0 : i32
    %c0_i32_0 = arith.constant 0 : i32
    return %arg0, %c0_i32 : i32, i32
  }
  func.func @transform_5(%arg0: i32) -> (i32, i32) {
    %c0_i32 = arith.constant 0 : i32
    %c0_i32_0 = arith.constant 0 : i32
    %c0_i32_1 = arith.constant 0 : i32
    return %c0_i32, %c0_i32_0 : i32, i32
  }
  func.func @transform_6(%arg0: i32) -> (i32, i32) {
    %c0_i32 = arith.constant 0 : i32
    %c0_i32_0 = arith.constant 0 : i32
    %c0_i32_1 = arith.constant 0 : i32
    return %c0_i32, %c0_i32_0 : i32, i32
  }
  func.func @transform_7(%arg0: i32) -> (i32, i32) {
    %c0_i32 = arith.constant 0 : i32
    %c0_i32_0 = arith.constant 0 : i32
    return %arg0, %c0_i32 : i32, i32
  }
  func.func @transform_8(%arg0: i32) -> (i32, i32) {
    %c0_i32 = arith.constant 0 : i32
    %c0_i32_0 = arith.constant 0 : i32
    return %arg0, %c0_i32 : i32, i32
  }
}

</mosaic_0001>

<sc_bundles>
// kernel: kernel.11.cloned.1.call-start
scs
__scs_entry_jumppad:
0x0: {  	(pc) =	sbr.rel $0x88, $3  }
0x1: {  	(tag) =	ssettag $0x0;
	lr =	simm.s32 $0x1  }
0x2: {  	[smem:$0x3F96] =	sst lr;
	_ =	strace $0xD0000000  }
0x3: {  	_ = 	snop  }
0x4: {  	_ = 	snop  }
0x5: {  	_ = 	snop  }
0x6: {  	_ = 	snop  }
0x7: {  	_ = 	snop  }
__scs_overlays_trampoline_lowered:
0x8: {  	[smem:$0x3FA5] =	sst s0  }
0x9: {  	[smem:$0x3FA6] =	sst s1  }
0xa: {  	[smem:$0x3FA7] =	sst s2  }
0xb: {  	[smem:$0x3FA8] =	sst s3  }
0xc: {  	[smem:$0x3FA9] =	sst s4  }
0xd: {  	[smem:$0x3FAA] =	sst s5  }
0xe: {  	[smem:$0x3FAB] =	sst s6  }
0xf: {  	[smem:$0x3FAC] =	sst s7  }
0x10: {  	[smem:$0x3FAD] =	sst s8  }
0x11: {  	[smem:$0x3FAE] =	sst s9;
	s0 =	simm.s32 @!p0 $0x0  }
0x12: {  	s1 =	sld [smem:$0x3F94];
	s0 =	simm.s32 @p0 $0x1  }
0x13: {  	[smem:$0x3FAF] =	sst s0;
	s0 =	simm.s32 @!p1 $0x0  }
0x14: {  	s2 =	sld [smem:$0x3F93];
	s0 =	simm.s32 @p1 $0x1  }
0x15: {  	[smem:$0x3FB0] =	sst s0;
	s0 =	simm.s32 @!p2 $0x0  }
0x16: {  	s3 =	sld [smem:$0x3FDB];
	s0 =	simm.s32 @p2 $0x1  }
0x17: {  	s4 =	simm.s32 $0x1BF5;
	[smem:$0x3FB2] =	sst s0  }
0x18: {  	s0 =	sld [smem:$0x3F95];
	_ =	swait.ge [sflag:s4], $0x0  }
0x19: {  	s7 =	sld [smem:$0x3F96]  }
0x1a: {  	s8 =	sadd.s32 $0xFFFFE003, lr  }
0x1b: {  	s9 =	sadd.s32 $0xFFFFFEF7, lr;
	s5 =	simm.s32 $0xFFFFFFFF;
	p2 =	slt.u32 s8, $0xFFFFF086  }
0x1c: {  	p1 =	slt.u32 s9, $0xF7A;
	s5 =	simm.s32 @!p2 $0x0  }
0x1d: {  	s5 =	simm.s32 @p1 $0x1;
	p0 =	seq.s32 s7, s2  }
0x1e: {  	s7 =	smul.u32 @!p0 $0xF7A, s2;
	p2 =	seq.s32 @!p0 s5, $0x0  }
0x1f: {  	s9 =	smul.u32 $0xF7A, s1;
	s8 =	simm.s32 @!p0 $0x1BF5;
	p2 =	por !p2, p0  }
0x20: {  	[sflag:s8] =	ssyncset.s32 @!p0 $0xFFFFF086;
	s6 =	sadd.s32 @!p0 s3, s7;
	s7 =	simm.s32 @!p0 $0x108  }
0x21: {  	s3 =	sadd.s32 s3, s9;
	s6 =	sadd.s32 @!p0 $0x88, s6;
	s7 =	simm.s32 @p2 $0x1082  }
0x22: {  	[simem:s7], [sflag:s8] =	dma.local @!p0 [hbm:s6], $0xF7A  }
0x23: {  	s9 =	sor.u32 $0xD0000000, s2;
	s6 =	simm.s32 $0x108;
	_ =	swait.ge @!p0 [sflag:s8], $0x0  }
0x24: {  	s3 =	sadd.s32 $0x88, s3;
	s6 =	simm.s32 @!p1 $0x1082;
	[sflag:s4] =	ssyncset.s32 $0xFFFFF086  }
0x25: {  	[simem:s6], [sflag:s4] =	dma.local [hbm:s3], $0xF7A  }
0x26: {  	[smem:$0x3F96] =	sst s1;
	(tag) =	ssettag s2;
	_ =	strace s9  }
0x27: {  	s1 =	sld [smem:$0x3FA6]  }
0x28: {  	s2 =	sld [smem:$0x3FA7]  }
0x29: {  	s4 =	sld [smem:$0x3FA9]  }
0x2a: {  	p0 =	seq.s32 s5, $0x0;
	s5 =	sld [smem:$0x3FAA]  }
0x2b: {  	s6 =	sld [smem:$0x3FAB]  }
0x2c: {  	s7 =	sld [smem:$0x3FAC]  }
0x2d: {  	s3 =	simm.s32 $0x108;
	s8 =	sld [smem:$0x3FAD]  }
0x2e: {  	s3 =	simm.s32 @!p0 $0x1082;
	s9 =	sld [smem:$0x3FAE]  }
0x2f: {  	lr =	sadd.s32 s0, s3;
	s0 =	sld [smem:$0x3FA5]  }
0x30: {  	s3 =	sld [smem:$0x3FA8]  }
0x31: {  	[smem:$0x3FB1] =	sst s10  }
0x32: {  	s10 =	sld [smem:$0x3FAF];
	_ =	sdelay $0x3  }
0x33: {  	p0 =	seq.s32 s10, $0x1;
	s10 =	sld [smem:$0x3FB1];
	_ =	sdelay $0x3  }
0x34: {  	[smem:$0x3FB1] =	sst s10  }
0x35: {  	s10 =	sld [smem:$0x3FB0];
	_ =	sdelay $0x3  }
0x36: {  	p1 =	seq.s32 s10, $0x1;
	s10 =	sld [smem:$0x3FB1];
	_ =	sdelay $0x3  }
0x37: {  	[smem:$0x3FB1] =	sst s10  }
0x38: {  	s10 =	sld [smem:$0x3FB2]  }
0x39: {  	_ = 	snop;
	(pc) =	sbr.ind lr, $3  }
0x3a: {  	_ = 	snop  }
0x3b: {  	_ = 	snop  }
0x3c: {  	p2 =	seq.s32 s10, $0x1;
	s10 =	sld [smem:$0x3FB1]  }
0x3d: {  	_ =	shalt  }
0x3e: {  	_ =	shalt  }
0x3f: {  	_ =	shalt  }
0x40: {  	_ =	shalt  }
0x41: {  	_ =	shalt  }
0x42: {  	_ =	shalt  }
0x43: {  	_ =	shalt  }
0x44: {  	_ =	shalt  }
0x45: {  	_ =	shalt  }
0x46: {  	_ =	shalt  }
0x47: {  	_ =	shalt  }
0x48: {  	_ =	shalt  }
0x49: {  	_ =	shalt  }
0x4a: {  	_ =	shalt  }
0x4b: {  	_ =	shalt  }
0x4c: {  	_ =	shalt  }
0x4d: {  	_ =	shalt  }
0x4e: {  	_ =	shalt  }
0x4f: {  	_ =	shalt  }
0x50: {  	_ =	shalt  }
0x51: {  	_ =	shalt  }
0x52: {  	_ =	shalt  }
0x53: {  	_ =	shalt  }
0x54: {  	_ =	shalt  }
0x55: {  	_ =	shalt  }
0x56: {  	_ =	shalt  }
0x57: {  	_ =	shalt  }
0x58: {  	_ =	shalt  }
0x59: {  	_ =	shalt  }
0x5a: {  	_ =	shalt  }
0x5b: {  	_ =	shalt  }
0x5c: {  	_ =	shalt  }
0x5d: {  	_ =	shalt  }
0x5e: {  	_ =	shalt  }
0x5f: {  	_ =	shalt  }
0x60: {  	_ =	shalt  }
0x61: {  	_ =	shalt  }
0x62: {  	_ =	shalt  }
0x63: {  	_ =	shalt  }
0x64: {  	_ =	shalt  }
0x65: {  	_ =	shalt  }
0x66: {  	_ =	shalt  }
0x67: {  	_ =	shalt  }
0x68: {  	_ =	shalt  }
0x69: {  	_ =	shalt  }
0x6a: {  	_ =	shalt  }
0x6b: {  	_ =	shalt  }
0x6c: {  	_ =	shalt  }
0x6d: {  	_ =	shalt  }
0x6e: {  	_ =	shalt  }
0x6f: {  	_ =	shalt  }
0x70: {  	_ =	shalt  }
0x71: {  	_ =	shalt  }
0x72: {  	_ =	shalt  }
0x73: {  	_ =	shalt  }
0x74: {  	_ =	shalt  }
0x75: {  	_ =	shalt  }
0x76: {  	_ =	shalt  }
0x77: {  	_ =	shalt  }
0x78: {  	_ =	shalt  }
0x79: {  	_ =	shalt  }
0x7a: {  	_ =	shalt  }
0x7b: {  	_ =	shalt  }
0x7c: {  	_ =	shalt  }
0x7d: {  	_ =	shalt  }
0x7e: {  	_ =	shalt  }
0x7f: {  	_ =	shalt  }
0x80: {  	_ =	shalt  }
0x81: {  	_ =	shalt  }
0x82: {  	_ =	shalt  }
0x83: {  	_ =	shalt  }
0x84: {  	_ =	shalt  }
0x85: {  	_ =	shalt  }
0x86: {  	_ =	shalt  }
0x87: {  	_ =	shalt  }
.Lfunc_end0:
.L_simem_size_0:
called_computation.1_lowered:
.L_overlay_start_0:
0x88: {  	s2 =	sld [smem:$0x3FD9]  }
0x89: {  	s3 =	sld [smem:$0x3FFE];
	_ =	sdelay $0x1  }
0x8a: {  	s1 =	srdreg.scid  }
0x8b: {  	s0 =	sand.u32 $0x1, s1  }
0x8c: {  	s14 =	sshll.u32 s0, $0xA;
	s2 =	sadd.s32 s3, s2  }
0x8d: {  	s2 =	sadd.s32 s2, s14  }
0x8e: {  	[smem:$0x3FBD] =	sst s2  }
0x8f: {  	_ = 	snop  }
0x90: {  	s2 =	sld [smem:$0x3FD0];
	_ =	sdelay $0x2  }
0x91: {  	s15 =	simm.s32 $0xA;
	s4 =	simm.s32 $0x10  }
0x92: {  	[smem:s4], [sflag:s15] =	dma.local [hbm:s2], $0x1  }
0x93: {  	_ =	swait.eq [sflag:s15], $0x1  }
0x94: {  	[sflag:s15] =	ssyncset.done $0x0  }
0x95: {  	[sflag:s15] =	ssyncadd.s32 $0xFFFFFFFF  }
0x96: {  	s16 =	sld [smem:$0x11];
	(tm) =	ssettm $0x1  }
0x97: {  	s17 =	sld [smem:$0x3FFB];
	_ =	sdelay $0x3  }
0x98: {  	_ =	strace s17  }
0x99: {  	s3 =	sld [smem:$0x3FFC];
	_ =	sdelay $0x3  }
0x9a: {  	_ =	strace s3  }
0x9b: {  	s3 =	sld [smem:$0x3FFD];
	_ =	sdelay $0x3  }
0x9c: {  	_ =	strace s3  }
0x9d: {  	_ =	strace $0x8FFFFFFF  }
0x9e: {  	s18 =	sld [smem:$0x3FDB];
	_ =	sdelay $0x1  }
0x9f: {  	s19 =	simm.s32 $_scs_section_size  }
0xa0: {  	s5 =	simm.s32 $_size__tile_overlayer_lowered;
	s6 =	simm.s32 $_tile_overlayer_lowered  }
0xa1: {  	s22 =	simm.s32 $0x1BFF;
	s21 =	sshll.u32 s6, $0x1;
	s3 =	sadd.s32 s19, s18  }
0xa2: {  	s7 =	simm.s32 $0x0;
	s20 =	sshll.u32 s5, $0x1;
	s5 =	sadd.s32 s21, s3  }
0xa3: {  	[timem:s7], [sflag:s22] =	dma.local [hbm:s5], s20  }
0xa4: {  	_ =	swait.ge [sflag:s22], s20  }
0xa5: {  	s4 =	ssub.s32 $0x0, s20;
	[sflag:s22] =	ssyncset.done $0x0  }
0xa6: {  	[sflag:s22] =	ssyncadd.s32 s4;
	_ =	sdelay $0x1  }
0xa7: {  	s23 =	simm.s32 $0x1B8B  }
0xa8: {  	_ =	swait.ge [sflag:s23], $0x1  }
0xa9: {  	[sflag:s23] =	ssyncset.done $0x0  }
0xaa: {  	s25 =	simm.s32 $0x1B8E;
	s24 =	sld [smem:$0x3FFE];
	[sflag:s23] =	ssyncadd.s32 $0xFFFFFFFF  }
0xab: {  	s26 =	simm.s32 $execute0_lowered;
	[smem:$0x3FD2] =	sst s25  }
0xac: {  	s5 =	sshll.u32 s26, $0x1;
	_ =	strace $0x80000049;
	[dreg:$0x1] =	wrdreg $0xFFFFFFFF  }
0xad: {  	s28 =	simm.s32 $_size_execute0_lowered;
	s3 =	sadd.s32 s3, s5;
	[dreg:$0x0] =	wrdreg $0x0  }
0xae: {  	s5 =	sshll.u32 s28, $0x1;
	[dreg:$0x2] =	wrdreg s3  }
0xaf: {  	[dreg:$0x3] =	wrdreg s5  }
0xb0: {  	[dreg:$0x4] =	wrdreg $0xC0  }
0xb1: {  	_ =	task [dreg:s7], $0x5FFFF  }
0xb2: {  	[dreg:$0x1] =	wrdreg $0xFFFFFFFF  }
0xb3: {  	[dreg:$0x0] =	wrdreg $0x60  }
0xb4: {  	[dreg:$0x2] =	wrdreg s24  }
0xb5: {  	[dreg:$0x3] =	wrdreg s16  }
0xb6: {  	[dreg:$0x4] =	wrdreg $0x94000  }
0xb7: {  	[dreg:$0x5] =	wrdreg $0x9  }
0xb8: {  	_ =	task.clear_ibuf [dreg:s7], $0x6FFFF;
	_ =	strace $0x90000049  }
0xb9: {  	s29 =	simm.s32 $0x9;
	_ =	strace $0x8000004B  }
0xba: {  	_ =	swait.ge [sflag:s29], $0x1  }
0xbb: {  	[sflag:s29] =	ssyncadd.s32 $0xFFFFFFFF  }
0xbc: {  	_ =	strace $0x9000004B  }
0xbd: {  	_ =	sfence  }
0xbe: {  	s30 =	sld [smem:$0x0];
	_ =	sdelay $0x2  }
0xbf: {  	s31 =	sshll.u32 s1, $0xD;
	s1 =	sshrl.u32 s1, $0x2  }
0xc0: {  	s3 =	sand.u32 $0x4000, s31;
	s1 =	sadd.s32 s1, s30  }
0xc1: {  	s0 =	sor.u32 s3, s0;
	s1 =	sshll.u32 s1, $0x11  }
0xc2: {  	s0 =	sor.u32 s1, s0  }
0xc3: {  	s0 =	sadd.s32 $0x8F2B, s0  }
0xc4: {  	[sflag:s0] =	ssyncadd.remote.s32 $0x1  }
0xc5: {  	_ =	sfence.sel $0xFFFF  }
0xc6: {  	[dreg:$0x0] =	wrdreg $0xFFFFFFFF;
	(pc) =	sbr.abs _section_cstart, $3  }
0xc7: {  	[dreg:$0x1] =	wrdreg $0xFFFFFFFF  }
0xc8: {  	_ =	task.clear_ibuf [dreg:s7], $0x2FFFF;
	_ =	strace $0x9FFFFFFF  }
0xc9: {  	(tm) =	ssettm $0x7FFFFFFF  }
tec
execute0_lowered:
.L_overlay_start_1:
0x0: {  	(tag) =	ssettag $0x1  }
0x1: {  	s0 =	rddreg [dreg:$0x0]  }
0x2: {  	s1 =	rddreg [dreg:$0x1]  }
0x3: {  	s4 =	rddreg [dreg:$0x2]  }
0x4: {  	s2 =	srdreg.scid;
	s10 =	stileid.u32;
	s14 =	simm.s32 $0x1400  }
0x5: {  	s15 =	simm.s32 $0x3;
	s28 =	simm.s32 $0x380;
	s6 =	smul.u32 $0x4E200, s10  }
0x6: {  	s29 =	simm.s32 $0x400;
	s30 =	simm.s32 $0x480;
	s17 =	smul.u32 $0x13880, s10  }
0x7: {  	s31 =	simm.s32 $0x500;
	s13 =	simm.s32 $0x980;
	s20 =	smul.u32 $0x500, s10  }
0x8: {  	s16 =	simm.s32 $0x0;
	s5 =	sand.u32 $0x1, s2;
	s23 =	smul.u32 $0x50, s10  }
0x9: {  	s2 =	simm.s32 $0x0;
	s10 =	simm.s32 $0x900;
	s3 =	smul.u32 $0x5000, s5  }
0xa: {  	[smem:$0x7FF] =	sst s2;
	s8 =	ssub.s32 $0x2, s5;
	p0 =	seq.s32 s5, $0x1  }
0xb: {  	s5 =	smul.u32 $0x500, s5;
	_ =	strace $0x8000004A;
	s6 =	sshrl.u32 s6, $0x2  }
0xc: {  	s9 =	sshrl.u32 s8, $0x1;
	s19 =	sshrl.u32 s17, $0x3;
	s7 =	sadd.s32 s3, s0  }
0xd: {  	s3 =	sadd.s32 $0x17E00, s0;
	s0 =	sadd.s32 $0x70200, s0;
	s11 =	sadd.s32 s6, s4  }
0xe: {  	s8 =	ssub.s32 s8, s9;
	s4 =	sadd.s32 s17, s4;
	s17 =	simm.s32 $0x80  }
0xf: {  	s6 =	simm.s32 $0x700;
	s9 =	simm.s32 $0x880;
	s18 =	sadd.s32 $0x10000, s11  }
0x10: {  	s8 =	smax.u32 s8, $0x1;
	s21 =	sadd.s32 $0x4000, s11;
	[dreg:$0x4] =	wrdreg s11  }
0x11: {  	s22 =	sadd.s32 $0x8000, s11;
	s1 =	smov.u32 @p0 s0;
	[dreg:$0x5] =	wrdreg s18  }
0x12: {  	s24 =	sadd.s32 $0xC000, s11;
	s25 =	sadd.s32 s20, s7;
	[dreg:$0x6] =	wrdreg s8  }
0x13: {  	s0 =	sadd.s32 s23, s5;
	s23 =	simm.s32 $0x200;
	[dreg:$0x7] =	wrdreg s21  }
0x14: {  	s26 =	sshrl.u32 s4, $0x3;
	s5 =	simm.s32 $0x680;
	[dreg:$0x8] =	wrdreg s22  }
0x15: {  	s7 =	simm.s32 $0x780;
	[dreg:$0x9] =	wrdreg s24;
	s1 =	sadd.s32 s1, s19  }
.Ltmp0:
0x16: {  	s11 =	sadd.s32 $0x4200, s25;
	s12 =	sadd.s32 $0xE000, s25;
	(pc) =	sbr.rel .LBB2_1-.Ltmp0, $4  }
0x17: {  	[dreg:$0xb] =	wrdreg s0;
	s18 =	simm.s32 $0x5400;
	s19 =	simm.s32 $0x1  }
0x18: {  	s21 =	simm.s32 $0x2;
	s22 =	simm.s32 $0x180;
	s24 =	simm.s32 $0x280  }
0x19: {  	[dreg:$0xc] =	wrdreg s26;
	s26 =	simm.s32 $0x300;
	s0 =	simm.s32 $0x580  }
0x1a: {  	v0 =	vimm.f32 $0.0e+00;
	s8 =	simm.s32 $0x800;
	[dreg:$0xa] =	wrdreg s1;
	s1 =	simm.s32 $0x600  }
.LBB2_7:
0x1b: {  	s4 =	stileid.u32;
	[bflag:$0x0] =	sbarrier.arrive $0xFFFF  }
0x1c: {  	s4 =	sshll.u32 s4, $0x6;
	s16 =	rddreg [dreg:$0xa]  }
0x1d: {  	s20 =	rddreg [dreg:$0xc];
	s4 =	sor.u32 $0x1C03, s4  }
0x1e: {  	[hbm:s16], [sflag:s4] =	dma.local [spmem:s20], $0x2710  }
0x1f: {  	_ =	swait.ge [sflag:s15], $0x2710  }
0x20: {  	s20 =	rddreg [dreg:$0xd]  }
0x21: {  	s25 =	rddreg [dreg:$0x6];
	s16 =	sadd.s32 $0x1, s20  }
0x22: {  	p0 =	sne.s32 s16, s25  }
.Ltmp1:
0x23: {  	_ = 	snop;
	(pc) =	sbr.rel @!p0 .LBB2_8-.Ltmp1, $3  }
0x24: {  	_ =	sdelay $0x1  }
0x25: {  	[sflag:s15] =	ssyncset.done $0x0  }
0x26: {  	[sflag:s15] =	ssyncadd.s32 $0xFFFFD8F0  }
.LBB2_1:
0x27: {  	s4 =	simm.s32 $0x0;
	s25 =	simm.s32 $0x200  }
.LBB2_2:
0x28: {  	p0 =	sne.s32 s25, $0xFE00;
	[tilespmem:s4+$0x1470] =	vst v0  }
0x29: {  	[tilespmem:s4+$0x1400] =	vst v0  }
0x2a: {  	[tilespmem:s4+$0x1410] =	vst v0  }
.Ltmp2:
0x2b: {  	[tilespmem:s4+$0x1420] =	vst v0;
	(pc) =	sbr.rel @p0 .LBB2_2-.Ltmp2, $4  }
0x2c: {  	[tilespmem:s4+$0x1430] =	vst v0  }
0x2d: {  	[tilespmem:s4+$0x1440] =	vst v0  }
0x2e: {  	[tilespmem:s4+$0x1450] =	vst v0  }
0x2f: {  	[tilespmem:s4+$0x1460] =	vst v0;
	s4 =	sshra.s32 s25, $0x2;
	s25 =	sadd.s32 $0x200, s25  }
0x30: {  	[tilespmem:s4+$0x1470] =	vst v0  }
0x31: {  	[tilespmem:s4+$0x1400] =	vst v0  }
0x32: {  	[tilespmem:s4+$0x1410] =	vst v0  }
0x33: {  	[tilespmem:s4+$0x1420] =	vst v0  }
0x34: {  	[tilespmem:s4+$0x1430] =	vst v0  }
0x35: {  	[tilespmem:s4+$0x1440] =	vst v0  }
0x36: {  	[dreg:$0xd] =	wrdreg s16;
	[tilespmem:s4+$0x1450] =	vst v0  }
0x37: {  	[tilespmem:s4+$0x1460] =	vst v0;
	s20 =	rddreg [dreg:$0x4]  }
0x38: {  	[spmem:s20] =	stream.linear.scatter [tilespmem:s14], [sflag:$0x3], $0x4000, $0x38;
	[tilespmem:$0x1CC80] =	vst v63  }
0x39: {  	_ =	swait.ge [sflag:s15], $0x4000  }
0x3a: {  	[sflag:s15] =	ssyncset.done $0x0  }
0x3b: {  	s25 =	rddreg [dreg:$0x7];
	[sflag:s15] =	ssyncadd.s32 $0xFFFFC000  }
0x3c: {  	[spmem:s25] =	stream.linear.scatter [tilespmem:s14], [sflag:$0x3], $0x4000, $0x38;
	[tilespmem:$0x1CC80] =	vst v63  }
0x3d: {  	_ =	swait.ge [sflag:s15], $0x4000  }
0x3e: {  	[sflag:s15] =	ssyncset.done $0x0  }
0x3f: {  	s16 =	rddreg [dreg:$0x8];
	[sflag:s15] =	ssyncadd.s32 $0xFFFFC000  }
0x40: {  	[spmem:s16] =	stream.linear.scatter [tilespmem:s14], [sflag:$0x3], $0x4000, $0x38;
	[tilespmem:$0x1CC80] =	vst v63  }
0x41: {  	_ =	swait.ge [sflag:s15], $0x4000  }
0x42: {  	[sflag:s15] =	ssyncset.done $0x0  }
0x43: {  	s20 =	rddreg [dreg:$0x9];
	[sflag:s15] =	ssyncadd.s32 $0xFFFFC000  }
0x44: {  	[spmem:s20] =	stream.linear.scatter [tilespmem:s14], [sflag:$0x3], $0x4000, $0x38;
	[tilespmem:$0x1CC80] =	vst v63  }
0x45: {  	_ =	swait.ge [sflag:s15], $0x4000  }
0x46: {  	[sflag:s15] =	ssyncset.done $0x0  }
0x47: {  	s25 =	rddreg [dreg:$0x5];
	[sflag:s15] =	ssyncadd.s32 $0xFFFFC000  }
0x48: {  	[spmem:s25] =	stream.linear.scatter [tilespmem:s14], [sflag:$0x3], $0x3880, $0x38;
	[tilespmem:$0x1CC80] =	vst v63  }
.Ltmp3:
0x49: {  	_ =	swait.ge [sflag:s15], $0x3880;
	(pc) =	sbr.rel .LBB2_4-.Ltmp3, $4  }
0x4a: {  	[sflag:s15] =	ssyncset.done $0x0  }
0x4b: {  	[sflag:s15] =	ssyncadd.s32 $0xFFFFC780  }
0x4c: {  	[bflag:$0x0] =	sbarrier.arrive $0xFFFF  }
0x4d: {  	s25 =	simm.s32 $0x0;
	s4 =	rddreg [dreg:$0xb]  }
.LBB2_6:
0x4e: {  	s25 =	sadd.s32 $0x140, s25  }
0x4f: {  	p0 =	sne.s32 s25, $0x500  }
.Ltmp4:
0x50: {  	_ = 	snop;
	(pc) =	sbr.rel @!p0 .LBB2_7-.Ltmp4, $2  }
0x51: {  	_ =	sdelay $0x2  }
0x52: {  	s4 =	sadd.s32 $0x14, s4  }
.LBB2_4:
0x53: {  	p0 =	sgt.u32 s4, $0x9C3  }
.Ltmp5:
0x54: {  	_ = 	snop;
	(pc) =	sbr.rel @p0 .LBB2_6-.Ltmp5, $1  }
0x55: {  	_ =	sdelay $0x3  }
0x56: {  	s16 =	sadd.s32 s25, s12  }
0x57: {  	[tilespmem:s2], [sflag:$0x3] =	stream.linear.gather [hbm4b:s16+s2], $0xA00, $0x38;
	[tilespmem:$0x1CC80] =	vst v63  }
0x58: {  	_ =	swait.ge [sflag:s15], $0xA00  }
0x59: {  	[sflag:s15] =	ssyncset.done $0x0  }
0x5a: {  	s20 =	simm.s32 $0xA00;
	s16 =	sadd.s32 s25, s11;
	[sflag:s15] =	ssyncadd.s32 $0xFFFFF600  }
0x5b: {  	[tilespmem:s20], [sflag:$0x3] =	stream.linear.gather [hbm4b:s16+s2], $0xA00, $0x38;
	[tilespmem:$0x1CC80] =	vst v63  }
0x5c: {  	_ =	swait.ge [sflag:s15], $0xA00  }
0x5d: {  	[sflag:s15] =	ssyncset.done $0x0  }
0x5e: {  	[sflag:s15] =	ssyncadd.s32 $0xFFFFF600  }
0x5f: {  	[tilespmem:s14], [sflag:$0x1] =	stream.indirect.gather [hbm4b:s3+s17], $0x80, s2, s17, $0xb8;
	[tilespmem:$0x1CC80] =	vst v63  }
0x60: {  	_ = 	snop  }
0x61: {  	[tilespmem:s18], [sflag:$0x2] =	stream.indirect.gather [hbm4b:s3+s17], $0x80, s17, s17, $0xb8;
	[tilespmem:$0x1CC80] =	vst v63  }
0x62: {  	_ =	swait.ge [sflag:s19], $0x4000  }
0x63: {  	[sflag:s19] =	ssyncset.done $0x0  }
0x64: {  	s20 =	simm.s32 $0x100;
	[sflag:s19] =	ssyncadd.s32 $0xFFFFC000  }
0x65: {  	[tilespmem:s14], [sflag:$0x1] =	stream.indirect.gather [hbm4b:s3+s17], $0x80, s20, s17, $0xb8;
	[tilespmem:$0x1CC80] =	vst v63  }
0x66: {  	_ =	swait.ge [sflag:s21], $0x4000  }
0x67: {  	[sflag:s21] =	ssyncset.done $0x0  }
0x68: {  	[sflag:s21] =	ssyncadd.s32 $0xFFFFC000  }
0x69: {  	[tilespmem:s18], [sflag:$0x2] =	stream.indirect.gather [hbm4b:s3+s17], $0x80, s22, s17, $0xb8;
	[tilespmem:$0x1CC80] =	vst v63  }
0x6a: {  	_ =	swait.ge [sflag:s19], $0x4000  }
0x6b: {  	[sflag:s19] =	ssyncset.done $0x0  }
0x6c: {  	[sflag:s19] =	ssyncadd.s32 $0xFFFFC000  }
0x6d: {  	[tilespmem:s14], [sflag:$0x1] =	stream.indirect.gather [hbm4b:s3+s17], $0x80, s23, s17, $0xb8;
	[tilespmem:$0x1CC80] =	vst v63  }
0x6e: {  	_ =	swait.ge [sflag:s21], $0x4000  }
0x6f: {  	[sflag:s21] =	ssyncset.done $0x0  }
0x70: {  	[sflag:s21] =	ssyncadd.s32 $0xFFFFC000  }
0x71: {  	[tilespmem:s18], [sflag:$0x2] =	stream.indirect.gather [hbm4b:s3+s17], $0x80, s24, s17, $0xb8;
	[tilespmem:$0x1CC80] =	vst v63  }
0x72: {  	_ =	swait.ge [sflag:s19], $0x4000  }
0x73: {  	[sflag:s19] =	ssyncset.done $0x0  }
0x74: {  	[sflag:s19] =	ssyncadd.s32 $0xFFFFC000  }
0x75: {  	[tilespmem:s14], [sflag:$0x1] =	stream.indirect.gather [hbm4b:s3+s17], $0x80, s26, s17, $0xb8;
	[tilespmem:$0x1CC80] =	vst v63  }
0x76: {  	_ =	swait.ge [sflag:s21], $0x4000  }
0x77: {  	[sflag:s21] =	ssyncset.done $0x0  }
0x78: {  	[sflag:s21] =	ssyncadd.s32 $0xFFFFC000  }
0x79: {  	[tilespmem:s18], [sflag:$0x2] =	stream.indirect.gather [hbm4b:s3+s17], $0x80, s28, s17, $0xb8;
	[tilespmem:$0x1CC80] =	vst v63  }
0x7a: {  	_ =	swait.ge [sflag:s19], $0x4000  }
0x7b: {  	[sflag:s19] =	ssyncset.done $0x0  }
0x7c: {  	[sflag:s19] =	ssyncadd.s32 $0xFFFFC000  }
0x7d: {  	[tilespmem:s14], [sflag:$0x1] =	stream.indirect.gather [hbm4b:s3+s17], $0x80, s29, s17, $0xb8;
	[tilespmem:$0x1CC80] =	vst v63  }
0x7e: {  	_ =	swait.ge [sflag:s21], $0x4000  }
0x7f: {  	[sflag:s21] =	ssyncset.done $0x0  }
0x80: {  	[sflag:s21] =	ssyncadd.s32 $0xFFFFC000  }
0x81: {  	[tilespmem:s18], [sflag:$0x2] =	stream.indirect.gather [hbm4b:s3+s17], $0x80, s30, s17, $0xb8;
	[tilespmem:$0x1CC80] =	vst v63  }
0x82: {  	_ =	swait.ge [sflag:s19], $0x4000  }
0x83: {  	[sflag:s19] =	ssyncset.done $0x0  }
0x84: {  	[sflag:s19] =	ssyncadd.s32 $0xFFFFC000  }
0x85: {  	[tilespmem:s14], [sflag:$0x1] =	stream.indirect.gather [hbm4b:s3+s17], $0x80, s31, s17, $0xb8;
	[tilespmem:$0x1CC80] =	vst v63  }
0x86: {  	_ =	swait.ge [sflag:s21], $0x4000  }
0x87: {  	[sflag:s21] =	ssyncset.done $0x0  }
0x88: {  	[sflag:s21] =	ssyncadd.s32 $0xFFFFC000  }
0x89: {  	[tilespmem:s18], [sflag:$0x2] =	stream.indirect.gather [hbm4b:s3+s17], $0x80, s0, s17, $0xb8;
	[tilespmem:$0x1CC80] =	vst v63  }
0x8a: {  	_ =	swait.ge [sflag:s19], $0x4000  }
0x8b: {  	[sflag:s19] =	ssyncset.done $0x0  }
0x8c: {  	[sflag:s19] =	ssyncadd.s32 $0xFFFFC000  }
0x8d: {  	[tilespmem:s14], [sflag:$0x1] =	stream.indirect.gather [hbm4b:s3+s17], $0x80, s1, s17, $0xb8;
	[tilespmem:$0x1CC80] =	vst v63  }
0x8e: {  	_ =	swait.ge [sflag:s21], $0x4000  }
0x8f: {  	[sflag:s21] =	ssyncset.done $0x0  }
0x90: {  	[sflag:s21] =	ssyncadd.s32 $0xFFFFC000  }
0x91: {  	[tilespmem:s18], [sflag:$0x2] =	stream.indirect.gather [hbm4b:s3+s17], $0x80, s5, s17, $0xb8;
	[tilespmem:$0x1CC80] =	vst v63  }
0x92: {  	_ =	swait.ge [sflag:s19], $0x4000  }
0x93: {  	[sflag:s19] =	ssyncset.done $0x0  }
0x94: {  	[sflag:s19] =	ssyncadd.s32 $0xFFFFC000  }
0x95: {  	[tilespmem:s14], [sflag:$0x1] =	stream.indirect.gather [hbm4b:s3+s17], $0x80, s6, s17, $0xb8;
	[tilespmem:$0x1CC80] =	vst v63  }
0x96: {  	_ =	swait.ge [sflag:s21], $0x4000  }
0x97: {  	[sflag:s21] =	ssyncset.done $0x0  }
0x98: {  	[sflag:s21] =	ssyncadd.s32 $0xFFFFC000  }
0x99: {  	[tilespmem:s18], [sflag:$0x2] =	stream.indirect.gather [hbm4b:s3+s17], $0x80, s7, s17, $0xb8;
	[tilespmem:$0x1CC80] =	vst v63  }
0x9a: {  	_ =	swait.ge [sflag:s19], $0x4000  }
0x9b: {  	[sflag:s19] =	ssyncset.done $0x0  }
0x9c: {  	[sflag:s19] =	ssyncadd.s32 $0xFFFFC000  }
0x9d: {  	[tilespmem:s14], [sflag:$0x1] =	stream.indirect.gather [hbm4b:s3+s17], $0x80, s8, s17, $0xb8;
	[tilespmem:$0x1CC80] =	vst v63  }
0x9e: {  	_ =	swait.ge [sflag:s21], $0x4000  }
0x9f: {  	[sflag:s21] =	ssyncset.done $0x0  }
0xa0: {  	[sflag:s21] =	ssyncadd.s32 $0xFFFFC000  }
0xa1: {  	[tilespmem:s18], [sflag:$0x2] =	stream.indirect.gather [hbm4b:s3+s17], $0x80, s9, s17, $0xb8;
	[tilespmem:$0x1CC80] =	vst v63  }
0xa2: {  	_ =	swait.ge [sflag:s19], $0x4000  }
0xa3: {  	[sflag:s19] =	ssyncset.done $0x0  }
0xa4: {  	[sflag:s19] =	ssyncadd.s32 $0xFFFFC000  }
0xa5: {  	[tilespmem:s14], [sflag:$0x1] =	stream.indirect.gather [hbm4b:s3+s17], $0x80, s10, s17, $0xb8;
	[tilespmem:$0x1CC80] =	vst v63  }
0xa6: {  	_ =	swait.ge [sflag:s21], $0x4000  }
0xa7: {  	[sflag:s21] =	ssyncset.done $0x0  }
0xa8: {  	[sflag:s21] =	ssyncadd.s32 $0xFFFFC000  }
0xa9: {  	[tilespmem:s18], [sflag:$0x2] =	stream.indirect.gather [hbm4b:s3+s17], $0x80, s13, s17, $0xb8;
	[tilespmem:$0x1CC80] =	vst v63  }
0xaa: {  	_ =	swait.ge [sflag:s19], $0x4000  }
.Ltmp6:
0xab: {  	[sflag:s19] =	ssyncset.done $0x0;
	(pc) =	sbr.rel .LBB2_6-.Ltmp6, $4  }
0xac: {  	[sflag:s19] =	ssyncadd.s32 $0xFFFFC000  }
0xad: {  	_ =	swait.ge [sflag:s21], $0x4000  }
0xae: {  	[sflag:s21] =	ssyncset.done $0x0  }
0xaf: {  	[sflag:s21] =	ssyncadd.s32 $0xFFFFC000  }
.LBB2_8:
0xb0: {  	_ =	sfence.sel $0x180000  }
0xb1: {  	[bflag:$0x0] =	sbarrier.arrive $0xFFFF  }
0xb2: {  	_ =	strace $0x9000004A  }
0xb3: {  	s0 =	stileid.u32;
	[bflag:$0x2] =	sbarrier.arrive $0xFFFF  }
0xb4: {  	p0 =	sne.s32 s0, $0x0;
	s0 =	rddreg [dreg:$0x3]  }
0xb5: {  	s0 =	sadd.s32 @!p0 $0x100000, s0  }
0xb6: {  	[sflag:s0] =	ssyncadd.tile.s32 @!p0 $0x1;
	_ =	shalt  }
.Lfunc_end2:
_tile_overlayer_lowered:
.L_overlay_start_2:
0xb7: {  	(tag) =	ssettag $0x2  }
0xb8: {  	s0 =	rddreg [dreg:$0x0];
	s2 =	stileid.u32  }
0xb9: {  	s1 =	rddreg [dreg:$0x1];
	p0 =	sne.s32 s2, $0x0  }
0xba: {  	s3 =	rddreg [dreg:$0x2];
	[bflag:$0x3] =	sbarrier.arrive $0xFFFF;
	s2 =	simm.s32 @!p0 $0x1C03  }
0xbb: {  	[timem:s3], [sflag:s2] =	dma.local @!p0 [hbm:s0], s1  }
0xbc: {  	s0 =	simm.s32 @!p0 $0x3  }
0xbd: {  	_ =	swait.ge @!p0 [sflag:s0], s1  }
0xbe: {  	s1 =	ssub.s32 @!p0 $0x0, s1;
	[sflag:s0] =	ssyncset.done @!p0 $0x0  }
0xbf: {  	[sflag:s0] =	ssyncadd.s32 @!p0 s1  }
0xc0: {  	[bflag:$0x3] =	sbarrier.arrive $0xFFFF  }
0xc1: {  	_ =	shalt  }

// kernel: kernel.14.cloned.1.call-start
scs
__scs_entry_jumppad:
0x0: {  	(pc) =	sbr.rel $0x88, $3  }
0x1: {  	(tag) =	ssettag $0x0;
	lr =	simm.s32 $0x1  }
0x2: {  	[smem:$0x3F96] =	sst lr;
	_ =	strace $0xD0000000  }
0x3: {  	_ = 	snop  }
0x4: {  	_ = 	snop  }
0x5: {  	_ = 	snop  }
0x6: {  	_ = 	snop  }
0x7: {  	_ = 	snop  }
__scs_overlays_trampoline_lowered:
0x8: {  	[smem:$0x3FA5] =	sst s0  }
0x9: {  	[smem:$0x3FA6] =	sst s1  }
0xa: {  	[smem:$0x3FA7] =	sst s2  }
0xb: {  	[smem:$0x3FA8] =	sst s3  }
0xc: {  	[smem:$0x3FA9] =	sst s4  }
0xd: {  	[smem:$0x3FAA] =	sst s5  }
0xe: {  	[smem:$0x3FAB] =	sst s6  }
0xf: {  	[smem:$0x3FAC] =	sst s7  }
0x10: {  	[smem:$0x3FAD] =	sst s8  }
0x11: {  	[smem:$0x3FAE] =	sst s9;
	s0 =	simm.s32 @!p0 $0x0  }
0x12: {  	s1 =	sld [smem:$0x3F94];
	s0 =	simm.s32 @p0 $0x1  }
0x13: {  	[smem:$0x3FAF] =	sst s0;
	s0 =	simm.s32 @!p1 $0x0  }
0x14: {  	s2 =	sld [smem:$0x3F93];
	s0 =	simm.s32 @p1 $0x1  }
0x15: {  	[smem:$0x3FB0] =	sst s0;
	s0 =	simm.s32 @!p2 $0x0  }
0x16: {  	s3 =	sld [smem:$0x3FDB];
	s0 =	simm.s32 @p2 $0x1  }
0x17: {  	s4 =	simm.s32 $0x1BF5;
	[smem:$0x3FB2] =	sst s0  }
0x18: {  	s0 =	sld [smem:$0x3F95];
	_ =	swait.ge [sflag:s4], $0x0  }
0x19: {  	s7 =	sld [smem:$0x3F96]  }
0x1a: {  	s8 =	sadd.s32 $0xFFFFE003, lr  }
0x1b: {  	s9 =	sadd.s32 $0xFFFFFEF7, lr;
	s5 =	simm.s32 $0xFFFFFFFF;
	p2 =	slt.u32 s8, $0xFFFFF086  }
0x1c: {  	p1 =	slt.u32 s9, $0xF7A;
	s5 =	simm.s32 @!p2 $0x0  }
0x1d: {  	s5 =	simm.s32 @p1 $0x1;
	p0 =	seq.s32 s7, s2  }
0x1e: {  	s7 =	smul.u32 @!p0 $0xF7A, s2;
	p2 =	seq.s32 @!p0 s5, $0x0  }
0x1f: {  	s9 =	smul.u32 $0xF7A, s1;
	s8 =	simm.s32 @!p0 $0x1BF5;
	p2 =	por !p2, p0  }
0x20: {  	[sflag:s8] =	ssyncset.s32 @!p0 $0xFFFFF086;
	s6 =	sadd.s32 @!p0 s3, s7;
	s7 =	simm.s32 @!p0 $0x108  }
0x21: {  	s3 =	sadd.s32 s3, s9;
	s6 =	sadd.s32 @!p0 $0x88, s6;
	s7 =	simm.s32 @p2 $0x1082  }
0x22: {  	[simem:s7], [sflag:s8] =	dma.local @!p0 [hbm:s6], $0xF7A  }
0x23: {  	s9 =	sor.u32 $0xD0000000, s2;
	s6 =	simm.s32 $0x108;
	_ =	swait.ge @!p0 [sflag:s8], $0x0  }
0x24: {  	s3 =	sadd.s32 $0x88, s3;
	s6 =	simm.s32 @!p1 $0x1082;
	[sflag:s4] =	ssyncset.s32 $0xFFFFF086  }
0x25: {  	[simem:s6], [sflag:s4] =	dma.local [hbm:s3], $0xF7A  }
0x26: {  	[smem:$0x3F96] =	sst s1;
	(tag) =	ssettag s2;
	_ =	strace s9  }
0x27: {  	s1 =	sld [smem:$0x3FA6]  }
0x28: {  	s2 =	sld [smem:$0x3FA7]  }
0x29: {  	s4 =	sld [smem:$0x3FA9]  }
0x2a: {  	p0 =	seq.s32 s5, $0x0;
	s5 =	sld [smem:$0x3FAA]  }
0x2b: {  	s6 =	sld [smem:$0x3FAB]  }
0x2c: {  	s7 =	sld [smem:$0x3FAC]  }
0x2d: {  	s3 =	simm.s32 $0x108;
	s8 =	sld [smem:$0x3FAD]  }
0x2e: {  	s3 =	simm.s32 @!p0 $0x1082;
	s9 =	sld [smem:$0x3FAE]  }
0x2f: {  	lr =	sadd.s32 s0, s3;
	s0 =	sld [smem:$0x3FA5]  }
0x30: {  	s3 =	sld [smem:$0x3FA8]  }
0x31: {  	[smem:$0x3FB1] =	sst s10  }
0x32: {  	s10 =	sld [smem:$0x3FAF];
	_ =	sdelay $0x3  }
0x33: {  	p0 =	seq.s32 s10, $0x1;
	s10 =	sld [smem:$0x3FB1];
	_ =	sdelay $0x3  }
0x34: {  	[smem:$0x3FB1] =	sst s10  }
0x35: {  	s10 =	sld [smem:$0x3FB0];
	_ =	sdelay $0x3  }
0x36: {  	p1 =	seq.s32 s10, $0x1;
	s10 =	sld [smem:$0x3FB1];
	_ =	sdelay $0x3  }
0x37: {  	[smem:$0x3FB1] =	sst s10  }
0x38: {  	s10 =	sld [smem:$0x3FB2]  }
0x39: {  	_ = 	snop;
	(pc) =	sbr.ind lr, $3  }
0x3a: {  	_ = 	snop  }
0x3b: {  	_ = 	snop  }
0x3c: {  	p2 =	seq.s32 s10, $0x1;
	s10 =	sld [smem:$0x3FB1]  }
0x3d: {  	_ =	shalt  }
0x3e: {  	_ =	shalt  }
0x3f: {  	_ =	shalt  }
0x40: {  	_ =	shalt  }
0x41: {  	_ =	shalt  }
0x42: {  	_ =	shalt  }
0x43: {  	_ =	shalt  }
0x44: {  	_ =	shalt  }
0x45: {  	_ =	shalt  }
0x46: {  	_ =	shalt  }
0x47: {  	_ =	shalt  }
0x48: {  	_ =	shalt  }
0x49: {  	_ =	shalt  }
0x4a: {  	_ =	shalt  }
0x4b: {  	_ =	shalt  }
0x4c: {  	_ =	shalt  }
0x4d: {  	_ =	shalt  }
0x4e: {  	_ =	shalt  }
0x4f: {  	_ =	shalt  }
0x50: {  	_ =	shalt  }
0x51: {  	_ =	shalt  }
0x52: {  	_ =	shalt  }
0x53: {  	_ =	shalt  }
0x54: {  	_ =	shalt  }
0x55: {  	_ =	shalt  }
0x56: {  	_ =	shalt  }
0x57: {  	_ =	shalt  }
0x58: {  	_ =	shalt  }
0x59: {  	_ =	shalt  }
0x5a: {  	_ =	shalt  }
0x5b: {  	_ =	shalt  }
0x5c: {  	_ =	shalt  }
0x5d: {  	_ =	shalt  }
0x5e: {  	_ =	shalt  }
0x5f: {  	_ =	shalt  }
0x60: {  	_ =	shalt  }
0x61: {  	_ =	shalt  }
0x62: {  	_ =	shalt  }
0x63: {  	_ =	shalt  }
0x64: {  	_ =	shalt  }
0x65: {  	_ =	shalt  }
0x66: {  	_ =	shalt  }
0x67: {  	_ =	shalt  }
0x68: {  	_ =	shalt  }
0x69: {  	_ =	shalt  }
0x6a: {  	_ =	shalt  }
0x6b: {  	_ =	shalt  }
0x6c: {  	_ =	shalt  }
0x6d: {  	_ =	shalt  }
0x6e: {  	_ =	shalt  }
0x6f: {  	_ =	shalt  }
0x70: {  	_ =	shalt  }
0x71: {  	_ =	shalt  }
0x72: {  	_ =	shalt  }
0x73: {  	_ =	shalt  }
0x74: {  	_ =	shalt  }
0x75: {  	_ =	shalt  }
0x76: {  	_ =	shalt  }
0x77: {  	_ =	shalt  }
0x78: {  	_ =	shalt  }
0x79: {  	_ =	shalt  }
0x7a: {  	_ =	shalt  }
0x7b: {  	_ =	shalt  }
0x7c: {  	_ =	shalt  }
0x7d: {  	_ =	shalt  }
0x7e: {  	_ =	shalt  }
0x7f: {  	_ =	shalt  }
0x80: {  	_ =	shalt  }
0x81: {  	_ =	shalt  }
0x82: {  	_ =	shalt  }
0x83: {  	_ =	shalt  }
0x84: {  	_ =	shalt  }
0x85: {  	_ =	shalt  }
0x86: {  	_ =	shalt  }
0x87: {  	_ =	shalt  }
.Lfunc_end0:
.L_simem_size_0:
called_computation.2_lowered:
.L_overlay_start_0:
0x88: {  	s2 =	sld [smem:$0x3FD9]  }
0x89: {  	s3 =	sld [smem:$0x3FFE];
	_ =	sdelay $0x1  }
0x8a: {  	s1 =	srdreg.scid  }
0x8b: {  	s0 =	sand.u32 $0x1, s1  }
0x8c: {  	s14 =	sshll.u32 s0, $0xA;
	s2 =	sadd.s32 s3, s2  }
0x8d: {  	s2 =	sadd.s32 s2, s14  }
0x8e: {  	[smem:$0x3FBD] =	sst s2  }
0x8f: {  	_ = 	snop  }
0x90: {  	s2 =	sld [smem:$0x3FD0];
	_ =	sdelay $0x2  }
0x91: {  	s15 =	simm.s32 $0xA;
	s4 =	simm.s32 $0x10  }
0x92: {  	[smem:s4], [sflag:s15] =	dma.local [hbm:s2], $0x1  }
0x93: {  	_ =	swait.eq [sflag:s15], $0x1  }
0x94: {  	[sflag:s15] =	ssyncset.done $0x0  }
0x95: {  	[sflag:s15] =	ssyncadd.s32 $0xFFFFFFFF  }
0x96: {  	s16 =	sld [smem:$0x10];
	(tm) =	ssettm $0x1  }
0x97: {  	s17 =	sld [smem:$0x3FFB];
	_ =	sdelay $0x3  }
0x98: {  	_ =	strace s17  }
0x99: {  	s3 =	sld [smem:$0x3FFC];
	_ =	sdelay $0x3  }
0x9a: {  	_ =	strace s3  }
0x9b: {  	s3 =	sld [smem:$0x3FFD];
	_ =	sdelay $0x3  }
0x9c: {  	_ =	strace s3  }
0x9d: {  	_ =	strace $0x8FFFFFFF  }
0x9e: {  	s18 =	sld [smem:$0x3FDB];
	_ =	sdelay $0x1  }
0x9f: {  	s19 =	simm.s32 $_scs_section_size  }
0xa0: {  	s5 =	simm.s32 $_size__tile_overlayer_lowered;
	s6 =	simm.s32 $_tile_overlayer_lowered  }
0xa1: {  	s22 =	simm.s32 $0x1BFF;
	s21 =	sshll.u32 s6, $0x1;
	s3 =	sadd.s32 s19, s18  }
0xa2: {  	s7 =	simm.s32 $0x0;
	s20 =	sshll.u32 s5, $0x1;
	s5 =	sadd.s32 s21, s3  }
0xa3: {  	[timem:s7], [sflag:s22] =	dma.local [hbm:s5], s20  }
0xa4: {  	_ =	swait.ge [sflag:s22], s20  }
0xa5: {  	s4 =	ssub.s32 $0x0, s20;
	[sflag:s22] =	ssyncset.done $0x0  }
0xa6: {  	[sflag:s22] =	ssyncadd.s32 s4;
	_ =	sdelay $0x1  }
0xa7: {  	s23 =	simm.s32 $0x1B8B  }
0xa8: {  	_ =	swait.ge [sflag:s23], $0x1  }
0xa9: {  	[sflag:s23] =	ssyncset.done $0x0  }
0xaa: {  	s25 =	simm.s32 $0x1B8E;
	s24 =	sld [smem:$0x3FFE];
	[sflag:s23] =	ssyncadd.s32 $0xFFFFFFFF  }
0xab: {  	s26 =	simm.s32 $execute0_lowered;
	[smem:$0x3FD2] =	sst s25  }
0xac: {  	s5 =	sshll.u32 s26, $0x1;
	_ =	strace $0x8000004C;
	[dreg:$0x1] =	wrdreg $0xFFFFFFFF  }
0xad: {  	s28 =	simm.s32 $_size_execute0_lowered;
	s3 =	sadd.s32 s3, s5;
	[dreg:$0x0] =	wrdreg $0x0  }
0xae: {  	s5 =	sshll.u32 s28, $0x1;
	[dreg:$0x2] =	wrdreg s3  }
0xaf: {  	[dreg:$0x3] =	wrdreg s5  }
0xb0: {  	[dreg:$0x4] =	wrdreg $0xC0  }
0xb1: {  	_ =	task [dreg:s7], $0x5FFFF  }
0xb2: {  	[dreg:$0x1] =	wrdreg $0xFFFFFFFF  }
0xb3: {  	[dreg:$0x0] =	wrdreg $0x60  }
0xb4: {  	[dreg:$0x2] =	wrdreg s24  }
0xb5: {  	[dreg:$0x3] =	wrdreg s16  }
0xb6: {  	[dreg:$0x4] =	wrdreg $0x94000  }
0xb7: {  	[dreg:$0x5] =	wrdreg $0x9  }
0xb8: {  	_ =	task.clear_ibuf [dreg:s7], $0x6FFFF;
	_ =	strace $0x9000004C  }
0xb9: {  	s29 =	simm.s32 $0x9;
	_ =	strace $0x8000004E  }
0xba: {  	_ =	swait.ge [sflag:s29], $0x1  }
0xbb: {  	[sflag:s29] =	ssyncadd.s32 $0xFFFFFFFF  }
0xbc: {  	_ =	strace $0x9000004E  }
0xbd: {  	_ =	sfence  }
0xbe: {  	s30 =	sld [smem:$0x0];
	_ =	sdelay $0x2  }
0xbf: {  	s31 =	sshll.u32 s1, $0xD;
	s1 =	sshrl.u32 s1, $0x2  }
0xc0: {  	s3 =	sand.u32 $0x4000, s31;
	s1 =	sadd.s32 s1, s30  }
0xc1: {  	s0 =	sor.u32 s3, s0;
	s1 =	sshll.u32 s1, $0x11  }
0xc2: {  	s0 =	sor.u32 s1, s0  }
0xc3: {  	s0 =	sadd.s32 $0x8F2B, s0  }
0xc4: {  	[sflag:s0] =	ssyncadd.remote.s32 $0x1  }
0xc5: {  	_ =	sfence.sel $0xFFFF  }
0xc6: {  	[dreg:$0x0] =	wrdreg $0xFFFFFFFF;
	(pc) =	sbr.abs _section_cstart, $3  }
0xc7: {  	[dreg:$0x1] =	wrdreg $0xFFFFFFFF  }
0xc8: {  	_ =	task.clear_ibuf [dreg:s7], $0x2FFFF;
	_ =	strace $0x9FFFFFFF  }
0xc9: {  	(tm) =	ssettm $0x7FFFFFFF  }
tec
execute0_lowered:
.L_overlay_start_1:
0x0: {  	(tag) =	ssettag $0x1  }
0x1: {  	s0 =	rddreg [dreg:$0x0]  }
0x2: {  	s1 =	rddreg [dreg:$0x1]  }
0x3: {  	s4 =	rddreg [dreg:$0x2]  }
0x4: {  	s2 =	srdreg.scid;
	s10 =	stileid.u32;
	s14 =	simm.s32 $0x1400  }
0x5: {  	s15 =	simm.s32 $0x3;
	s28 =	simm.s32 $0x380;
	s6 =	smul.u32 $0x4E200, s10  }
0x6: {  	s29 =	simm.s32 $0x400;
	s30 =	simm.s32 $0x480;
	s17 =	smul.u32 $0x13880, s10  }
0x7: {  	s31 =	simm.s32 $0x500;
	s13 =	simm.s32 $0x980;
	s20 =	smul.u32 $0x500, s10  }
0x8: {  	s16 =	simm.s32 $0x0;
	s5 =	sand.u32 $0x1, s2;
	s23 =	smul.u32 $0x50, s10  }
0x9: {  	s2 =	simm.s32 $0x0;
	s10 =	simm.s32 $0x900;
	s3 =	smul.u32 $0x5000, s5  }
0xa: {  	[smem:$0x7FF] =	sst s2;
	s8 =	ssub.s32 $0x2, s5;
	p0 =	seq.s32 s5, $0x1  }
0xb: {  	s5 =	smul.u32 $0x500, s5;
	_ =	strace $0x8000004D;
	s6 =	sshrl.u32 s6, $0x2  }
0xc: {  	s9 =	sshrl.u32 s8, $0x1;
	s19 =	sshrl.u32 s17, $0x3;
	s7 =	sadd.s32 s3, s0  }
0xd: {  	s3 =	sadd.s32 $0x17E00, s0;
	s0 =	sadd.s32 $0x70200, s0;
	s11 =	sadd.s32 s6, s4  }
0xe: {  	s8 =	ssub.s32 s8, s9;
	s4 =	sadd.s32 s17, s4;
	s17 =	simm.s32 $0x80  }
0xf: {  	s6 =	simm.s32 $0x700;
	s9 =	simm.s32 $0x880;
	s18 =	sadd.s32 $0x10000, s11  }
0x10: {  	s8 =	smax.u32 s8, $0x1;
	s21 =	sadd.s32 $0x4000, s11;
	[dreg:$0x4] =	wrdreg s11  }
0x11: {  	s22 =	sadd.s32 $0x8000, s11;
	s1 =	smov.u32 @p0 s0;
	[dreg:$0x5] =	wrdreg s18  }
0x12: {  	s24 =	sadd.s32 $0xC000, s11;
	s25 =	sadd.s32 s20, s7;
	[dreg:$0x6] =	wrdreg s8  }
0x13: {  	s0 =	sadd.s32 s23, s5;
	s23 =	simm.s32 $0x200;
	[dreg:$0x7] =	wrdreg s21  }
0x14: {  	s26 =	sshrl.u32 s4, $0x3;
	s5 =	simm.s32 $0x680;
	[dreg:$0x8] =	wrdreg s22  }
0x15: {  	s7 =	simm.s32 $0x780;
	[dreg:$0x9] =	wrdreg s24;
	s1 =	sadd.s32 s1, s19  }
.Ltmp0:
0x16: {  	s11 =	sadd.s32 $0x4200, s25;
	s12 =	sadd.s32 $0xE000, s25;
	(pc) =	sbr.rel .LBB2_1-.Ltmp0, $4  }
0x17: {  	[dreg:$0xb] =	wrdreg s0;
	s18 =	simm.s32 $0x5400;
	s19 =	simm.s32 $0x1  }
0x18: {  	s21 =	simm.s32 $0x2;
	s22 =	simm.s32 $0x180;
	s24 =	simm.s32 $0x280  }
0x19: {  	[dreg:$0xc] =	wrdreg s26;
	s26 =	simm.s32 $0x300;
	s0 =	simm.s32 $0x580  }
0x1a: {  	v0 =	vimm.f32 $0.0e+00;
	s8 =	simm.s32 $0x800;
	[dreg:$0xa] =	wrdreg s1;
	s1 =	simm.s32 $0x600  }
.LBB2_7:
0x1b: {  	s4 =	stileid.u32;
	[bflag:$0x0] =	sbarrier.arrive $0xFFFF  }
0x1c: {  	s4 =	sshll.u32 s4, $0x6;
	s16 =	rddreg [dreg:$0xa]  }
0x1d: {  	s20 =	rddreg [dreg:$0xc];
	s4 =	sor.u32 $0x1C03, s4  }
0x1e: {  	[hbm:s16], [sflag:s4] =	dma.local [spmem:s20], $0x2710  }
0x1f: {  	_ =	swait.ge [sflag:s15], $0x2710  }
0x20: {  	s20 =	rddreg [dreg:$0xd]  }
0x21: {  	s25 =	rddreg [dreg:$0x6];
	s16 =	sadd.s32 $0x1, s20  }
0x22: {  	p0 =	sne.s32 s16, s25  }
.Ltmp1:
0x23: {  	_ = 	snop;
	(pc) =	sbr.rel @!p0 .LBB2_8-.Ltmp1, $3  }
0x24: {  	_ =	sdelay $0x1  }
0x25: {  	[sflag:s15] =	ssyncset.done $0x0  }
0x26: {  	[sflag:s15] =	ssyncadd.s32 $0xFFFFD8F0  }
.LBB2_1:
0x27: {  	s4 =	simm.s32 $0x0;
	s25 =	simm.s32 $0x200  }
.LBB2_2:
0x28: {  	p0 =	sne.s32 s25, $0xFE00;
	[tilespmem:s4+$0x1470] =	vst v0  }
0x29: {  	[tilespmem:s4+$0x1400] =	vst v0  }
0x2a: {  	[tilespmem:s4+$0x1410] =	vst v0  }
.Ltmp2:
0x2b: {  	[tilespmem:s4+$0x1420] =	vst v0;
	(pc) =	sbr.rel @p0 .LBB2_2-.Ltmp2, $4  }
0x2c: {  	[tilespmem:s4+$0x1430] =	vst v0  }
0x2d: {  	[tilespmem:s4+$0x1440] =	vst v0  }
0x2e: {  	[tilespmem:s4+$0x1450] =	vst v0  }
0x2f: {  	[tilespmem:s4+$0x1460] =	vst v0;
	s4 =	sshra.s32 s25, $0x2;
	s25 =	sadd.s32 $0x200, s25  }
0x30: {  	[tilespmem:s4+$0x1470] =	vst v0  }
0x31: {  	[tilespmem:s4+$0x1400] =	vst v0  }
0x32: {  	[tilespmem:s4+$0x1410] =	vst v0  }
0x33: {  	[tilespmem:s4+$0x1420] =	vst v0  }
0x34: {  	[tilespmem:s4+$0x1430] =	vst v0  }
0x35: {  	[tilespmem:s4+$0x1440] =	vst v0  }
0x36: {  	[dreg:$0xd] =	wrdreg s16;
	[tilespmem:s4+$0x1450] =	vst v0  }
0x37: {  	[tilespmem:s4+$0x1460] =	vst v0;
	s20 =	rddreg [dreg:$0x4]  }
0x38: {  	[spmem:s20] =	stream.linear.scatter [tilespmem:s14], [sflag:$0x3], $0x4000, $0x38;
	[tilespmem:$0x1CC80] =	vst v63  }
0x39: {  	_ =	swait.ge [sflag:s15], $0x4000  }
0x3a: {  	[sflag:s15] =	ssyncset.done $0x0  }
0x3b: {  	s25 =	rddreg [dreg:$0x7];
	[sflag:s15] =	ssyncadd.s32 $0xFFFFC000  }
0x3c: {  	[spmem:s25] =	stream.linear.scatter [tilespmem:s14], [sflag:$0x3], $0x4000, $0x38;
	[tilespmem:$0x1CC80] =	vst v63  }
0x3d: {  	_ =	swait.ge [sflag:s15], $0x4000  }
0x3e: {  	[sflag:s15] =	ssyncset.done $0x0  }
0x3f: {  	s16 =	rddreg [dreg:$0x8];
	[sflag:s15] =	ssyncadd.s32 $0xFFFFC000  }
0x40: {  	[spmem:s16] =	stream.linear.scatter [tilespmem:s14], [sflag:$0x3], $0x4000, $0x38;
	[tilespmem:$0x1CC80] =	vst v63  }
0x41: {  	_ =	swait.ge [sflag:s15], $0x4000  }
0x42: {  	[sflag:s15] =	ssyncset.done $0x0  }
0x43: {  	s20 =	rddreg [dreg:$0x9];
	[sflag:s15] =	ssyncadd.s32 $0xFFFFC000  }
0x44: {  	[spmem:s20] =	stream.linear.scatter [tilespmem:s14], [sflag:$0x3], $0x4000, $0x38;
	[tilespmem:$0x1CC80] =	vst v63  }
0x45: {  	_ =	swait.ge [sflag:s15], $0x4000  }
0x46: {  	[sflag:s15] =	ssyncset.done $0x0  }
0x47: {  	s25 =	rddreg [dreg:$0x5];
	[sflag:s15] =	ssyncadd.s32 $0xFFFFC000  }
0x48: {  	[spmem:s25] =	stream.linear.scatter [tilespmem:s14], [sflag:$0x3], $0x3880, $0x38;
	[tilespmem:$0x1CC80] =	vst v63  }
.Ltmp3:
0x49: {  	_ =	swait.ge [sflag:s15], $0x3880;
	(pc) =	sbr.rel .LBB2_4-.Ltmp3, $4  }
0x4a: {  	[sflag:s15] =	ssyncset.done $0x0  }
0x4b: {  	[sflag:s15] =	ssyncadd.s32 $0xFFFFC780  }
0x4c: {  	[bflag:$0x0] =	sbarrier.arrive $0xFFFF  }
0x4d: {  	s25 =	simm.s32 $0x0;
	s4 =	rddreg [dreg:$0xb]  }
.LBB2_6:
0x4e: {  	s25 =	sadd.s32 $0x140, s25  }
0x4f: {  	p0 =	sne.s32 s25, $0x500  }
.Ltmp4:
0x50: {  	_ = 	snop;
	(pc) =	sbr.rel @!p0 .LBB2_7-.Ltmp4, $2  }
0x51: {  	_ =	sdelay $0x2  }
0x52: {  	s4 =	sadd.s32 $0x14, s4  }
.LBB2_4:
0x53: {  	p0 =	sgt.u32 s4, $0x9C3  }
.Ltmp5:
0x54: {  	_ = 	snop;
	(pc) =	sbr.rel @p0 .LBB2_6-.Ltmp5, $1  }
0x55: {  	_ =	sdelay $0x3  }
0x56: {  	s16 =	sadd.s32 s25, s12  }
0x57: {  	[tilespmem:s2], [sflag:$0x3] =	stream.linear.gather [hbm4b:s16+s2], $0xA00, $0x38;
	[tilespmem:$0x1CC80] =	vst v63  }
0x58: {  	_ =	swait.ge [sflag:s15], $0xA00  }
0x59: {  	[sflag:s15] =	ssyncset.done $0x0  }
0x5a: {  	s20 =	simm.s32 $0xA00;
	s16 =	sadd.s32 s25, s11;
	[sflag:s15] =	ssyncadd.s32 $0xFFFFF600  }
0x5b: {  	[tilespmem:s20], [sflag:$0x3] =	stream.linear.gather [hbm4b:s16+s2], $0xA00, $0x38;
	[tilespmem:$0x1CC80] =	vst v63  }
0x5c: {  	_ =	swait.ge [sflag:s15], $0xA00  }
0x5d: {  	[sflag:s15] =	ssyncset.done $0x0  }
0x5e: {  	[sflag:s15] =	ssyncadd.s32 $0xFFFFF600  }
0x5f: {  	[tilespmem:s14], [sflag:$0x1] =	stream.indirect.gather [hbm4b:s3+s17], $0x80, s2, s17, $0xb8;
	[tilespmem:$0x1CC80] =	vst v63  }
0x60: {  	_ = 	snop  }
0x61: {  	[tilespmem:s18], [sflag:$0x2] =	stream.indirect.gather [hbm4b:s3+s17], $0x80, s17, s17, $0xb8;
	[tilespmem:$0x1CC80] =	vst v63  }
0x62: {  	_ =	swait.ge [sflag:s19], $0x4000  }
0x63: {  	[sflag:s19] =	ssyncset.done $0x0  }
0x64: {  	s20 =	simm.s32 $0x100;
	[sflag:s19] =	ssyncadd.s32 $0xFFFFC000  }
0x65: {  	[tilespmem:s14], [sflag:$0x1] =	stream.indirect.gather [hbm4b:s3+s17], $0x80, s20, s17, $0xb8;
	[tilespmem:$0x1CC80] =	vst v63  }
0x66: {  	_ =	swait.ge [sflag:s21], $0x4000  }
0x67: {  	[sflag:s21] =	ssyncset.done $0x0  }
0x68: {  	[sflag:s21] =	ssyncadd.s32 $0xFFFFC000  }
0x69: {  	[tilespmem:s18], [sflag:$0x2] =	stream.indirect.gather [hbm4b:s3+s17], $0x80, s22, s17, $0xb8;
	[tilespmem:$0x1CC80] =	vst v63  }
0x6a: {  	_ =	swait.ge [sflag:s19], $0x4000  }
0x6b: {  	[sflag:s19] =	ssyncset.done $0x0  }
0x6c: {  	[sflag:s19] =	ssyncadd.s32 $0xFFFFC000  }
0x6d: {  	[tilespmem:s14], [sflag:$0x1] =	stream.indirect.gather [hbm4b:s3+s17], $0x80, s23, s17, $0xb8;
	[tilespmem:$0x1CC80] =	vst v63  }
0x6e: {  	_ =	swait.ge [sflag:s21], $0x4000  }
0x6f: {  	[sflag:s21] =	ssyncset.done $0x0  }
0x70: {  	[sflag:s21] =	ssyncadd.s32 $0xFFFFC000  }
0x71: {  	[tilespmem:s18], [sflag:$0x2] =	stream.indirect.gather [hbm4b:s3+s17], $0x80, s24, s17, $0xb8;
	[tilespmem:$0x1CC80] =	vst v63  }
0x72: {  	_ =	swait.ge [sflag:s19], $0x4000  }
0x73: {  	[sflag:s19] =	ssyncset.done $0x0  }
0x74: {  	[sflag:s19] =	ssyncadd.s32 $0xFFFFC000  }
0x75: {  	[tilespmem:s14], [sflag:$0x1] =	stream.indirect.gather [hbm4b:s3+s17], $0x80, s26, s17, $0xb8;
	[tilespmem:$0x1CC80] =	vst v63  }
0x76: {  	_ =	swait.ge [sflag:s21], $0x4000  }
0x77: {  	[sflag:s21] =	ssyncset.done $0x0  }
0x78: {  	[sflag:s21] =	ssyncadd.s32 $0xFFFFC000  }
0x79: {  	[tilespmem:s18], [sflag:$0x2] =	stream.indirect.gather [hbm4b:s3+s17], $0x80, s28, s17, $0xb8;
	[tilespmem:$0x1CC80] =	vst v63  }
0x7a: {  	_ =	swait.ge [sflag:s19], $0x4000  }
0x7b: {  	[sflag:s19] =	ssyncset.done $0x0  }
0x7c: {  	[sflag:s19] =	ssyncadd.s32 $0xFFFFC000  }
0x7d: {  	[tilespmem:s14], [sflag:$0x1] =	stream.indirect.gather [hbm4b:s3+s17], $0x80, s29, s17, $0xb8;
	[tilespmem:$0x1CC80] =	vst v63  }
0x7e: {  	_ =	swait.ge [sflag:s21], $0x4000  }
0x7f: {  	[sflag:s21] =	ssyncset.done $0x0  }
0x80: {  	[sflag:s21] =	ssyncadd.s32 $0xFFFFC000  }
0x81: {  	[tilespmem:s18], [sflag:$0x2] =	stream.indirect.gather [hbm4b:s3+s17], $0x80, s30, s17, $0xb8;
	[tilespmem:$0x1CC80] =	vst v63  }
0x82: {  	_ =	swait.ge [sflag:s19], $0x4000  }
0x83: {  	[sflag:s19] =	ssyncset.done $0x0  }
0x84: {  	[sflag:s19] =	ssyncadd.s32 $0xFFFFC000  }
0x85: {  	[tilespmem:s14], [sflag:$0x1] =	stream.indirect.gather [hbm4b:s3+s17], $0x80, s31, s17, $0xb8;
	[tilespmem:$0x1CC80] =	vst v63  }
0x86: {  	_ =	swait.ge [sflag:s21], $0x4000  }
0x87: {  	[sflag:s21] =	ssyncset.done $0x0  }
0x88: {  	[sflag:s21] =	ssyncadd.s32 $0xFFFFC000  }
0x89: {  	[tilespmem:s18], [sflag:$0x2] =	stream.indirect.gather [hbm4b:s3+s17], $0x80, s0, s17, $0xb8;
	[tilespmem:$0x1CC80] =	vst v63  }
0x8a: {  	_ =	swait.ge [sflag:s19], $0x4000  }
0x8b: {  	[sflag:s19] =	ssyncset.done $0x0  }
0x8c: {  	[sflag:s19] =	ssyncadd.s32 $0xFFFFC000  }
0x8d: {  	[tilespmem:s14], [sflag:$0x1] =	stream.indirect.gather [hbm4b:s3+s17], $0x80, s1, s17, $0xb8;
	[tilespmem:$0x1CC80] =	vst v63  }
0x8e: {  	_ =	swait.ge [sflag:s21], $0x4000  }
0x8f: {  	[sflag:s21] =	ssyncset.done $0x0  }
0x90: {  	[sflag:s21] =	ssyncadd.s32 $0xFFFFC000  }
0x91: {  	[tilespmem:s18], [sflag:$0x2] =	stream.indirect.gather [hbm4b:s3+s17], $0x80, s5, s17, $0xb8;
	[tilespmem:$0x1CC80] =	vst v63  }
0x92: {  	_ =	swait.ge [sflag:s19], $0x4000  }
0x93: {  	[sflag:s19] =	ssyncset.done $0x0  }
0x94: {  	[sflag:s19] =	ssyncadd.s32 $0xFFFFC000  }
0x95: {  	[tilespmem:s14], [sflag:$0x1] =	stream.indirect.gather [hbm4b:s3+s17], $0x80, s6, s17, $0xb8;
	[tilespmem:$0x1CC80] =	vst v63  }
0x96: {  	_ =	swait.ge [sflag:s21], $0x4000  }
0x97: {  	[sflag:s21] =	ssyncset.done $0x0  }
0x98: {  	[sflag:s21] =	ssyncadd.s32 $0xFFFFC000  }
0x99: {  	[tilespmem:s18], [sflag:$0x2] =	stream.indirect.gather [hbm4b:s3+s17], $0x80, s7, s17, $0xb8;
	[tilespmem:$0x1CC80] =	vst v63  }
0x9a: {  	_ =	swait.ge [sflag:s19], $0x4000  }
0x9b: {  	[sflag:s19] =	ssyncset.done $0x0  }
0x9c: {  	[sflag:s19] =	ssyncadd.s32 $0xFFFFC000  }
0x9d: {  	[tilespmem:s14], [sflag:$0x1] =	stream.indirect.gather [hbm4b:s3+s17], $0x80, s8, s17, $0xb8;
	[tilespmem:$0x1CC80] =	vst v63  }
0x9e: {  	_ =	swait.ge [sflag:s21], $0x4000  }
0x9f: {  	[sflag:s21] =	ssyncset.done $0x0  }
0xa0: {  	[sflag:s21] =	ssyncadd.s32 $0xFFFFC000  }
0xa1: {  	[tilespmem:s18], [sflag:$0x2] =	stream.indirect.gather [hbm4b:s3+s17], $0x80, s9, s17, $0xb8;
	[tilespmem:$0x1CC80] =	vst v63  }
0xa2: {  	_ =	swait.ge [sflag:s19], $0x4000  }
0xa3: {  	[sflag:s19] =	ssyncset.done $0x0  }
0xa4: {  	[sflag:s19] =	ssyncadd.s32 $0xFFFFC000  }
0xa5: {  	[tilespmem:s14], [sflag:$0x1] =	stream.indirect.gather [hbm4b:s3+s17], $0x80, s10, s17, $0xb8;
	[tilespmem:$0x1CC80] =	vst v63  }
0xa6: {  	_ =	swait.ge [sflag:s21], $0x4000  }
0xa7: {  	[sflag:s21] =	ssyncset.done $0x0  }
0xa8: {  	[sflag:s21] =	ssyncadd.s32 $0xFFFFC000  }
0xa9: {  	[tilespmem:s18], [sflag:$0x2] =	stream.indirect.gather [hbm4b:s3+s17], $0x80, s13, s17, $0xb8;
	[tilespmem:$0x1CC80] =	vst v63  }
0xaa: {  	_ =	swait.ge [sflag:s19], $0x4000  }
.Ltmp6:
0xab: {  	[sflag:s19] =	ssyncset.done $0x0;
	(pc) =	sbr.rel .LBB2_6-.Ltmp6, $4  }
0xac: {  	[sflag:s19] =	ssyncadd.s32 $0xFFFFC000  }
0xad: {  	_ =	swait.ge [sflag:s21], $0x4000  }
0xae: {  	[sflag:s21] =	ssyncset.done $0x0  }
0xaf: {  	[sflag:s21] =	ssyncadd.s32 $0xFFFFC000  }
.LBB2_8:
0xb0: {  	_ =	sfence.sel $0x180000  }
0xb1: {  	[bflag:$0x0] =	sbarrier.arrive $0xFFFF  }
0xb2: {  	_ =	strace $0x9000004D  }
0xb3: {  	s0 =	stileid.u32;
	[bflag:$0x2] =	sbarrier.arrive $0xFFFF  }
0xb4: {  	p0 =	sne.s32 s0, $0x0;
	s0 =	rddreg [dreg:$0x3]  }
0xb5: {  	s0 =	sadd.s32 @!p0 $0x100000, s0  }
0xb6: {  	[sflag:s0] =	ssyncadd.tile.s32 @!p0 $0x1;
	_ =	shalt  }
.Lfunc_end2:
_tile_overlayer_lowered:
.L_overlay_start_2:
0xb7: {  	(tag) =	ssettag $0x2  }
0xb8: {  	s0 =	rddreg [dreg:$0x0];
	s2 =	stileid.u32  }
0xb9: {  	s1 =	rddreg [dreg:$0x1];
	p0 =	sne.s32 s2, $0x0  }
0xba: {  	s3 =	rddreg [dreg:$0x2];
	[bflag:$0x3] =	sbarrier.arrive $0xFFFF;
	s2 =	simm.s32 @!p0 $0x1C03  }
0xbb: {  	[timem:s3], [sflag:s2] =	dma.local @!p0 [hbm:s0], s1  }
0xbc: {  	s0 =	simm.s32 @!p0 $0x3  }
0xbd: {  	_ =	swait.ge @!p0 [sflag:s0], s1  }
0xbe: {  	s1 =	ssub.s32 @!p0 $0x0, s1;
	[sflag:s0] =	ssyncset.done @!p0 $0x0  }
0xbf: {  	[sflag:s0] =	ssyncadd.s32 @!p0 s1  }
0xc0: {  	[bflag:$0x3] =	sbarrier.arrive $0xFFFF  }
0xc1: {  	_ =	shalt  }

// kernel: kernel.8.cloned.1.call-start
scs
__scs_entry_jumppad:
0x0: {  	(pc) =	sbr.rel $0x88, $3  }
0x1: {  	(tag) =	ssettag $0x0;
	lr =	simm.s32 $0x1  }
0x2: {  	[smem:$0x3F96] =	sst lr;
	_ =	strace $0xD0000000  }
0x3: {  	_ = 	snop  }
0x4: {  	_ = 	snop  }
0x5: {  	_ = 	snop  }
0x6: {  	_ = 	snop  }
0x7: {  	_ = 	snop  }
__scs_overlays_trampoline_lowered:
0x8: {  	[smem:$0x3FA5] =	sst s0  }
0x9: {  	[smem:$0x3FA6] =	sst s1  }
0xa: {  	[smem:$0x3FA7] =	sst s2  }
0xb: {  	[smem:$0x3FA8] =	sst s3  }
0xc: {  	[smem:$0x3FA9] =	sst s4  }
0xd: {  	[smem:$0x3FAA] =	sst s5  }
0xe: {  	[smem:$0x3FAB] =	sst s6  }
0xf: {  	[smem:$0x3FAC] =	sst s7  }
0x10: {  	[smem:$0x3FAD] =	sst s8  }
0x11: {  	[smem:$0x3FAE] =	sst s9;
	s0 =	simm.s32 @!p0 $0x0  }
0x12: {  	s1 =	sld [smem:$0x3F94];
	s0 =	simm.s32 @p0 $0x1  }
0x13: {  	[smem:$0x3FAF] =	sst s0;
	s0 =	simm.s32 @!p1 $0x0  }
0x14: {  	s2 =	sld [smem:$0x3F93];
	s0 =	simm.s32 @p1 $0x1  }
0x15: {  	[smem:$0x3FB0] =	sst s0;
	s0 =	simm.s32 @!p2 $0x0  }
0x16: {  	s3 =	sld [smem:$0x3FDB];
	s0 =	simm.s32 @p2 $0x1  }
0x17: {  	s4 =	simm.s32 $0x1BF5;
	[smem:$0x3FB2] =	sst s0  }
0x18: {  	s0 =	sld [smem:$0x3F95];
	_ =	swait.ge [sflag:s4], $0x0  }
0x19: {  	s7 =	sld [smem:$0x3F96]  }
0x1a: {  	s8 =	sadd.s32 $0xFFFFE003, lr  }
0x1b: {  	s9 =	sadd.s32 $0xFFFFFEF7, lr;
	s5 =	simm.s32 $0xFFFFFFFF;
	p2 =	slt.u32 s8, $0xFFFFF086  }
0x1c: {  	p1 =	slt.u32 s9, $0xF7A;
	s5 =	simm.s32 @!p2 $0x0  }
0x1d: {  	s5 =	simm.s32 @p1 $0x1;
	p0 =	seq.s32 s7, s2  }
0x1e: {  	s7 =	smul.u32 @!p0 $0xF7A, s2;
	p2 =	seq.s32 @!p0 s5, $0x0  }
0x1f: {  	s9 =	smul.u32 $0xF7A, s1;
	s8 =	simm.s32 @!p0 $0x1BF5;
	p2 =	por !p2, p0  }
0x20: {  	[sflag:s8] =	ssyncset.s32 @!p0 $0xFFFFF086;
	s6 =	sadd.s32 @!p0 s3, s7;
	s7 =	simm.s32 @!p0 $0x108  }
0x21: {  	s3 =	sadd.s32 s3, s9;
	s6 =	sadd.s32 @!p0 $0x88, s6;
	s7 =	simm.s32 @p2 $0x1082  }
0x22: {  	[simem:s7], [sflag:s8] =	dma.local @!p0 [hbm:s6], $0xF7A  }
0x23: {  	s9 =	sor.u32 $0xD0000000, s2;
	s6 =	simm.s32 $0x108;
	_ =	swait.ge @!p0 [sflag:s8], $0x0  }
0x24: {  	s3 =	sadd.s32 $0x88, s3;
	s6 =	simm.s32 @!p1 $0x1082;
	[sflag:s4] =	ssyncset.s32 $0xFFFFF086  }
0x25: {  	[simem:s6], [sflag:s4] =	dma.local [hbm:s3], $0xF7A  }
0x26: {  	[smem:$0x3F96] =	sst s1;
	(tag) =	ssettag s2;
	_ =	strace s9  }
0x27: {  	s1 =	sld [smem:$0x3FA6]  }
0x28: {  	s2 =	sld [smem:$0x3FA7]  }
0x29: {  	s4 =	sld [smem:$0x3FA9]  }
0x2a: {  	p0 =	seq.s32 s5, $0x0;
	s5 =	sld [smem:$0x3FAA]  }
0x2b: {  	s6 =	sld [smem:$0x3FAB]  }
0x2c: {  	s7 =	sld [smem:$0x3FAC]  }
0x2d: {  	s3 =	simm.s32 $0x108;
	s8 =	sld [smem:$0x3FAD]  }
0x2e: {  	s3 =	simm.s32 @!p0 $0x1082;
	s9 =	sld [smem:$0x3FAE]  }
0x2f: {  	lr =	sadd.s32 s0, s3;
	s0 =	sld [smem:$0x3FA5]  }
0x30: {  	s3 =	sld [smem:$0x3FA8]  }
0x31: {  	[smem:$0x3FB1] =	sst s10  }
0x32: {  	s10 =	sld [smem:$0x3FAF];
	_ =	sdelay $0x3  }
0x33: {  	p0 =	seq.s32 s10, $0x1;
	s10 =	sld [smem:$0x3FB1];
	_ =	sdelay $0x3  }
0x34: {  	[smem:$0x3FB1] =	sst s10  }
0x35: {  	s10 =	sld [smem:$0x3FB0];
	_ =	sdelay $0x3  }
0x36: {  	p1 =	seq.s32 s10, $0x1;
	s10 =	sld [smem:$0x3FB1];
	_ =	sdelay $0x3  }
0x37: {  	[smem:$0x3FB1] =	sst s10  }
0x38: {  	s10 =	sld [smem:$0x3FB2]  }
0x39: {  	_ = 	snop;
	(pc) =	sbr.ind lr, $3  }
0x3a: {  	_ = 	snop  }
0x3b: {  	_ = 	snop  }
0x3c: {  	p2 =	seq.s32 s10, $0x1;
	s10 =	sld [smem:$0x3FB1]  }
0x3d: {  	_ =	shalt  }
0x3e: {  	_ =	shalt  }
0x3f: {  	_ =	shalt  }
0x40: {  	_ =	shalt  }
0x41: {  	_ =	shalt  }
0x42: {  	_ =	shalt  }
0x43: {  	_ =	shalt  }
0x44: {  	_ =	shalt  }
0x45: {  	_ =	shalt  }
0x46: {  	_ =	shalt  }
0x47: {  	_ =	shalt  }
0x48: {  	_ =	shalt  }
0x49: {  	_ =	shalt  }
0x4a: {  	_ =	shalt  }
0x4b: {  	_ =	shalt  }
0x4c: {  	_ =	shalt  }
0x4d: {  	_ =	shalt  }
0x4e: {  	_ =	shalt  }
0x4f: {  	_ =	shalt  }
0x50: {  	_ =	shalt  }
0x51: {  	_ =	shalt  }
0x52: {  	_ =	shalt  }
0x53: {  	_ =	shalt  }
0x54: {  	_ =	shalt  }
0x55: {  	_ =	shalt  }
0x56: {  	_ =	shalt  }
0x57: {  	_ =	shalt  }
0x58: {  	_ =	shalt  }
0x59: {  	_ =	shalt  }
0x5a: {  	_ =	shalt  }
0x5b: {  	_ =	shalt  }
0x5c: {  	_ =	shalt  }
0x5d: {  	_ =	shalt  }
0x5e: {  	_ =	shalt  }
0x5f: {  	_ =	shalt  }
0x60: {  	_ =	shalt  }
0x61: {  	_ =	shalt  }
0x62: {  	_ =	shalt  }
0x63: {  	_ =	shalt  }
0x64: {  	_ =	shalt  }
0x65: {  	_ =	shalt  }
0x66: {  	_ =	shalt  }
0x67: {  	_ =	shalt  }
0x68: {  	_ =	shalt  }
0x69: {  	_ =	shalt  }
0x6a: {  	_ =	shalt  }
0x6b: {  	_ =	shalt  }
0x6c: {  	_ =	shalt  }
0x6d: {  	_ =	shalt  }
0x6e: {  	_ =	shalt  }
0x6f: {  	_ =	shalt  }
0x70: {  	_ =	shalt  }
0x71: {  	_ =	shalt  }
0x72: {  	_ =	shalt  }
0x73: {  	_ =	shalt  }
0x74: {  	_ =	shalt  }
0x75: {  	_ =	shalt  }
0x76: {  	_ =	shalt  }
0x77: {  	_ =	shalt  }
0x78: {  	_ =	shalt  }
0x79: {  	_ =	shalt  }
0x7a: {  	_ =	shalt  }
0x7b: {  	_ =	shalt  }
0x7c: {  	_ =	shalt  }
0x7d: {  	_ =	shalt  }
0x7e: {  	_ =	shalt  }
0x7f: {  	_ =	shalt  }
0x80: {  	_ =	shalt  }
0x81: {  	_ =	shalt  }
0x82: {  	_ =	shalt  }
0x83: {  	_ =	shalt  }
0x84: {  	_ =	shalt  }
0x85: {  	_ =	shalt  }
0x86: {  	_ =	shalt  }
0x87: {  	_ =	shalt  }
.Lfunc_end0:
.L_simem_size_0:
called_computation_lowered:
.L_overlay_start_0:
0x88: {  	s2 =	sld [smem:$0x3FD9]  }
0x89: {  	s3 =	sld [smem:$0x3FFE];
	_ =	sdelay $0x1  }
0x8a: {  	s1 =	srdreg.scid  }
0x8b: {  	s0 =	sand.u32 $0x1, s1  }
0x8c: {  	s14 =	sshll.u32 s0, $0xA;
	s2 =	sadd.s32 s3, s2  }
0x8d: {  	s2 =	sadd.s32 s2, s14  }
0x8e: {  	[smem:$0x3FBD] =	sst s2  }
0x8f: {  	_ = 	snop  }
0x90: {  	s2 =	sld [smem:$0x3FD0];
	_ =	sdelay $0x2  }
0x91: {  	s4 =	simm.s32 $0xA;
	s5 =	simm.s32 $0x10;
	s15 =	sld [smem:$0x3FC9]  }
0x92: {  	[smem:s5], [sflag:s4] =	dma.local [hbm:s2], $0x1  }
0x93: {  	_ =	swait.eq [sflag:s4], $0x1  }
0x94: {  	[sflag:s4] =	ssyncset.done $0x0  }
0x95: {  	[sflag:s4] =	ssyncadd.s32 $0xFFFFFFFF  }
0x96: {  	s16 =	sld [smem:$0x11];
	(tm) =	ssettm $0x1  }
0x97: {  	s17 =	sld [smem:$0x3FFB];
	_ =	sdelay $0x3  }
0x98: {  	_ =	strace s17  }
0x99: {  	s4 =	sld [smem:$0x3FFC];
	_ =	sdelay $0x3  }
0x9a: {  	_ =	strace s4  }
0x9b: {  	s4 =	sld [smem:$0x3FFD];
	_ =	sdelay $0x3  }
0x9c: {  	_ =	strace s4  }
0x9d: {  	_ =	strace $0x8FFFFFFF  }
0x9e: {  	s18 =	sld [smem:$0x3FDB];
	_ =	sdelay $0x1  }
0x9f: {  	s19 =	simm.s32 $_scs_section_size  }
0xa0: {  	s6 =	simm.s32 $_size__tile_overlayer_lowered;
	s7 =	simm.s32 $_tile_overlayer_lowered  }
0xa1: {  	s22 =	simm.s32 $0x1BFF;
	s21 =	sshll.u32 s7, $0x1;
	s4 =	sadd.s32 s19, s18  }
0xa2: {  	s8 =	simm.s32 $0x0;
	s20 =	sshll.u32 s6, $0x1;
	s6 =	sadd.s32 s21, s4  }
0xa3: {  	[timem:s8], [sflag:s22] =	dma.local [hbm:s6], s20  }
0xa4: {  	_ =	swait.ge [sflag:s22], s20  }
0xa5: {  	s5 =	ssub.s32 $0x0, s20;
	[sflag:s22] =	ssyncset.done $0x0  }
0xa6: {  	[sflag:s22] =	ssyncadd.s32 s5;
	_ =	sdelay $0x1  }
0xa7: {  	s23 =	simm.s32 $0x1B8B  }
0xa8: {  	_ =	swait.ge [sflag:s23], $0x1  }
0xa9: {  	[sflag:s23] =	ssyncset.done $0x0  }
0xaa: {  	s25 =	simm.s32 $0x1B8E;
	s24 =	sld [smem:$0x3FFE];
	[sflag:s23] =	ssyncadd.s32 $0xFFFFFFFF  }
0xab: {  	s26 =	simm.s32 $execute0_lowered;
	[smem:$0x3FD2] =	sst s25  }
0xac: {  	s6 =	sshll.u32 s26, $0x1;
	_ =	strace $0x80000046;
	[dreg:$0x1] =	wrdreg $0xFFFFFFFF  }
0xad: {  	s28 =	simm.s32 $_size_execute0_lowered;
	s4 =	sadd.s32 s4, s6;
	[dreg:$0x0] =	wrdreg $0x0  }
0xae: {  	s6 =	sshll.u32 s28, $0x1;
	[dreg:$0x2] =	wrdreg s4  }
0xaf: {  	[dreg:$0x3] =	wrdreg s6  }
0xb0: {  	[dreg:$0x4] =	wrdreg $0xC0  }
0xb1: {  	_ =	task [dreg:s8], $0x5FFFF  }
0xb2: {  	[dreg:$0x1] =	wrdreg $0xFFFFFFFF  }
0xb3: {  	[dreg:$0x0] =	wrdreg $0x60  }
0xb4: {  	[dreg:$0x2] =	wrdreg s24  }
0xb5: {  	[dreg:$0x3] =	wrdreg s15  }
0xb6: {  	[dreg:$0x4] =	wrdreg s16  }
0xb7: {  	[dreg:$0x5] =	wrdreg $0x94000  }
0xb8: {  	[dreg:$0x6] =	wrdreg $0x1D5800  }
0xb9: {  	[dreg:$0x7] =	wrdreg $0x9  }
0xba: {  	_ =	task.clear_ibuf [dreg:s8], $0x8FFFF;
	_ =	strace $0x90000046  }
0xbb: {  	s29 =	simm.s32 $0x9;
	_ =	strace $0x80000048  }
0xbc: {  	_ =	swait.ge [sflag:s29], $0x1  }
0xbd: {  	[sflag:s29] =	ssyncadd.s32 $0xFFFFFFFF  }
0xbe: {  	_ =	strace $0x90000048  }
0xbf: {  	_ =	sfence  }
0xc0: {  	s30 =	sld [smem:$0x0];
	_ =	sdelay $0x2  }
0xc1: {  	s31 =	sshll.u32 s1, $0xD;
	s1 =	sshrl.u32 s1, $0x2  }
0xc2: {  	s3 =	sand.u32 $0x4000, s31;
	s1 =	sadd.s32 s1, s30  }
0xc3: {  	s0 =	sor.u32 s3, s0;
	s1 =	sshll.u32 s1, $0x11  }
0xc4: {  	s0 =	sor.u32 s1, s0  }
0xc5: {  	s0 =	sadd.s32 $0x8F2B, s0  }
0xc6: {  	[sflag:s0] =	ssyncadd.remote.s32 $0x1  }
0xc7: {  	_ =	sfence.sel $0xFFFF  }
0xc8: {  	[dreg:$0x0] =	wrdreg $0xFFFFFFFF;
	(pc) =	sbr.abs _section_cstart, $3  }
0xc9: {  	[dreg:$0x1] =	wrdreg $0xFFFFFFFF  }
0xca: {  	_ =	task.clear_ibuf [dreg:s8], $0x2FFFF;
	_ =	strace $0x9FFFFFFF  }
0xcb: {  	(tm) =	ssettm $0x7FFFFFFF  }
tec
execute0_lowered:
.L_overlay_start_1:
0x0: {  	(tag) =	ssettag $0x1  }
0x1: {  	s0 =	rddreg [dreg:$0x0]  }
0x2: {  	s1 =	rddreg [dreg:$0x1]  }
0x3: {  	s4 =	rddreg [dreg:$0x2]  }
0x4: {  	s5 =	rddreg [dreg:$0x3]  }
0x5: {  	s3 =	srdreg.scid;
	s15 =	stileid.u32  }
0x6: {  	s2 =	rddreg [dreg:$0x4];
	s29 =	simm.s32 $0x1;
	s10 =	smul.u32 $0x4E200, s15  }
0x7: {  	s30 =	simm.s32 $0x3;
	s28 =	simm.s32 $0x1180;
	s13 =	smul.u32 $0x9C40, s15  }
0x8: {  	s31 =	simm.s32 $0x800;
	s6 =	sand.u32 $0x1, s3;
	s23 =	smul.u32 $0x13880, s15  }
0x9: {  	s3 =	simm.s32 $0x0;
	s9 =	sadd.s32 $0x21E00, s0;
	s25 =	smul.u32 $0x2710, s15  }
0xa: {  	s11 =	sadd.s32 $0x17E00, s0;
	s7 =	smul.u32 $0x5000, s6;
	[smem:$0x7FF] =	sst s3  }
0xb: {  	s20 =	ssub.s32 $0x2, s6;
	p0 =	seq.s32 s6, $0x1;
	s6 =	smul.u32 $0x500, s6  }
0xc: {  	_ =	strace $0x80000047;
	s12 =	sshrl.u32 s20, $0x1;
	s21 =	sshrl.u32 s10, $0x2  }
0xd: {  	s22 =	sshrl.u32 s13, $0x2;
	s26 =	sshrl.u32 s23, $0x3;
	s18 =	sshrl.u32 s25, $0x3  }
0xe: {  	s13 =	sadd.s32 s25, s2;
	s4 =	smov.u32 @p0 s9;
	s9 =	simm.s32 $0x1280  }
0xf: {  	s10 =	simm.s32 $0x900;
	s8 =	sadd.s32 s7, s0;
	s0 =	sadd.s32 $0x1CE00, s0  }
0x10: {  	s12 =	ssub.s32 s20, s12;
	s16 =	sadd.s32 s21, s5;
	s7 =	sadd.s32 s22, s2  }
0x11: {  	s5 =	sadd.s32 s23, s5;
	s4 =	sadd.s32 s4, s26;
	[dreg:$0x6] =	wrdreg s16  }
0x12: {  	s20 =	smul.u32 $0x500, s15;
	s26 =	sshrl.u32 s13, $0x3;
	[dreg:$0xd] =	wrdreg s4  }
0x13: {  	s22 =	smul.u32 $0x50, s15;
	s24 =	sadd.s32 $0x10000, s16;
	[dreg:$0x11] =	wrdreg s26  }
0x14: {  	s13 =	simm.s32 $0x1380;
	s14 =	sadd.s32 $0x2700, s7;
	[dreg:$0x7] =	wrdreg s24  }
0x15: {  	s12 =	smax.u32 s12, $0x1;
	s19 =	sadd.s32 $0x4000, s16;
	[dreg:$0x8] =	wrdreg s14  }
0x16: {  	s17 =	sadd.s32 $0x8000, s16;
	s21 =	sadd.s32 $0xC000, s16;
	[dreg:$0x9] =	wrdreg s12  }
0x17: {  	s11 =	smov.u32 @p0 s0;
	s25 =	sshrl.u32 s5, $0x3;
	[dreg:$0xa] =	wrdreg s19  }
0x18: {  	s26 =	simm.s32 $0x5400;
	s4 =	simm.s32 $0x2;
	[dreg:$0xb] =	wrdreg s17  }
0x19: {  	s5 =	simm.s32 $0x780;
	[dreg:$0xc] =	wrdreg s21;
	s23 =	sadd.s32 s11, s18  }
0x1a: {  	s24 =	sadd.s32 s20, s8;
	s0 =	sadd.s32 s22, s6;
	s18 =	simm.s32 $0x1400  }
0x1b: {  	s19 =	simm.s32 $0x5;
	s20 =	simm.s32 $0x1D480;
	s21 =	simm.s32 $0xA00  }
.Ltmp0:
0x1c: {  	s22 =	simm.s32 $0x80;
	[dreg:$0x10] =	wrdreg s25;
	(pc) =	sbr.rel .LBB2_1-.Ltmp0, $4  }
0x1d: {  	s6 =	simm.s32 $0x4;
	s25 =	simm.s32 $0x1100;
	s8 =	simm.s32 $0x880  }
0x1e: {  	s11 =	simm.s32 $0x1300;
	s12 =	simm.s32 $0x980;
	s17 =	simm.s32 $0x0  }
0x1f: {  	[dreg:$0xe] =	wrdreg s23;
	s15 =	sadd.s32 $0x4200, s24;
	s16 =	sadd.s32 $0xE000, s24  }
0x20: {  	v0 =	vimm.f32 $0.0e+00;
	v1 =	vimm.f32 $1.000000000e+00;
	[dreg:$0xf] =	wrdreg s0;
	s23 =	simm.s32 $0x1CC80;
	s0 =	simm.s32 $0x1200  }
.LBB2_11:
0x21: {  	s14 =	stileid.u32;
	[bflag:$0x0] =	sbarrier.arrive $0xFFFF  }
0x22: {  	s14 =	sshll.u32 s14, $0x6;
	s17 =	rddreg [dreg:$0xd]  }
0x23: {  	s24 =	rddreg [dreg:$0x10];
	s14 =	sor.u32 $0x1C05, s14  }
0x24: {  	[hbm:s17], [sflag:s14] =	dma.local [spmem:s24], $0x2710  }
0x25: {  	_ =	swait.ge [sflag:s19], $0x2710  }
0x26: {  	[sflag:s19] =	ssyncset.done $0x0;
	s17 =	rddreg [dreg:$0xe]  }
0x27: {  	s24 =	rddreg [dreg:$0x11];
	[sflag:s19] =	ssyncadd.s32 $0xFFFFD8F0  }
0x28: {  	[hbm:s17], [sflag:s14] =	dma.local [spmem:s24], $0x4E2  }
0x29: {  	_ =	swait.ge [sflag:s19], $0x4E2  }
0x2a: {  	s14 =	rddreg [dreg:$0x12]  }
0x2b: {  	s24 =	rddreg [dreg:$0x9];
	s17 =	sadd.s32 $0x1, s14  }
0x2c: {  	p0 =	sne.s32 s17, s24  }
.Ltmp1:
0x2d: {  	_ = 	snop;
	(pc) =	sbr.rel @!p0 .LBB2_12-.Ltmp1, $3  }
0x2e: {  	_ =	sdelay $0x1  }
0x2f: {  	[sflag:s19] =	ssyncset.done $0x0  }
0x30: {  	[sflag:s19] =	ssyncadd.s32 $0xFFFFFB1E  }
.LBB2_1:
0x31: {  	[dreg:$0x12] =	wrdreg s17;
	s14 =	simm.s32 $0x0;
	s17 =	simm.s32 $0x200  }
.LBB2_2:
0x32: {  	p0 =	sne.s32 s17, $0xFE00;
	[tilespmem:s14+$0x1470] =	vst v0  }
0x33: {  	[tilespmem:s14+$0x1400] =	vst v0  }
0x34: {  	[tilespmem:s14+$0x1410] =	vst v0  }
.Ltmp2:
0x35: {  	[tilespmem:s14+$0x1420] =	vst v0;
	(pc) =	sbr.rel @p0 .LBB2_2-.Ltmp2, $4  }
0x36: {  	[tilespmem:s14+$0x1430] =	vst v0  }
0x37: {  	[tilespmem:s14+$0x1440] =	vst v0  }
0x38: {  	[tilespmem:s14+$0x1450] =	vst v0  }
0x39: {  	[tilespmem:s14+$0x1460] =	vst v0;
	s14 =	sshra.s32 s17, $0x2;
	s17 =	sadd.s32 $0x200, s17  }
0x3a: {  	[tilespmem:s14+$0x1470] =	vst v0  }
0x3b: {  	[tilespmem:s14+$0x1400] =	vst v0  }
0x3c: {  	[tilespmem:s14+$0x1410] =	vst v0  }
0x3d: {  	[tilespmem:s14+$0x1420] =	vst v0  }
0x3e: {  	[tilespmem:s14+$0x1430] =	vst v0  }
0x3f: {  	[tilespmem:s14+$0x1440] =	vst v0  }
0x40: {  	[tilespmem:s14+$0x1450] =	vst v0  }
0x41: {  	[tilespmem:s14+$0x1460] =	vst v0;
	s24 =	rddreg [dreg:$0x6]  }
0x42: {  	[spmem:s24] =	stream.linear.scatter [tilespmem:s18], [sflag:$0x5], $0x4000, $0x38;
	[tilespmem:$0x1FC90] =	vst v63  }
0x43: {  	_ =	swait.ge [sflag:s19], $0x4000  }
0x44: {  	[sflag:s19] =	ssyncset.done $0x0  }
0x45: {  	s17 =	rddreg [dreg:$0xa];
	[sflag:s19] =	ssyncadd.s32 $0xFFFFC000  }
0x46: {  	[spmem:s17] =	stream.linear.scatter [tilespmem:s18], [sflag:$0x5], $0x4000, $0x38;
	[tilespmem:$0x1FC90] =	vst v63  }
0x47: {  	_ =	swait.ge [sflag:s19], $0x4000  }
0x48: {  	[sflag:s19] =	ssyncset.done $0x0  }
0x49: {  	s24 =	rddreg [dreg:$0xb];
	[sflag:s19] =	ssyncadd.s32 $0xFFFFC000  }
0x4a: {  	[spmem:s24] =	stream.linear.scatter [tilespmem:s18], [sflag:$0x5], $0x4000, $0x38;
	[tilespmem:$0x1FC90] =	vst v63  }
0x4b: {  	_ =	swait.ge [sflag:s19], $0x4000  }
0x4c: {  	[sflag:s19] =	ssyncset.done $0x0  }
0x4d: {  	s17 =	rddreg [dreg:$0xc];
	[sflag:s19] =	ssyncadd.s32 $0xFFFFC000  }
0x4e: {  	[spmem:s17] =	stream.linear.scatter [tilespmem:s18], [sflag:$0x5], $0x4000, $0x38;
	[tilespmem:$0x1FC90] =	vst v63  }
0x4f: {  	_ =	swait.ge [sflag:s19], $0x4000  }
0x50: {  	[sflag:s19] =	ssyncset.done $0x0  }
0x51: {  	s24 =	rddreg [dreg:$0x7];
	[sflag:s19] =	ssyncadd.s32 $0xFFFFC000  }
0x52: {  	[spmem:s24] =	stream.linear.scatter [tilespmem:s18], [sflag:$0x5], $0x3880, $0x38;
	[tilespmem:$0x1FC90] =	vst v63  }
0x53: {  	_ =	swait.ge [sflag:s19], $0x3880  }
0x54: {  	[sflag:s19] =	ssyncset.done $0x0  }
0x55: {  	s14 =	simm.s32 $0x40;
	s17 =	simm.s32 $0x0;
	[sflag:s19] =	ssyncadd.s32 $0xFFFFC780  }
.LBB2_4:
0x56: {  	p0 =	sne.s32 s14, $0x1FC0;
	[tilespmem:s17+$0x1CC80] =	vst v1;
	s17 =	smov.u32 s14;
	s14 =	sadd.s32 $0x40, s14  }
.Ltmp3:
0x57: {  	(pc) =	sbr.rel @p0 .LBB2_4-.Ltmp3, $2  }
0x58: {  	_ =	sdelay $0x2  }
0x59: {  	s17 =	sshra.s32 s17, $0x2  }
0x5a: {  	[tilespmem:s17+$0x1CC80] =	vst v1  }
0x5b: {  	[tilespmem:$0x1D480] =	vst v0  }
0x5c: {  	[tilespmem:$0x1D490] =	vst v0  }
0x5d: {  	[tilespmem:$0x1D4A0] =	vst v0  }
0x5e: {  	[tilespmem:$0x1D4B0] =	vst v0  }
0x5f: {  	[tilespmem:$0x1D4C0] =	vst v0  }
0x60: {  	[tilespmem:$0x1D4D0] =	vst v0  }
0x61: {  	[tilespmem:$0x1D4E0] =	vst v0  }
0x62: {  	[tilespmem:$0x1D4F0] =	vst v0  }
0x63: {  	[tilespmem:$0x1D500] =	vst v0  }
0x64: {  	[tilespmem:$0x1D510] =	vst v0  }
0x65: {  	[tilespmem:$0x1D520] =	vst v0  }
0x66: {  	[tilespmem:$0x1D530] =	vst v0  }
0x67: {  	[tilespmem:$0x1D540] =	vst v0  }
0x68: {  	[tilespmem:$0x1D550] =	vst v0  }
0x69: {  	[tilespmem:$0x1D560] =	vst v0  }
0x6a: {  	s14 =	sadd.s32 $0x0, s7;
	[tilespmem:$0x1D570] =	vst v0  }
0x6b: {  	[spmem:s14] =	stream.linear.scatter [tilespmem:s20], [sflag:$0x5], $0x100, $0x38;
	[tilespmem:$0x1FC90] =	vst v63  }
0x6c: {  	s14 =	simm.s32 $0x400;
	_ =	swait.ge [sflag:s19], $0x100  }
.LBB2_6:
0x6d: {  	s17 =	sshra.s32 s14, $0x2;
	[sflag:s19] =	ssyncset.done $0x0;
	p0 =	sne.s32 s14, $0x9800  }
.Ltmp4:
0x6e: {  	s17 =	sadd.s32 s17, s7;
	[sflag:s19] =	ssyncadd.s32 $0xFFFFFF00;
	(pc) =	sbr.rel @p0 .LBB2_6-.Ltmp4, $3  }
0x6f: {  	[spmem:s17] =	stream.linear.scatter [tilespmem:s20], [sflag:$0x5], $0x100, $0x38;
	[tilespmem:$0x1FC90] =	vst v63  }
0x70: {  	s14 =	sadd.s32 $0x400, s14;
	_ =	sdelay $0x1  }
0x71: {  	_ =	swait.ge [sflag:s19], $0x100  }
0x72: {  	[sflag:s19] =	ssyncset.done $0x0  }
0x73: {  	s14 =	rddreg [dreg:$0x8];
	[sflag:s19] =	ssyncadd.s32 $0xFFFFFF00  }
0x74: {  	[spmem:s14] =	stream.linear.scatter [tilespmem:s20], [sflag:$0x5], $0x10, $0x38;
	[tilespmem:$0x1FC90] =	vst v63  }
.Ltmp5:
0x75: {  	_ =	swait.ge [sflag:s19], $0x10;
	(pc) =	sbr.rel .LBB2_8-.Ltmp5, $4  }
0x76: {  	[sflag:s19] =	ssyncset.done $0x0  }
0x77: {  	[sflag:s19] =	ssyncadd.s32 $0xFFFFFFF0  }
0x78: {  	[bflag:$0x0] =	sbarrier.arrive $0xFFFF  }
0x79: {  	s14 =	simm.s32 $0x0;
	s17 =	rddreg [dreg:$0xf]  }
.LBB2_10:
0x7a: {  	s14 =	sadd.s32 $0x140, s14  }
0x7b: {  	p0 =	sne.s32 s14, $0x500  }
.Ltmp6:
0x7c: {  	_ = 	snop;
	(pc) =	sbr.rel @!p0 .LBB2_11-.Ltmp6, $2  }
0x7d: {  	_ =	sdelay $0x2  }
0x7e: {  	s17 =	sadd.s32 $0x14, s17  }
.LBB2_8:
0x7f: {  	p0 =	sgt.u32 s17, $0x9C3  }
.Ltmp7:
0x80: {  	_ = 	snop;
	(pc) =	sbr.rel @p0 .LBB2_10-.Ltmp7, $1  }
0x81: {  	_ =	sdelay $0x3  }
0x82: {  	s24 =	sadd.s32 s14, s16  }
0x83: {  	[tilespmem:s3], [sflag:$0x5] =	stream.linear.gather [hbm4b:s24+s3], $0xA00, $0x38;
	[tilespmem:$0x1FC90] =	vst v63  }
0x84: {  	_ =	swait.ge [sflag:s19], $0xA00  }
0x85: {  	[sflag:s19] =	ssyncset.done $0x0  }
0x86: {  	s24 =	sadd.s32 s14, s15;
	[sflag:s19] =	ssyncadd.s32 $0xFFFFF600  }
0x87: {  	[tilespmem:s21], [sflag:$0x5] =	stream.linear.gather [hbm4b:s24+s3], $0xA00, $0x38;
	[tilespmem:$0x1FC90] =	vst v63  }
0x88: {  	_ =	swait.ge [sflag:s19], $0xA00  }
0x89: {  	[sflag:s19] =	ssyncset.done $0x0  }
0x8a: {  	[sflag:s19] =	ssyncadd.s32 $0xFFFFF600  }
0x8b: {  	[tilespmem:s18], [sflag:$0x1] =	stream.indirect.gather [hbm4b:s1+s22], $0x80, s3, s22, $0xb8;
	[tilespmem:$0x1FC90] =	vst v63  }
0x8c: {  	_ = 	snop  }
0x8d: {  	[spmem:s2] =	stream.indirect.scatter.add.f32 [tilespmem:s23], [sflag:$0x3], $0x10, s21, s22, $0xb8;
	[tilespmem:$0x1FC90] =	vst v63  }
0x8e: {  	_ = 	snop  }
0x8f: {  	[tilespmem:s26], [sflag:$0x2] =	stream.indirect.gather [hbm4b:s1+s22], $0x80, s22, s22, $0xb8;
	[tilespmem:$0x1FC90] =	vst v63  }
0x90: {  	s24 =	simm.s32 $0xA80  }
0x91: {  	[spmem:s2] =	stream.indirect.scatter.add.f32 [tilespmem:s23], [sflag:$0x4], $0x10, s24, s22, $0xb8;
	[tilespmem:$0x1FC90] =	vst v63  }
0x92: {  	_ =	swait.ge [sflag:s29], $0x4000  }
0x93: {  	[sflag:s29] =	ssyncset.done $0x0  }
0x94: {  	[sflag:s29] =	ssyncadd.s32 $0xFFFFC000  }
0x95: {  	_ =	swait.ge [sflag:s30], $0x800  }
0x96: {  	[sflag:s30] =	ssyncset.done $0x0  }
0x97: {  	s24 =	simm.s32 $0x100;
	[sflag:s30] =	ssyncadd.s32 $0xFFFFF800  }
0x98: {  	[tilespmem:s18], [sflag:$0x1] =	stream.indirect.gather [hbm4b:s1+s22], $0x80, s24, s22, $0xb8;
	[tilespmem:$0x1FC90] =	vst v63  }
0x99: {  	s24 =	simm.s32 $0xB00  }
0x9a: {  	[spmem:s2] =	stream.indirect.scatter.add.f32 [tilespmem:s23], [sflag:$0x3], $0x10, s24, s22, $0xb8;
	[tilespmem:$0x1FC90] =	vst v63  }
0x9b: {  	_ =	swait.ge [sflag:s4], $0x4000  }
0x9c: {  	[sflag:s4] =	ssyncset.done $0x0  }
0x9d: {  	[sflag:s4] =	ssyncadd.s32 $0xFFFFC000  }
0x9e: {  	_ =	swait.ge [sflag:s6], $0x800  }
0x9f: {  	[sflag:s6] =	ssyncset.done $0x0  }
0xa0: {  	s24 =	simm.s32 $0x180;
	[sflag:s6] =	ssyncadd.s32 $0xFFFFF800  }
0xa1: {  	[tilespmem:s26], [sflag:$0x2] =	stream.indirect.gather [hbm4b:s1+s22], $0x80, s24, s22, $0xb8;
	[tilespmem:$0x1FC90] =	vst v63  }
0xa2: {  	s24 =	simm.s32 $0xB80  }
0xa3: {  	[spmem:s2] =	stream.indirect.scatter.add.f32 [tilespmem:s23], [sflag:$0x4], $0x10, s24, s22, $0xb8;
	[tilespmem:$0x1FC90] =	vst v63  }
0xa4: {  	_ =	swait.ge [sflag:s29], $0x4000  }
0xa5: {  	[sflag:s29] =	ssyncset.done $0x0  }
0xa6: {  	[sflag:s29] =	ssyncadd.s32 $0xFFFFC000  }
0xa7: {  	_ =	swait.ge [sflag:s30], $0x800  }
0xa8: {  	[sflag:s30] =	ssyncset.done $0x0  }
0xa9: {  	s24 =	simm.s32 $0x200;
	[sflag:s30] =	ssyncadd.s32 $0xFFFFF800  }
0xaa: {  	[tilespmem:s18], [sflag:$0x1] =	stream.indirect.gather [hbm4b:s1+s22], $0x80, s24, s22, $0xb8;
	[tilespmem:$0x1FC90] =	vst v63  }
0xab: {  	s24 =	simm.s32 $0xC00  }
0xac: {  	[spmem:s2] =	stream.indirect.scatter.add.f32 [tilespmem:s23], [sflag:$0x3], $0x10, s24, s22, $0xb8;
	[tilespmem:$0x1FC90] =	vst v63  }
0xad: {  	_ =	swait.ge [sflag:s4], $0x4000  }
0xae: {  	[sflag:s4] =	ssyncset.done $0x0  }
0xaf: {  	[sflag:s4] =	ssyncadd.s32 $0xFFFFC000  }
0xb0: {  	_ =	swait.ge [sflag:s6], $0x800  }
0xb1: {  	[sflag:s6] =	ssyncset.done $0x0  }
0xb2: {  	s24 =	simm.s32 $0x280;
	[sflag:s6] =	ssyncadd.s32 $0xFFFFF800  }
0xb3: {  	[tilespmem:s26], [sflag:$0x2] =	stream.indirect.gather [hbm4b:s1+s22], $0x80, s24, s22, $0xb8;
	[tilespmem:$0x1FC90] =	vst v63  }
0xb4: {  	s24 =	simm.s32 $0xC80  }
0xb5: {  	[spmem:s2] =	stream.indirect.scatter.add.f32 [tilespmem:s23], [sflag:$0x4], $0x10, s24, s22, $0xb8;
	[tilespmem:$0x1FC90] =	vst v63  }
0xb6: {  	_ =	swait.ge [sflag:s29], $0x4000  }
0xb7: {  	[sflag:s29] =	ssyncset.done $0x0  }
0xb8: {  	[sflag:s29] =	ssyncadd.s32 $0xFFFFC000  }
0xb9: {  	_ =	swait.ge [sflag:s30], $0x800  }
0xba: {  	[sflag:s30] =	ssyncset.done $0x0  }
0xbb: {  	s24 =	simm.s32 $0x300;
	[sflag:s30] =	ssyncadd.s32 $0xFFFFF800  }
0xbc: {  	[tilespmem:s18], [sflag:$0x1] =	stream.indirect.gather [hbm4b:s1+s22], $0x80, s24, s22, $0xb8;
	[tilespmem:$0x1FC90] =	vst v63  }
0xbd: {  	s24 =	simm.s32 $0xD00  }
0xbe: {  	[spmem:s2] =	stream.indirect.scatter.add.f32 [tilespmem:s23], [sflag:$0x3], $0x10, s24, s22, $0xb8;
	[tilespmem:$0x1FC90] =	vst v63  }
0xbf: {  	_ =	swait.ge [sflag:s4], $0x4000  }
0xc0: {  	[sflag:s4] =	ssyncset.done $0x0  }
0xc1: {  	[sflag:s4] =	ssyncadd.s32 $0xFFFFC000  }
0xc2: {  	_ =	swait.ge [sflag:s6], $0x800  }
0xc3: {  	[sflag:s6] =	ssyncset.done $0x0  }
0xc4: {  	s24 =	simm.s32 $0x380;
	[sflag:s6] =	ssyncadd.s32 $0xFFFFF800  }
0xc5: {  	[tilespmem:s26], [sflag:$0x2] =	stream.indirect.gather [hbm4b:s1+s22], $0x80, s24, s22, $0xb8;
	[tilespmem:$0x1FC90] =	vst v63  }
0xc6: {  	s24 =	simm.s32 $0xD80  }
0xc7: {  	[spmem:s2] =	stream.indirect.scatter.add.f32 [tilespmem:s23], [sflag:$0x4], $0x10, s24, s22, $0xb8;
	[tilespmem:$0x1FC90] =	vst v63  }
0xc8: {  	_ =	swait.ge [sflag:s29], $0x4000  }
0xc9: {  	[sflag:s29] =	ssyncset.done $0x0  }
0xca: {  	[sflag:s29] =	ssyncadd.s32 $0xFFFFC000  }
0xcb: {  	_ =	swait.ge [sflag:s30], $0x800  }
0xcc: {  	[sflag:s30] =	ssyncset.done $0x0  }
0xcd: {  	s24 =	simm.s32 $0x400;
	[sflag:s30] =	ssyncadd.s32 $0xFFFFF800  }
0xce: {  	[tilespmem:s18], [sflag:$0x1] =	stream.indirect.gather [hbm4b:s1+s22], $0x80, s24, s22, $0xb8;
	[tilespmem:$0x1FC90] =	vst v63  }
0xcf: {  	s24 =	simm.s32 $0xE00  }
0xd0: {  	[spmem:s2] =	stream.indirect.scatter.add.f32 [tilespmem:s23], [sflag:$0x3], $0x10, s24, s22, $0xb8;
	[tilespmem:$0x1FC90] =	vst v63  }
0xd1: {  	_ =	swait.ge [sflag:s4], $0x4000  }
0xd2: {  	[sflag:s4] =	ssyncset.done $0x0  }
0xd3: {  	[sflag:s4] =	ssyncadd.s32 $0xFFFFC000  }
0xd4: {  	_ =	swait.ge [sflag:s6], $0x800  }
0xd5: {  	[sflag:s6] =	ssyncset.done $0x0  }
0xd6: {  	s24 =	simm.s32 $0x480;
	[sflag:s6] =	ssyncadd.s32 $0xFFFFF800  }
0xd7: {  	[tilespmem:s26], [sflag:$0x2] =	stream.indirect.gather [hbm4b:s1+s22], $0x80, s24, s22, $0xb8;
	[tilespmem:$0x1FC90] =	vst v63  }
0xd8: {  	s24 =	simm.s32 $0xE80  }
0xd9: {  	[spmem:s2] =	stream.indirect.scatter.add.f32 [tilespmem:s23], [sflag:$0x4], $0x10, s24, s22, $0xb8;
	[tilespmem:$0x1FC90] =	vst v63  }
0xda: {  	_ =	swait.ge [sflag:s29], $0x4000  }
0xdb: {  	[sflag:s29] =	ssyncset.done $0x0  }
0xdc: {  	[sflag:s29] =	ssyncadd.s32 $0xFFFFC000  }
0xdd: {  	_ =	swait.ge [sflag:s30], $0x800  }
0xde: {  	[sflag:s30] =	ssyncset.done $0x0  }
0xdf: {  	s24 =	simm.s32 $0x500;
	[sflag:s30] =	ssyncadd.s32 $0xFFFFF800  }
0xe0: {  	[tilespmem:s18], [sflag:$0x1] =	stream.indirect.gather [hbm4b:s1+s22], $0x80, s24, s22, $0xb8;
	[tilespmem:$0x1FC90] =	vst v63  }
0xe1: {  	s24 =	simm.s32 $0xF00  }
0xe2: {  	[spmem:s2] =	stream.indirect.scatter.add.f32 [tilespmem:s23], [sflag:$0x3], $0x10, s24, s22, $0xb8;
	[tilespmem:$0x1FC90] =	vst v63  }
0xe3: {  	_ =	swait.ge [sflag:s4], $0x4000  }
0xe4: {  	[sflag:s4] =	ssyncset.done $0x0  }
0xe5: {  	[sflag:s4] =	ssyncadd.s32 $0xFFFFC000  }
0xe6: {  	_ =	swait.ge [sflag:s6], $0x800  }
0xe7: {  	[sflag:s6] =	ssyncset.done $0x0  }
0xe8: {  	s24 =	simm.s32 $0x580;
	[sflag:s6] =	ssyncadd.s32 $0xFFFFF800  }
0xe9: {  	[tilespmem:s26], [sflag:$0x2] =	stream.indirect.gather [hbm4b:s1+s22], $0x80, s24, s22, $0xb8;
	[tilespmem:$0x1FC90] =	vst v63  }
0xea: {  	s24 =	simm.s32 $0xF80  }
0xeb: {  	[spmem:s2] =	stream.indirect.scatter.add.f32 [tilespmem:s23], [sflag:$0x4], $0x10, s24, s22, $0xb8;
	[tilespmem:$0x1FC90] =	vst v63  }
0xec: {  	_ =	swait.ge [sflag:s29], $0x4000  }
0xed: {  	[sflag:s29] =	ssyncset.done $0x0  }
0xee: {  	[sflag:s29] =	ssyncadd.s32 $0xFFFFC000  }
0xef: {  	_ =	swait.ge [sflag:s30], $0x800  }
0xf0: {  	[sflag:s30] =	ssyncset.done $0x0  }
0xf1: {  	s24 =	simm.s32 $0x600;
	[sflag:s30] =	ssyncadd.s32 $0xFFFFF800  }
0xf2: {  	[tilespmem:s18], [sflag:$0x1] =	stream.indirect.gather [hbm4b:s1+s22], $0x80, s24, s22, $0xb8;
	[tilespmem:$0x1FC90] =	vst v63  }
0xf3: {  	s24 =	simm.s32 $0x1000  }
0xf4: {  	[spmem:s2] =	stream.indirect.scatter.add.f32 [tilespmem:s23], [sflag:$0x3], $0x10, s24, s22, $0xb8;
	[tilespmem:$0x1FC90] =	vst v63  }
0xf5: {  	_ =	swait.ge [sflag:s4], $0x4000  }
0xf6: {  	[sflag:s4] =	ssyncset.done $0x0  }
0xf7: {  	[sflag:s4] =	ssyncadd.s32 $0xFFFFC000  }
0xf8: {  	_ =	swait.ge [sflag:s6], $0x800  }
0xf9: {  	[sflag:s6] =	ssyncset.done $0x0  }
0xfa: {  	s24 =	simm.s32 $0x680;
	[sflag:s6] =	ssyncadd.s32 $0xFFFFF800  }
0xfb: {  	[tilespmem:s26], [sflag:$0x2] =	stream.indirect.gather [hbm4b:s1+s22], $0x80, s24, s22, $0xb8;
	[tilespmem:$0x1FC90] =	vst v63  }
0xfc: {  	s24 =	simm.s32 $0x1080  }
0xfd: {  	[spmem:s2] =	stream.indirect.scatter.add.f32 [tilespmem:s23], [sflag:$0x4], $0x10, s24, s22, $0xb8;
	[tilespmem:$0x1FC90] =	vst v63  }
0xfe: {  	_ =	swait.ge [sflag:s29], $0x4000  }
0xff: {  	[sflag:s29] =	ssyncset.done $0x0  }
0x100: {  	[sflag:s29] =	ssyncadd.s32 $0xFFFFC000  }
0x101: {  	_ =	swait.ge [sflag:s30], $0x800  }
0x102: {  	[sflag:s30] =	ssyncset.done $0x0  }
0x103: {  	s24 =	simm.s32 $0x700;
	[sflag:s30] =	ssyncadd.s32 $0xFFFFF800  }
0x104: {  	[tilespmem:s18], [sflag:$0x1] =	stream.indirect.gather [hbm4b:s1+s22], $0x80, s24, s22, $0xb8;
	[tilespmem:$0x1FC90] =	vst v63  }
0x105: {  	_ = 	snop  }
0x106: {  	[spmem:s2] =	stream.indirect.scatter.add.f32 [tilespmem:s23], [sflag:$0x3], $0x10, s25, s22, $0xb8;
	[tilespmem:$0x1FC90] =	vst v63  }
0x107: {  	_ =	swait.ge [sflag:s4], $0x4000  }
0x108: {  	[sflag:s4] =	ssyncset.done $0x0  }
0x109: {  	[sflag:s4] =	ssyncadd.s32 $0xFFFFC000  }
0x10a: {  	_ =	swait.ge [sflag:s6], $0x800  }
0x10b: {  	[sflag:s6] =	ssyncset.done $0x0  }
0x10c: {  	[sflag:s6] =	ssyncadd.s32 $0xFFFFF800  }
0x10d: {  	[tilespmem:s26], [sflag:$0x2] =	stream.indirect.gather [hbm4b:s1+s22], $0x80, s5, s22, $0xb8;
	[tilespmem:$0x1FC90] =	vst v63  }
0x10e: {  	_ = 	snop  }
0x10f: {  	[spmem:s2] =	stream.indirect.scatter.add.f32 [tilespmem:s23], [sflag:$0x4], $0x10, s28, s22, $0xb8;
	[tilespmem:$0x1FC90] =	vst v63  }
0x110: {  	_ =	swait.ge [sflag:s29], $0x4000  }
0x111: {  	[sflag:s29] =	ssyncset.done $0x0  }
0x112: {  	[sflag:s29] =	ssyncadd.s32 $0xFFFFC000  }
0x113: {  	_ =	swait.ge [sflag:s30], $0x800  }
0x114: {  	[sflag:s30] =	ssyncset.done $0x0  }
0x115: {  	[sflag:s30] =	ssyncadd.s32 $0xFFFFF800  }
0x116: {  	[tilespmem:s18], [sflag:$0x1] =	stream.indirect.gather [hbm4b:s1+s22], $0x80, s31, s22, $0xb8;
	[tilespmem:$0x1FC90] =	vst v63  }
0x117: {  	_ = 	snop  }
0x118: {  	[spmem:s2] =	stream.indirect.scatter.add.f32 [tilespmem:s23], [sflag:$0x3], $0x10, s0, s22, $0xb8;
	[tilespmem:$0x1FC90] =	vst v63  }
0x119: {  	_ =	swait.ge [sflag:s4], $0x4000  }
0x11a: {  	[sflag:s4] =	ssyncset.done $0x0  }
0x11b: {  	[sflag:s4] =	ssyncadd.s32 $0xFFFFC000  }
0x11c: {  	_ =	swait.ge [sflag:s6], $0x800  }
0x11d: {  	[sflag:s6] =	ssyncset.done $0x0  }
0x11e: {  	[sflag:s6] =	ssyncadd.s32 $0xFFFFF800  }
0x11f: {  	[tilespmem:s26], [sflag:$0x2] =	stream.indirect.gather [hbm4b:s1+s22], $0x80, s8, s22, $0xb8;
	[tilespmem:$0x1FC90] =	vst v63  }
0x120: {  	_ = 	snop  }
0x121: {  	[spmem:s2] =	stream.indirect.scatter.add.f32 [tilespmem:s23], [sflag:$0x4], $0x10, s9, s22, $0xb8;
	[tilespmem:$0x1FC90] =	vst v63  }
0x122: {  	_ =	swait.ge [sflag:s29], $0x4000  }
0x123: {  	[sflag:s29] =	ssyncset.done $0x0  }
0x124: {  	[sflag:s29] =	ssyncadd.s32 $0xFFFFC000  }
0x125: {  	_ =	swait.ge [sflag:s30], $0x800  }
0x126: {  	[sflag:s30] =	ssyncset.done $0x0  }
0x127: {  	[sflag:s30] =	ssyncadd.s32 $0xFFFFF800  }
0x128: {  	[tilespmem:s18], [sflag:$0x1] =	stream.indirect.gather [hbm4b:s1+s22], $0x80, s10, s22, $0xb8;
	[tilespmem:$0x1FC90] =	vst v63  }
0x129: {  	_ = 	snop  }
0x12a: {  	[spmem:s2] =	stream.indirect.scatter.add.f32 [tilespmem:s23], [sflag:$0x3], $0x10, s11, s22, $0xb8;
	[tilespmem:$0x1FC90] =	vst v63  }
0x12b: {  	_ =	swait.ge [sflag:s4], $0x4000  }
0x12c: {  	[sflag:s4] =	ssyncset.done $0x0  }
0x12d: {  	[sflag:s4] =	ssyncadd.s32 $0xFFFFC000  }
0x12e: {  	_ =	swait.ge [sflag:s6], $0x800  }
0x12f: {  	[sflag:s6] =	ssyncset.done $0x0  }
0x130: {  	[sflag:s6] =	ssyncadd.s32 $0xFFFFF800  }
0x131: {  	[tilespmem:s26], [sflag:$0x2] =	stream.indirect.gather [hbm4b:s1+s22], $0x80, s12, s22, $0xb8;
	[tilespmem:$0x1FC90] =	vst v63  }
0x132: {  	_ = 	snop  }
0x133: {  	[spmem:s2] =	stream.indirect.scatter.add.f32 [tilespmem:s23], [sflag:$0x4], $0x10, s13, s22, $0xb8;
	[tilespmem:$0x1FC90] =	vst v63  }
0x134: {  	_ =	swait.ge [sflag:s29], $0x4000  }
0x135: {  	[sflag:s29] =	ssyncset.done $0x0  }
0x136: {  	[sflag:s29] =	ssyncadd.s32 $0xFFFFC000  }
0x137: {  	_ =	swait.ge [sflag:s30], $0x800  }
0x138: {  	[sflag:s30] =	ssyncset.done $0x0  }
0x139: {  	[sflag:s30] =	ssyncadd.s32 $0xFFFFF800  }
0x13a: {  	_ =	swait.ge [sflag:s4], $0x4000  }
.Ltmp8:
0x13b: {  	[sflag:s4] =	ssyncset.done $0x0;
	(pc) =	sbr.rel .LBB2_10-.Ltmp8, $4  }
0x13c: {  	[sflag:s4] =	ssyncadd.s32 $0xFFFFC000  }
0x13d: {  	_ =	swait.ge [sflag:s6], $0x800  }
0x13e: {  	[sflag:s6] =	ssyncset.done $0x0  }
0x13f: {  	[sflag:s6] =	ssyncadd.s32 $0xFFFFF800  }
.LBB2_12:
0x140: {  	_ =	sfence.sel $0x180000  }
0x141: {  	[bflag:$0x0] =	sbarrier.arrive $0xFFFF  }
0x142: {  	_ =	strace $0x90000047  }
0x143: {  	s0 =	stileid.u32;
	[bflag:$0x2] =	sbarrier.arrive $0xFFFF  }
0x144: {  	p0 =	sne.s32 s0, $0x0;
	s0 =	rddreg [dreg:$0x5]  }
0x145: {  	s0 =	sadd.s32 @!p0 $0x100000, s0  }
0x146: {  	[sflag:s0] =	ssyncadd.tile.s32 @!p0 $0x1;
	_ =	shalt  }
.Lfunc_end2:
_tile_overlayer_lowered:
.L_overlay_start_2:
0x147: {  	(tag) =	ssettag $0x2  }
0x148: {  	s0 =	rddreg [dreg:$0x0];
	s2 =	stileid.u32  }
0x149: {  	s1 =	rddreg [dreg:$0x1];
	p0 =	sne.s32 s2, $0x0  }
0x14a: {  	s3 =	rddreg [dreg:$0x2];
	[bflag:$0x3] =	sbarrier.arrive $0xFFFF;
	s2 =	simm.s32 @!p0 $0x1C05  }
0x14b: {  	[timem:s3], [sflag:s2] =	dma.local @!p0 [hbm:s0], s1  }
0x14c: {  	s0 =	simm.s32 @!p0 $0x5  }
0x14d: {  	_ =	swait.ge @!p0 [sflag:s0], s1  }
0x14e: {  	s1 =	ssub.s32 @!p0 $0x0, s1;
	[sflag:s0] =	ssyncset.done @!p0 $0x0  }
0x14f: {  	[sflag:s0] =	ssyncadd.s32 @!p0 s1  }
0x150: {  	[bflag:$0x3] =	sbarrier.arrive $0xFFFF  }
0x151: {  	_ =	shalt  }

</sc_bundles>
